<compile_context>
chip_gen: v7x
topology: tpu7x:2x2x1
jax: 0.10.2.dev20260603
libtpu: 0.0.44.dev20260713+nightly
codegen_flags: <defaults>
</compile_context>

<pallas_src>
import functools

import jax
import jax.numpy as jnp
from jax import lax
from jax.experimental import pallas as pl
from jax.experimental.pallas import tpu as pltpu
from jax.experimental.pallas import tpu_sc as plsc

B, S, H, I, E = 2, 2048, 1024, 512, 64
N = B * S
BT = 512
NT = N // BT
GT = 512
NG = N // GT
VMAX = 72
VPAD = 128
SCW = 128


def _silu(x):
    return x * jax.nn.sigmoid(x)


def _router_body(x_ref, gw_ref, score_ref, pos_ref, meta_ref,
                 oh_s, rank_s, cnt_s):
    t = pl.program_id(0)

    @pl.when(t == 0)
    def _():
        cnt_s[...] = jnp.zeros_like(cnt_s)

    x = x_ref[...]

    logits = x @ gw_ref[...]
    m = jnp.max(logits, axis=1, keepdims=True)
    eiota = lax.broadcasted_iota(jnp.int32, (BT, E), 1)
    ids = jnp.min(jnp.where(logits == m, eiota, E), axis=1, keepdims=True)
    score_ref[...] = jnp.broadcast_to(jax.nn.sigmoid(m), (BT, SCW))

    onehot = (ids == eiota).astype(jnp.float32)
    ri = lax.broadcasted_iota(jnp.int32, (BT, BT), 0)
    ci = lax.broadcasted_iota(jnp.int32, (BT, BT), 1)
    lt = (ci < ri).astype(jnp.bfloat16)
    prefix = lax.dot_general(
        lt, onehot.astype(jnp.bfloat16), (((1,), (0,)), ((), ())),
        preferred_element_type=jnp.float32)
    rc = cnt_s[...]
    rank = jnp.sum(onehot * (prefix + rc), axis=1, keepdims=True)
    cnt_s[...] = rc + jnp.sum(onehot, axis=0, keepdims=True)

    oh_s[pl.ds(t * BT, BT), :] = onehot
    rank_s[pl.ds(t * BT, BT), :] = rank

    @pl.when(t == NT - 1)
    def _epilogue():
        oh = oh_s[...]
        cnt_row = cnt_s[...]
        c_hi = jnp.floor(cnt_row * (1.0 / 256.0))
        c_lo = cnt_row - 256.0 * c_hi
        mr = lax.broadcasted_iota(jnp.int32, (E, E), 0)
        mc = lax.broadcasted_iota(jnp.int32, (E, E), 1)
        ut = (mr < mc).astype(jnp.float32)
        off_row = (c_hi @ ut) * 256.0 + c_lo @ ut

        pos = rank_s[...] + jnp.sum(
            oh * jnp.broadcast_to(off_row, (N, E)), axis=1, keepdims=True)
        pos_ref[...] = pos.astype(jnp.int32)

        base = lax.broadcasted_iota(jnp.int32, (NG, 1), 0) * GT
        offb = jnp.broadcast_to(off_row, (NG, E))
        elo = jnp.sum((offb <= base).astype(jnp.int32), axis=1,
                      keepdims=True) - 1
        ehi = jnp.sum((offb <= base + (GT - 1)).astype(jnp.int32), axis=1,
                      keepdims=True) - 1
        nv = (ehi - elo + 1).astype(jnp.float32)
        tr = lax.broadcasted_iota(jnp.int32, (NG, NG), 0)
        tc = lax.broadcasted_iota(jnp.int32, (NG, NG), 1)
        lt_t = (tc < tr).astype(jnp.float32)
        vstart = lt_t @ nv
        vtotal = jnp.sum(nv)

        vi = lax.broadcasted_iota(jnp.int32, (VPAD, 1), 0)
        vstart_row = lax.dot_general(
            nv, lt_t, (((0,), (1,)), ((), ())))
        vsb = jnp.broadcast_to(vstart_row, (VPAD, NG))
        vif = vi.astype(jnp.float32)
        tv = jnp.sum((vsb <= vif).astype(jnp.int32), axis=1,
                     keepdims=True) - 1
        tiota = lax.broadcasted_iota(jnp.int32, (VPAD, NG), 1)
        oh_tv = (tv == tiota).astype(jnp.float32)
        elo_v = oh_tv @ elo.astype(jnp.float32)
        ehi_v = oh_tv @ ehi.astype(jnp.float32)
        vstart_v = oh_tv @ vstart
        ev = elo_v + vif - vstart_v
        ev = jnp.minimum(ev, ehi_v)
        eviota = lax.broadcasted_iota(jnp.int32, (VPAD, E), 1)
        oh_ev = (ev.astype(jnp.int32) == eviota).astype(jnp.float32)
        offv = jnp.broadcast_to(off_row, (VPAD, E))
        cntv = jnp.broadcast_to(cnt_row, (VPAD, E))
        seg_start = jnp.sum(oh_ev * offv, axis=1, keepdims=True)
        seg_cnt = jnp.sum(oh_ev * cntv, axis=1, keepdims=True)
        tbase = tv.astype(jnp.float32) * GT
        valid = vif < vtotal
        rs = jnp.clip(seg_start - tbase, 0.0, float(GT))
        re = jnp.clip(seg_start + seg_cnt - tbase, 0.0, float(GT))
        rs = jnp.where(valid, rs, 0.0)
        re = jnp.where(valid, re, 0.0)

        meta = jnp.concatenate(
            [tv, ev.astype(jnp.int32), rs.astype(jnp.int32),
             re.astype(jnp.int32)], axis=1)
        meta_ref[...] = meta


def _router_shared(flat, gate_w):
    return pl.pallas_call(
        _router_body,
        grid=(NT,),
        in_specs=[
            pl.BlockSpec((BT, H), lambda t: (t, 0)),
            pl.BlockSpec((H, E), lambda t: (0, 0)),
        ],
        out_specs=[
            pl.BlockSpec((BT, SCW), lambda t: (t, 0)),
            pl.BlockSpec((N, 1), lambda t: (0, 0)),
            pl.BlockSpec((VPAD, 4), lambda t: (0, 0)),
        ],
        out_shape=[
            jax.ShapeDtypeStruct((N, SCW), jnp.float32),
            jax.ShapeDtypeStruct((N, 1), jnp.int32),
            jax.ShapeDtypeStruct((VPAD, 4), jnp.int32),
        ],
        scratch_shapes=[
            pltpu.VMEM((N, E), jnp.float32),
            pltpu.VMEM((N, 1), jnp.float32),
            pltpu.VMEM((1, E), jnp.float32),
        ],
    )(flat, gate_w)


def _grouped_body(meta_ref, xs_ref, sc_ref, wg_ref, wu_ref, wd_ref,
                  sg_ref, su_ref, sd_ref, out_ref):
    v = pl.program_id(0)
    vt = meta_ref[v, 0]
    vt_prev = meta_ref[jnp.maximum(v - 1, 0), 0]
    first = jnp.logical_or(v == 0, vt != vt_prev)
    rs = meta_ref[v, 2]
    re = meta_ref[v, 3]

    x = xs_ref[...]
    s = sc_ref[...][:, 0:1]
    xw = x * s
    ri = lax.broadcasted_iota(jnp.int32, (GT, 1), 0)
    msk = jnp.logical_and(ri >= rs, ri < re)
    xm = jnp.where(msk, xw, 0.0).astype(jnp.bfloat16)
    f32 = jnp.float32
    dot = functools.partial(lax.dot_general,
                            dimension_numbers=(((1,), (0,)), ((), ())),
                            preferred_element_type=f32)
    g = dot(xm, wg_ref[0].astype(jnp.bfloat16))
    u = dot(xm, wu_ref[0].astype(jnp.bfloat16))
    a = (_silu(g) * u).astype(jnp.bfloat16)
    y = dot(a, wd_ref[0].astype(jnp.bfloat16))

    @pl.when(first)
    def _():
        xb = x.astype(jnp.bfloat16)
        sh = _silu(dot(xb, sg_ref[...].astype(jnp.bfloat16))) * \
            dot(xb, su_ref[...].astype(jnp.bfloat16))
        out_ref[...] = dot(sh.astype(jnp.bfloat16),
                           sd_ref[...].astype(jnp.bfloat16)) + y

    @pl.when(jnp.logical_not(first))
    def _():
        out_ref[...] = out_ref[...] + y


def _grouped(meta, xs, scs, wg, wu, wd, sg, su, sd):
    grid_spec = pltpu.PrefetchScalarGridSpec(
        num_scalar_prefetch=1,
        grid=(VMAX,),
        in_specs=[
            pl.BlockSpec((GT, H), lambda v, m: (m[v, 0], 0)),
            pl.BlockSpec((GT, SCW), lambda v, m: (m[v, 0], 0)),
            pl.BlockSpec((1, H, I), lambda v, m: (m[v, 1], 0, 0)),
            pl.BlockSpec((1, H, I), lambda v, m: (m[v, 1], 0, 0)),
            pl.BlockSpec((1, I, H), lambda v, m: (m[v, 1], 0, 0)),
            pl.BlockSpec((H, I), lambda v, m: (0, 0)),
            pl.BlockSpec((H, I), lambda v, m: (0, 0)),
            pl.BlockSpec((I, H), lambda v, m: (0, 0)),
        ],
        out_specs=pl.BlockSpec((GT, H), lambda v, m: (m[v, 0], 0)),
    )
    return pl.pallas_call(
        _grouped_body,
        grid_spec=grid_spec,
        out_shape=jax.ShapeDtypeStruct((N, H), jnp.float32),
    )(meta, xs, scs, wg, wu, wd, sg, su, sd)


def _sc_mesh():
    return plsc.VectorSubcoreMesh(core_axis_name="c", subcore_axis_name="s")


_NW = 32
_RPW = N // _NW


def _scatter_rows(src, scores, pos):
    chunk = 16
    nch = _RPW // chunk

    @functools.partial(
        pl.kernel,
        out_type=(
            jax.ShapeDtypeStruct((N, H), jnp.float32),
            jax.ShapeDtypeStruct((N, SCW), jnp.float32),
        ),
        mesh=_sc_mesh(),
        scratch_types=[
            pltpu.VMEM((2, chunk), jnp.int32),
            pltpu.VMEM((2, chunk, H), jnp.float32),
            pltpu.VMEM((2, chunk, SCW), jnp.float32),
            pltpu.SemaphoreType.DMA,
            pltpu.SemaphoreType.DMA,
        ],
    )
    def k(src_hbm, sc_hbm, pos_hbm, outx_hbm, outs_hbm,
          idx_v, rows_v, srow_v, rsem, wsem):
        wid = lax.axis_index("s") * 2 + lax.axis_index("c")
        base = wid * _RPW

        def issue_reads(ch, b):
            off = base + ch * chunk
            return (
                pltpu.async_copy(pos_hbm.at[pl.ds(off, chunk)],
                                 idx_v.at[b], rsem),
                pltpu.async_copy(src_hbm.at[pl.ds(off, chunk)],
                                 rows_v.at[b], rsem),
                pltpu.async_copy(sc_hbm.at[pl.ds(off, chunk)],
                                 srow_v.at[b], rsem),
            )

        rh = issue_reads(0, 0)
        wh = None
        for ch in range(nch):
            b = ch % 2
            if wh is not None:
                for h in wh:
                    h.wait()
            rh_next = issue_reads(ch + 1, 1 - b) if ch + 1 < nch else None
            for h in rh:
                h.wait()
            wh = (
                pltpu.async_copy(rows_v.at[b], outx_hbm.at[idx_v.at[b]],
                                 wsem),
                pltpu.async_copy(srow_v.at[b], outs_hbm.at[idx_v.at[b]],
                                 wsem),
            )
            rh = rh_next
        for h in wh:
            h.wait()

    return k(src, scores, pos)


def _gather_rows(ys, pos):
    chunk = 32

    nch = _RPW // chunk

    @functools.partial(
        pl.kernel,
        out_type=jax.ShapeDtypeStruct((N, H), jnp.float32),
        mesh=_sc_mesh(),
        scratch_types=[
            pltpu.VMEM((2, chunk), jnp.int32),
            pltpu.VMEM((2, chunk, H), jnp.float32),
            pltpu.SemaphoreType.DMA,
            pltpu.SemaphoreType.DMA,
        ],
    )
    def k(ys_hbm, pos_hbm, out_hbm, idx_v, rows_v, rsem, wsem):
        wid = lax.axis_index("s") * 2 + lax.axis_index("c")
        base = wid * _RPW

        def issue_idx(ch, b):
            off = base + ch * chunk
            return pltpu.async_copy(pos_hbm.at[pl.ds(off, chunk)],
                                    idx_v.at[b], rsem)

        ih = issue_idx(0, 0)
        whb = [None, None]
        for ch in range(nch):
            b = ch % 2
            ih_next = issue_idx(ch + 1, 1 - b) if ch + 1 < nch else None
            ih.wait()
            if whb[b] is not None:
                whb[b].wait()
            pltpu.async_copy(ys_hbm.at[idx_v.at[b]], rows_v.at[b],
                             rsem).wait()
            whb[b] = pltpu.async_copy(
                rows_v.at[b], out_hbm.at[pl.ds(base + ch * chunk, chunk)],
                wsem)
            ih = ih_next
        for h in whb:
            if h is not None:
                h.wait()

    return k(ys, pos)


def kernel(hidden_states, gate_w, shared_gate_w, shared_up_w, shared_down_w,
           routed_gate_w, routed_up_w, routed_down_w):
    flat = hidden_states.reshape(N, H)
    scoreb, pos2d, meta = _router_shared(flat, gate_w)
    pos = pos2d.reshape(N)
    xs, scs = _scatter_rows(flat, scoreb, pos)
    ys = _grouped(meta, xs, scs, routed_gate_w, routed_up_w, routed_down_w,
                  shared_gate_w, shared_up_w, shared_down_w)
    out = _gather_rows(ys, pos)
    return out.reshape(B, S, H)

# --- scband reference (transcript-rebuilt; emitter-appended) ---
"""Pipeline reference for scband-llama4-mo-e-40922448396695 (READ-ONLY COPY).

The authoritative reference and input builder live on the scoring server;
editing this copy changes nothing except your own understanding.
"""

import jax, jax.numpy as jnp
import numpy as np

B, S, H, I, E = 2, 2048, 1024, 512, 64


def setup_inputs(seed: int = 0):
    key = jax.random.key(seed)
    ks = jax.random.split(key, 8)

    def w(k, shape):
        return jax.random.normal(k, shape, dtype=jnp.float32) * 0.02

    return {
        "hidden_states": jax.random.normal(ks[0], (B, S, H), dtype=jnp.float32),
        "gate_w": w(ks[1], (H, E)),
        "shared_gate_w": w(ks[2], (H, I)),
        "shared_up_w": w(ks[3], (H, I)),
        "shared_down_w": w(ks[4], (I, H)),
        "routed_gate_w": w(ks[5], (E, H, I)),
        "routed_up_w": w(ks[6], (E, H, I)),
        "routed_down_w": w(ks[7], (E, I, H)),
    }


def _silu(x):
    return x * jax.nn.sigmoid(x)


def reference(hidden_states, gate_w, shared_gate_w, shared_up_w, shared_down_w,
              routed_gate_w, routed_up_w, routed_down_w):
    bsz, seq, h = hidden_states.shape
    flat = hidden_states.reshape(-1, h)

    # shared experts (dense SwiGLU)
    shared = (_silu(flat @ shared_gate_w) * (flat @ shared_up_w)) @ shared_down_w

    # router: top-1
    logits = flat @ gate_w
    topk_w = jnp.max(logits, axis=1, keepdims=True)
    topk_ids = jnp.argmax(logits, axis=1)
    scores = jax.nn.sigmoid(topk_w)
    xw = flat * scores

    num_experts = routed_gate_w.shape[0]

    def step(acc, inputs):
        wg, wu, wd, e = inputs
        out = (_silu(xw @ wg) * (xw @ wu)) @ wd
        mask = (topk_ids == e)[:, None]
        return acc + jnp.where(mask, out, jnp.zeros_like(out)), None

    routed, _ = jax.lax.scan(
        step,
        jnp.zeros_like(flat),
        (routed_gate_w, routed_up_w, routed_down_w,
         jnp.arange(num_experts, dtype=topk_ids.dtype)),
    )

    return (shared + routed).reshape(bsz, seq, h)

if __name__ == "__main__":
    import jax
    _d = setup_inputs()
    print(jax.jit(kernel)(*tuple(_d.values())))

</pallas_src>

<mosaic_0001>
#map = affine_map<(d0, d1) -> (0, 0)>
#map1 = affine_map<(d0, d1) -> (0)>
module attributes {stable_mosaic.version = 14 : i64} {
  func.func @k(%arg0: i32, %arg1: i32, %arg2: memref<4096x1024xf32, #tpu.memory_space<hbm>>, %arg3: memref<4096x128xf32, #tpu.memory_space<hbm>>, %arg4: memref<4096xi32, #tpu.memory_space<hbm>>, %arg5: memref<4096x1024xf32, #tpu.memory_space<hbm>>, %arg6: memref<4096x128xf32, #tpu.memory_space<hbm>>, %arg7: memref<2x16xi32, #tpu.memory_space<vmem>>, %arg8: memref<2x16x1024xf32, #tpu.memory_space<vmem>>, %arg9: memref<2x16x128xf32, #tpu.memory_space<vmem>>, %arg10: memref<!tpu.dma_semaphore, #tpu.memory_space<semaphore_mem>>, %arg11: memref<!tpu.dma_semaphore, #tpu.memory_space<semaphore_mem>>) attributes {dimension_semantics = [#tpu.dimension_semantics<core_parallel>, #tpu.dimension_semantics<subcore_parallel>], iteration_bounds = array<i64: 2, 16>, scalar_prefetch = 0 : i64, scratch_operands = 5 : i64, tpu.core_type = #tpu.core_type<sc_vector_subcore>, window_params = [{transform_indices = #map}, {transform_indices = #map}, {transform_indices = #map1}, {transform_indices = #map}, {transform_indices = #map}]} {
    %mul3A = arith.constant 2 : i32
    %mul3A_0 = arith.muli %arg1, %mul3A : i32
    %add3A = arith.addi %mul3A_0, %arg0 : i32
    %mul3A_1 = arith.constant 128 : i32
    %mul3A_2 = arith.muli %add3A, %mul3A_1 : i32
    %add3A_3 = arith.constant 0 : i32
    %add3A_4 = arith.addi %mul3A_2, %add3A_3 : i32
    %dma_start3A = arith.constant 0 : i32
    %dma_start3A_5 = arith.constant 0 : i32
    %dma_start3A_6 = tpu.memref_slice %arg7[%dma_start3A, %dma_start3A_5] : memref<2x16xi32, #tpu.memory_space<vmem>> -> memref<1x16xi32, #tpu.memory_space<vmem>>
    %dma_start3A_7 = tpu.memref_squeeze %dma_start3A_6 : memref<1x16xi32, #tpu.memory_space<vmem>> -> memref<16xi32, #tpu.memory_space<vmem>>
    %dma_start3A_8 = tpu.memref_slice %arg4[%add3A_4] : memref<4096xi32, #tpu.memory_space<hbm>> -> memref<16xi32, #tpu.memory_space<hbm>>
    %dma_start3A_9 = arith.constant 0 : i32
    %dma_start3A_10 = tpu.memref_slice %arg7[%dma_start3A, %dma_start3A_9] : memref<2x16xi32, #tpu.memory_space<vmem>> -> memref<1x16xi32, #tpu.memory_space<vmem>>
    %dma_start3A_11 = tpu.memref_squeeze %dma_start3A_10 : memref<1x16xi32, #tpu.memory_space<vmem>> -> memref<16xi32, #tpu.memory_space<vmem>>
    %dma_start3A_12 = tpu.memref_slice %arg4[%add3A_4] : memref<4096xi32, #tpu.memory_space<hbm>> -> memref<16xi32, #tpu.memory_space<hbm>>
    tpu.enqueue_dma source(%dma_start3A_12 : memref<16xi32, #tpu.memory_space<hbm>>) target(%dma_start3A_11 : memref<16xi32, #tpu.memory_space<vmem>>) target_semaphore(%arg10 : memref<!tpu.dma_semaphore, #tpu.memory_space<semaphore_mem>>)
    %dma_start3A_13 = arith.constant 0 : i32
    %dma_start3A_14 = arith.constant 0 : i32
    %dma_start3A_15 = arith.constant 0 : i32
    %dma_start3A_16 = tpu.memref_slice %arg8[%dma_start3A_13, %dma_start3A_14, %dma_start3A_15] : memref<2x16x1024xf32, #tpu.memory_space<vmem>> -> memref<1x16x1024xf32, #tpu.memory_space<vmem>>
    %dma_start3A_17 = tpu.memref_squeeze %dma_start3A_16 : memref<1x16x1024xf32, #tpu.memory_space<vmem>> -> memref<16x1024xf32, #tpu.memory_space<vmem>>
    %dma_start3A_18 = arith.constant 0 : i32
    %dma_start3A_19 = tpu.memref_slice %arg2[%add3A_4, %dma_start3A_18] : memref<4096x1024xf32, #tpu.memory_space<hbm>> -> memref<16x1024xf32, #tpu.memory_space<hbm>>
    %dma_start3A_20 = arith.constant 0 : i32
    %dma_start3A_21 = arith.constant 0 : i32
    %dma_start3A_22 = tpu.memref_slice %arg8[%dma_start3A_13, %dma_start3A_20, %dma_start3A_21] : memref<2x16x1024xf32, #tpu.memory_space<vmem>> -> memref<1x16x1024xf32, #tpu.memory_space<vmem>>
    %dma_start3A_23 = tpu.memref_squeeze %dma_start3A_22 : memref<1x16x1024xf32, #tpu.memory_space<vmem>> -> memref<16x1024xf32, #tpu.memory_space<vmem>>
    %dma_start3A_24 = arith.constant 0 : i32
    %dma_start3A_25 = tpu.memref_slice %arg2[%add3A_4, %dma_start3A_24] : memref<4096x1024xf32, #tpu.memory_space<hbm>> -> memref<16x1024xf32, #tpu.memory_space<hbm>>
    tpu.enqueue_dma source(%dma_start3A_25 : memref<16x1024xf32, #tpu.memory_space<hbm>>) target(%dma_start3A_23 : memref<16x1024xf32, #tpu.memory_space<vmem>>) target_semaphore(%arg10 : memref<!tpu.dma_semaphore, #tpu.memory_space<semaphore_mem>>)
    %dma_start3A_26 = arith.constant 0 : i32
    %dma_start3A_27 = arith.constant 0 : i32
    %dma_start3A_28 = arith.constant 0 : i32
    %dma_start3A_29 = tpu.memref_slice %arg9[%dma_start3A_26, %dma_start3A_27, %dma_start3A_28] : memref<2x16x128xf32, #tpu.memory_space<vmem>> -> memref<1x16x128xf32, #tpu.memory_space<vmem>>
    %dma_start3A_30 = tpu.memref_squeeze %dma_start3A_29 : memref<1x16x128xf32, #tpu.memory_space<vmem>> -> memref<16x128xf32, #tpu.memory_space<vmem>>
    %dma_start3A_31 = arith.constant 0 : i32
    %dma_start3A_32 = tpu.memref_slice %arg3[%add3A_4, %dma_start3A_31] : memref<4096x128xf32, #tpu.memory_space<hbm>> -> memref<16x128xf32, #tpu.memory_space<hbm>>
    %dma_start3A_33 = arith.constant 0 : i32
    %dma_start3A_34 = arith.constant 0 : i32
    %dma_start3A_35 = tpu.memref_slice %arg9[%dma_start3A_26, %dma_start3A_33, %dma_start3A_34] : memref<2x16x128xf32, #tpu.memory_space<vmem>> -> memref<1x16x128xf32, #tpu.memory_space<vmem>>
    %dma_start3A_36 = tpu.memref_squeeze %dma_start3A_35 : memref<1x16x128xf32, #tpu.memory_space<vmem>> -> memref<16x128xf32, #tpu.memory_space<vmem>>
    %dma_start3A_37 = arith.constant 0 : i32
    %dma_start3A_38 = tpu.memref_slice %arg3[%add3A_4, %dma_start3A_37] : memref<4096x128xf32, #tpu.memory_space<hbm>> -> memref<16x128xf32, #tpu.memory_space<hbm>>
    tpu.enqueue_dma source(%dma_start3A_38 : memref<16x128xf32, #tpu.memory_space<hbm>>) target(%dma_start3A_36 : memref<16x128xf32, #tpu.memory_space<vmem>>) target_semaphore(%arg10 : memref<!tpu.dma_semaphore, #tpu.memory_space<semaphore_mem>>)
    %add3A_39 = arith.constant 16 : i32
    %add3A_40 = arith.addi %mul3A_2, %add3A_39 : i32
    %dma_start3A_41 = arith.constant 1 : i32
    %dma_start3A_42 = arith.constant 0 : i32
    %dma_start3A_43 = tpu.memref_slice %arg7[%dma_start3A_41, %dma_start3A_42] : memref<2x16xi32, #tpu.memory_space<vmem>> -> memref<1x16xi32, #tpu.memory_space<vmem>>
    %dma_start3A_44 = tpu.memref_squeeze %dma_start3A_43 : memref<1x16xi32, #tpu.memory_space<vmem>> -> memref<16xi32, #tpu.memory_space<vmem>>
    %dma_start3A_45 = tpu.memref_slice %arg4[%add3A_40] : memref<4096xi32, #tpu.memory_space<hbm>> -> memref<16xi32, #tpu.memory_space<hbm>>
    %dma_start3A_46 = arith.constant 0 : i32
    %dma_start3A_47 = tpu.memref_slice %arg7[%dma_start3A_41, %dma_start3A_46] : memref<2x16xi32, #tpu.memory_space<vmem>> -> memref<1x16xi32, #tpu.memory_space<vmem>>
    %dma_start3A_48 = tpu.memref_squeeze %dma_start3A_47 : memref<1x16xi32, #tpu.memory_space<vmem>> -> memref<16xi32, #tpu.memory_space<vmem>>
    %dma_start3A_49 = tpu.memref_slice %arg4[%add3A_40] : memref<4096xi32, #tpu.memory_space<hbm>> -> memref<16xi32, #tpu.memory_space<hbm>>
    tpu.enqueue_dma source(%dma_start3A_49 : memref<16xi32, #tpu.memory_space<hbm>>) target(%dma_start3A_48 : memref<16xi32, #tpu.memory_space<vmem>>) target_semaphore(%arg10 : memref<!tpu.dma_semaphore, #tpu.memory_space<semaphore_mem>>)
    %dma_start3A_50 = arith.constant 1 : i32
    %dma_start3A_51 = arith.constant 0 : i32
    %dma_start3A_52 = arith.constant 0 : i32
    %dma_start3A_53 = tpu.memref_slice %arg8[%dma_start3A_50, %dma_start3A_51, %dma_start3A_52] : memref<2x16x1024xf32, #tpu.memory_space<vmem>> -> memref<1x16x1024xf32, #tpu.memory_space<vmem>>
    %dma_start3A_54 = tpu.memref_squeeze %dma_start3A_53 : memref<1x16x1024xf32, #tpu.memory_space<vmem>> -> memref<16x1024xf32, #tpu.memory_space<vmem>>
    %dma_start3A_55 = arith.constant 0 : i32
    %dma_start3A_56 = tpu.memref_slice %arg2[%add3A_40, %dma_start3A_55] : memref<4096x1024xf32, #tpu.memory_space<hbm>> -> memref<16x1024xf32, #tpu.memory_space<hbm>>
    %dma_start3A_57 = arith.constant 0 : i32
    %dma_start3A_58 = arith.constant 0 : i32
    %dma_start3A_59 = tpu.memref_slice %arg8[%dma_start3A_50, %dma_start3A_57, %dma_start3A_58] : memref<2x16x1024xf32, #tpu.memory_space<vmem>> -> memref<1x16x1024xf32, #tpu.memory_space<vmem>>
    %dma_start3A_60 = tpu.memref_squeeze %dma_start3A_59 : memref<1x16x1024xf32, #tpu.memory_space<vmem>> -> memref<16x1024xf32, #tpu.memory_space<vmem>>
    %dma_start3A_61 = arith.constant 0 : i32
    %dma_start3A_62 = tpu.memref_slice %arg2[%add3A_40, %dma_start3A_61] : memref<4096x1024xf32, #tpu.memory_space<hbm>> -> memref<16x1024xf32, #tpu.memory_space<hbm>>
    tpu.enqueue_dma source(%dma_start3A_62 : memref<16x1024xf32, #tpu.memory_space<hbm>>) target(%dma_start3A_60 : memref<16x1024xf32, #tpu.memory_space<vmem>>) target_semaphore(%arg10 : memref<!tpu.dma_semaphore, #tpu.memory_space<semaphore_mem>>)
    %dma_start3A_63 = arith.constant 1 : i32
    %dma_start3A_64 = arith.constant 0 : i32
    %dma_start3A_65 = arith.constant 0 : i32
    %dma_start3A_66 = tpu.memref_slice %arg9[%dma_start3A_63, %dma_start3A_64, %dma_start3A_65] : memref<2x16x128xf32, #tpu.memory_space<vmem>> -> memref<1x16x128xf32, #tpu.memory_space<vmem>>
    %dma_start3A_67 = tpu.memref_squeeze %dma_start3A_66 : memref<1x16x128xf32, #tpu.memory_space<vmem>> -> memref<16x128xf32, #tpu.memory_space<vmem>>
    %dma_start3A_68 = arith.constant 0 : i32
    %dma_start3A_69 = tpu.memref_slice %arg3[%add3A_40, %dma_start3A_68] : memref<4096x128xf32, #tpu.memory_space<hbm>> -> memref<16x128xf32, #tpu.memory_space<hbm>>
    %dma_start3A_70 = arith.constant 0 : i32
    %dma_start3A_71 = arith.constant 0 : i32
    %dma_start3A_72 = tpu.memref_slice %arg9[%dma_start3A_63, %dma_start3A_70, %dma_start3A_71] : memref<2x16x128xf32, #tpu.memory_space<vmem>> -> memref<1x16x128xf32, #tpu.memory_space<vmem>>
    %dma_start3A_73 = tpu.memref_squeeze %dma_start3A_72 : memref<1x16x128xf32, #tpu.memory_space<vmem>> -> memref<16x128xf32, #tpu.memory_space<vmem>>
    %dma_start3A_74 = arith.constant 0 : i32
    %dma_start3A_75 = tpu.memref_slice %arg3[%add3A_40, %dma_start3A_74] : memref<4096x128xf32, #tpu.memory_space<hbm>> -> memref<16x128xf32, #tpu.memory_space<hbm>>
    tpu.enqueue_dma source(%dma_start3A_75 : memref<16x128xf32, #tpu.memory_space<hbm>>) target(%dma_start3A_73 : memref<16x128xf32, #tpu.memory_space<vmem>>) target_semaphore(%arg10 : memref<!tpu.dma_semaphore, #tpu.memory_space<semaphore_mem>>)
    %dma_wait3A = arith.constant 0 : i32
    %dma_wait3A_76 = arith.constant 0 : i32
    %dma_wait3A_77 = tpu.memref_slice %arg7[%dma_wait3A, %dma_wait3A_76] : memref<2x16xi32, #tpu.memory_space<vmem>> -> memref<1x16xi32, #tpu.memory_space<vmem>>
    %dma_wait3A_78 = tpu.memref_squeeze %dma_wait3A_77 : memref<1x16xi32, #tpu.memory_space<vmem>> -> memref<16xi32, #tpu.memory_space<vmem>>
    %dma_wait3A_79 = tpu.memref_slice %arg4[%add3A_4] : memref<4096xi32, #tpu.memory_space<hbm>> -> memref<16xi32, #tpu.memory_space<hbm>>
    %dma_wait3A_80 = arith.constant 0 : i32
    %dma_wait3A_81 = tpu.memref_slice %arg7[%dma_wait3A, %dma_wait3A_80] : memref<2x16xi32, #tpu.memory_space<vmem>> -> memref<1x16xi32, #tpu.memory_space<vmem>>
    %dma_wait3A_82 = tpu.memref_squeeze %dma_wait3A_81 : memref<1x16xi32, #tpu.memory_space<vmem>> -> memref<16xi32, #tpu.memory_space<vmem>>
    %dma_wait3A_83 = tpu.memref_slice %arg4[%add3A_4] : memref<4096xi32, #tpu.memory_space<hbm>> -> memref<16xi32, #tpu.memory_space<hbm>>
    tpu.wait_dma2 semaphore(%arg10 : memref<!tpu.dma_semaphore, #tpu.memory_space<semaphore_mem>>) src(%dma_wait3A_83 : memref<16xi32, #tpu.memory_space<hbm>>) dst(%dma_wait3A_82 : memref<16xi32, #tpu.memory_space<vmem>>)
    %dma_wait3A_84 = arith.constant 0 : i32
    %dma_wait3A_85 = arith.constant 0 : i32
    %dma_wait3A_86 = arith.constant 0 : i32
    %dma_wait3A_87 = tpu.memref_slice %arg8[%dma_wait3A_84, %dma_wait3A_85, %dma_wait3A_86] : memref<2x16x1024xf32, #tpu.memory_space<vmem>> -> memref<1x16x1024xf32, #tpu.memory_space<vmem>>
    %dma_wait3A_88 = tpu.memref_squeeze %dma_wait3A_87 : memref<1x16x1024xf32, #tpu.memory_space<vmem>> -> memref<16x1024xf32, #tpu.memory_space<vmem>>
    %dma_wait3A_89 = arith.constant 0 : i32
    %dma_wait3A_90 = tpu.memref_slice %arg2[%add3A_4, %dma_wait3A_89] : memref<4096x1024xf32, #tpu.memory_space<hbm>> -> memref<16x1024xf32, #tpu.memory_space<hbm>>
    %dma_wait3A_91 = arith.constant 0 : i32
    %dma_wait3A_92 = arith.constant 0 : i32
    %dma_wait3A_93 = tpu.memref_slice %arg8[%dma_wait3A_84, %dma_wait3A_91, %dma_wait3A_92] : memref<2x16x1024xf32, #tpu.memory_space<vmem>> -> memref<1x16x1024xf32, #tpu.memory_space<vmem>>
    %dma_wait3A_94 = tpu.memref_squeeze %dma_wait3A_93 : memref<1x16x1024xf32, #tpu.memory_space<vmem>> -> memref<16x1024xf32, #tpu.memory_space<vmem>>
    %dma_wait3A_95 = arith.constant 0 : i32
    %dma_wait3A_96 = tpu.memref_slice %arg2[%add3A_4, %dma_wait3A_95] : memref<4096x1024xf32, #tpu.memory_space<hbm>> -> memref<16x1024xf32, #tpu.memory_space<hbm>>
    tpu.wait_dma2 semaphore(%arg10 : memref<!tpu.dma_semaphore, #tpu.memory_space<semaphore_mem>>) src(%dma_wait3A_96 : memref<16x1024xf32, #tpu.memory_space<hbm>>) dst(%dma_wait3A_94 : memref<16x1024xf32, #tpu.memory_space<vmem>>)
    %dma_wait3A_97 = arith.constant 0 : i32
    %dma_wait3A_98 = arith.constant 0 : i32
    %dma_wait3A_99 = arith.constant 0 : i32
    %dma_wait3A_100 = tpu.memref_slice %arg9[%dma_wait3A_97, %dma_wait3A_98, %dma_wait3A_99] : memref<2x16x128xf32, #tpu.memory_space<vmem>> -> memref<1x16x128xf32, #tpu.memory_space<vmem>>
    %dma_wait3A_101 = tpu.memref_squeeze %dma_wait3A_100 : memref<1x16x128xf32, #tpu.memory_space<vmem>> -> memref<16x128xf32, #tpu.memory_space<vmem>>
    %dma_wait3A_102 = arith.constant 0 : i32
    %dma_wait3A_103 = tpu.memref_slice %arg3[%add3A_4, %dma_wait3A_102] : memref<4096x128xf32, #tpu.memory_space<hbm>> -> memref<16x128xf32, #tpu.memory_space<hbm>>
    %dma_wait3A_104 = arith.constant 0 : i32
    %dma_wait3A_105 = arith.constant 0 : i32
    %dma_wait3A_106 = tpu.memref_slice %arg9[%dma_wait3A_97, %dma_wait3A_104, %dma_wait3A_105] : memref<2x16x128xf32, #tpu.memory_space<vmem>> -> memref<1x16x128xf32, #tpu.memory_space<vmem>>
    %dma_wait3A_107 = tpu.memref_squeeze %dma_wait3A_106 : memref<1x16x128xf32, #tpu.memory_space<vmem>> -> memref<16x128xf32, #tpu.memory_space<vmem>>
    %dma_wait3A_108 = arith.constant 0 : i32
    %dma_wait3A_109 = tpu.memref_slice %arg3[%add3A_4, %dma_wait3A_108] : memref<4096x128xf32, #tpu.memory_space<hbm>> -> memref<16x128xf32, #tpu.memory_space<hbm>>
    tpu.wait_dma2 semaphore(%arg10 : memref<!tpu.dma_semaphore, #tpu.memory_space<semaphore_mem>>) src(%dma_wait3A_109 : memref<16x128xf32, #tpu.memory_space<hbm>>) dst(%dma_wait3A_107 : memref<16x128xf32, #tpu.memory_space<vmem>>)
    %dma_start3A_110 = arith.constant 0 : i32
    %dma_start3A_111 = arith.constant 0 : i32
    %dma_start3A_112 = arith.constant 0 : i32
    %dma_start3A_113 = arith.constant 0 : i32
    %dma_start3A_114 = tpu.memref_slice %arg8[%dma_start3A_110, %dma_start3A_112, %dma_start3A_113] : memref<2x16x1024xf32, #tpu.memory_space<vmem>> -> memref<1x16x1024xf32, #tpu.memory_space<vmem>>
    %dma_start3A_115 = tpu.memref_squeeze %dma_start3A_114 : memref<1x16x1024xf32, #tpu.memory_space<vmem>> -> memref<16x1024xf32, #tpu.memory_space<vmem>>
    %dma_start3A_116 = arith.constant 0 : i32
    %dma_start3A_117 = tpu.memref_slice %arg7[%dma_start3A_111, %dma_start3A_116] : memref<2x16xi32, #tpu.memory_space<vmem>> -> memref<1x16xi32, #tpu.memory_space<vmem>>
    %dma_start3A_118 = tpu.memref_squeeze %dma_start3A_117 : memref<1x16xi32, #tpu.memory_space<vmem>> -> memref<16xi32, #tpu.memory_space<vmem>>
    %dma_start3A_119 = arith.constant 0 : i32
    %dma_start3A_120 = arith.constant 0 : i32
    %dma_start3A_121 = tpu.memref_slice %arg5[%dma_start3A_119, %dma_start3A_120] : memref<4096x1024xf32, #tpu.memory_space<hbm>> -> memref<4096x1024xf32, #tpu.memory_space<hbm>>
    tpu.enqueue_indirect_dma source(%dma_start3A_115 : memref<16x1024xf32, #tpu.memory_space<vmem>>) target(%dma_start3A_121 : memref<4096x1024xf32, #tpu.memory_space<hbm>>) offsets(%dma_start3A_118 : memref<16xi32, #tpu.memory_space<vmem>>) semaphore(%arg11 : memref<!tpu.dma_semaphore, #tpu.memory_space<semaphore_mem>>)
    %dma_start3A_122 = arith.constant 0 : i32
    %dma_start3A_123 = arith.constant 0 : i32
    %dma_start3A_124 = arith.constant 0 : i32
    %dma_start3A_125 = arith.constant 0 : i32
    %dma_start3A_126 = tpu.memref_slice %arg9[%dma_start3A_122, %dma_start3A_124, %dma_start3A_125] : memref<2x16x128xf32, #tpu.memory_space<vmem>> -> memref<1x16x128xf32, #tpu.memory_space<vmem>>
    %dma_start3A_127 = tpu.memref_squeeze %dma_start3A_126 : memref<1x16x128xf32, #tpu.memory_space<vmem>> -> memref<16x128xf32, #tpu.memory_space<vmem>>
    %dma_start3A_128 = arith.constant 0 : i32
    %dma_start3A_129 = tpu.memref_slice %arg7[%dma_start3A_123, %dma_start3A_128] : memref<2x16xi32, #tpu.memory_space<vmem>> -> memref<1x16xi32, #tpu.memory_space<vmem>>
    %dma_start3A_130 = tpu.memref_squeeze %dma_start3A_129 : memref<1x16xi32, #tpu.memory_space<vmem>> -> memref<16xi32, #tpu.memory_space<vmem>>
    %dma_start3A_131 = arith.constant 0 : i32
    %dma_start3A_132 = arith.constant 0 : i32
    %dma_start3A_133 = tpu.memref_slice %arg6[%dma_start3A_131, %dma_start3A_132] : memref<4096x128xf32, #tpu.memory_space<hbm>> -> memref<4096x128xf32, #tpu.memory_space<hbm>>
    tpu.enqueue_indirect_dma source(%dma_start3A_127 : memref<16x128xf32, #tpu.memory_space<vmem>>) target(%dma_start3A_133 : memref<4096x128xf32, #tpu.memory_space<hbm>>) offsets(%dma_start3A_130 : memref<16xi32, #tpu.memory_space<vmem>>) semaphore(%arg11 : memref<!tpu.dma_semaphore, #tpu.memory_space<semaphore_mem>>)
    %dma_wait3A_134 = arith.constant 0 : i32
    %dma_wait3A_135 = arith.constant 0 : i32
    %dma_wait3A_136 = arith.constant 0 : i32
    %dma_wait3A_137 = arith.constant 0 : i32
    %dma_wait3A_138 = tpu.memref_slice %arg8[%dma_wait3A_134, %dma_wait3A_136, %dma_wait3A_137] : memref<2x16x1024xf32, #tpu.memory_space<vmem>> -> memref<1x16x1024xf32, #tpu.memory_space<vmem>>
    %dma_wait3A_139 = tpu.memref_squeeze %dma_wait3A_138 : memref<1x16x1024xf32, #tpu.memory_space<vmem>> -> memref<16x1024xf32, #tpu.memory_space<vmem>>
    %dma_wait3A_140 = arith.constant 0 : i32
    %dma_wait3A_141 = tpu.memref_slice %arg7[%dma_wait3A_135, %dma_wait3A_140] : memref<2x16xi32, #tpu.memory_space<vmem>> -> memref<1x16xi32, #tpu.memory_space<vmem>>
    %dma_wait3A_142 = tpu.memref_squeeze %dma_wait3A_141 : memref<1x16xi32, #tpu.memory_space<vmem>> -> memref<16xi32, #tpu.memory_space<vmem>>
    %dma_wait3A_143 = arith.constant 0 : i32
    %dma_wait3A_144 = arith.constant 0 : i32
    %dma_wait3A_145 = tpu.memref_slice %arg5[%dma_wait3A_143, %dma_wait3A_144] : memref<4096x1024xf32, #tpu.memory_space<hbm>> -> memref<4096x1024xf32, #tpu.memory_space<hbm>>
    tpu.wait_indirect_dma semaphore(%arg11 : memref<!tpu.dma_semaphore, #tpu.memory_space<semaphore_mem>>) src(%dma_wait3A_139 : memref<16x1024xf32, #tpu.memory_space<vmem>>) dst(%dma_wait3A_145 : memref<4096x1024xf32, #tpu.memory_space<hbm>>)
    %dma_wait3A_146 = arith.constant 0 : i32
    %dma_wait3A_147 = arith.constant 0 : i32
    %dma_wait3A_148 = arith.constant 0 : i32
    %dma_wait3A_149 = arith.constant 0 : i32
    %dma_wait3A_150 = tpu.memref_slice %arg9[%dma_wait3A_146, %dma_wait3A_148, %dma_wait3A_149] : memref<2x16x128xf32, #tpu.memory_space<vmem>> -> memref<1x16x128xf32, #tpu.memory_space<vmem>>
    %dma_wait3A_151 = tpu.memref_squeeze %dma_wait3A_150 : memref<1x16x128xf32, #tpu.memory_space<vmem>> -> memref<16x128xf32, #tpu.memory_space<vmem>>
    %dma_wait3A_152 = arith.constant 0 : i32
    %dma_wait3A_153 = tpu.memref_slice %arg7[%dma_wait3A_147, %dma_wait3A_152] : memref<2x16xi32, #tpu.memory_space<vmem>> -> memref<1x16xi32, #tpu.memory_space<vmem>>
    %dma_wait3A_154 = tpu.memref_squeeze %dma_wait3A_153 : memref<1x16xi32, #tpu.memory_space<vmem>> -> memref<16xi32, #tpu.memory_space<vmem>>
    %dma_wait3A_155 = arith.constant 0 : i32
    %dma_wait3A_156 = arith.constant 0 : i32
    %dma_wait3A_157 = tpu.memref_slice %arg6[%dma_wait3A_155, %dma_wait3A_156] : memref<4096x128xf32, #tpu.memory_space<hbm>> -> memref<4096x128xf32, #tpu.memory_space<hbm>>
    tpu.wait_indirect_dma semaphore(%arg11 : memref<!tpu.dma_semaphore, #tpu.memory_space<semaphore_mem>>) src(%dma_wait3A_151 : memref<16x128xf32, #tpu.memory_space<vmem>>) dst(%dma_wait3A_157 : memref<4096x128xf32, #tpu.memory_space<hbm>>)
    %add3A_158 = arith.constant 32 : i32
    %add3A_159 = arith.addi %mul3A_2, %add3A_158 : i32
    %dma_start3A_160 = arith.constant 0 : i32
    %dma_start3A_161 = arith.constant 0 : i32
    %dma_start3A_162 = tpu.memref_slice %arg7[%dma_start3A_160, %dma_start3A_161] : memref<2x16xi32, #tpu.memory_space<vmem>> -> memref<1x16xi32, #tpu.memory_space<vmem>>
    %dma_start3A_163 = tpu.memref_squeeze %dma_start3A_162 : memref<1x16xi32, #tpu.memory_space<vmem>> -> memref<16xi32, #tpu.memory_space<vmem>>
    %dma_start3A_164 = tpu.memref_slice %arg4[%add3A_159] : memref<4096xi32, #tpu.memory_space<hbm>> -> memref<16xi32, #tpu.memory_space<hbm>>
    %dma_start3A_165 = arith.constant 0 : i32
    %dma_start3A_166 = tpu.memref_slice %arg7[%dma_start3A_160, %dma_start3A_165] : memref<2x16xi32, #tpu.memory_space<vmem>> -> memref<1x16xi32, #tpu.memory_space<vmem>>
    %dma_start3A_167 = tpu.memref_squeeze %dma_start3A_166 : memref<1x16xi32, #tpu.memory_space<vmem>> -> memref<16xi32, #tpu.memory_space<vmem>>
    %dma_start3A_168 = tpu.memref_slice %arg4[%add3A_159] : memref<4096xi32, #tpu.memory_space<hbm>> -> memref<16xi32, #tpu.memory_space<hbm>>
    tpu.enqueue_dma source(%dma_start3A_168 : memref<16xi32, #tpu.memory_space<hbm>>) target(%dma_start3A_167 : memref<16xi32, #tpu.memory_space<vmem>>) target_semaphore(%arg10 : memref<!tpu.dma_semaphore, #tpu.memory_space<semaphore_mem>>)
    %dma_start3A_169 = arith.constant 0 : i32
    %dma_start3A_170 = arith.constant 0 : i32
    %dma_start3A_171 = arith.constant 0 : i32
    %dma_start3A_172 = tpu.memref_slice %arg8[%dma_start3A_169, %dma_start3A_170, %dma_start3A_171] : memref<2x16x1024xf32, #tpu.memory_space<vmem>> -> memref<1x16x1024xf32, #tpu.memory_space<vmem>>
    %dma_start3A_173 = tpu.memref_squeeze %dma_start3A_172 : memref<1x16x1024xf32, #tpu.memory_space<vmem>> -> memref<16x1024xf32, #tpu.memory_space<vmem>>
    %dma_start3A_174 = arith.constant 0 : i32
    %dma_start3A_175 = tpu.memref_slice %arg2[%add3A_159, %dma_start3A_174] : memref<4096x1024xf32, #tpu.memory_space<hbm>> -> memref<16x1024xf32, #tpu.memory_space<hbm>>
    %dma_start3A_176 = arith.constant 0 : i32
    %dma_start3A_177 = arith.constant 0 : i32
    %dma_start3A_178 = tpu.memref_slice %arg8[%dma_start3A_169, %dma_start3A_176, %dma_start3A_177] : memref<2x16x1024xf32, #tpu.memory_space<vmem>> -> memref<1x16x1024xf32, #tpu.memory_space<vmem>>
    %dma_start3A_179 = tpu.memref_squeeze %dma_start3A_178 : memref<1x16x1024xf32, #tpu.memory_space<vmem>> -> memref<16x1024xf32, #tpu.memory_space<vmem>>
    %dma_start3A_180 = arith.constant 0 : i32
    %dma_start3A_181 = tpu.memref_slice %arg2[%add3A_159, %dma_start3A_180] : memref<4096x1024xf32, #tpu.memory_space<hbm>> -> memref<16x1024xf32, #tpu.memory_space<hbm>>
    tpu.enqueue_dma source(%dma_start3A_181 : memref<16x1024xf32, #tpu.memory_space<hbm>>) target(%dma_start3A_179 : memref<16x1024xf32, #tpu.memory_space<vmem>>) target_semaphore(%arg10 : memref<!tpu.dma_semaphore, #tpu.memory_space<semaphore_mem>>)
    %dma_start3A_182 = arith.constant 0 : i32
    %dma_start3A_183 = arith.constant 0 : i32
    %dma_start3A_184 = arith.constant 0 : i32
    %dma_start3A_185 = tpu.memref_slice %arg9[%dma_start3A_182, %dma_start3A_183, %dma_start3A_184] : memref<2x16x128xf32, #tpu.memory_space<vmem>> -> memref<1x16x128xf32, #tpu.memory_space<vmem>>
    %dma_start3A_186 = tpu.memref_squeeze %dma_start3A_185 : memref<1x16x128xf32, #tpu.memory_space<vmem>> -> memref<16x128xf32, #tpu.memory_space<vmem>>
    %dma_start3A_187 = arith.constant 0 : i32
    %dma_start3A_188 = tpu.memref_slice %arg3[%add3A_159, %dma_start3A_187] : memref<4096x128xf32, #tpu.memory_space<hbm>> -> memref<16x128xf32, #tpu.memory_space<hbm>>
    %dma_start3A_189 = arith.constant 0 : i32
    %dma_start3A_190 = arith.constant 0 : i32
    %dma_start3A_191 = tpu.memref_slice %arg9[%dma_start3A_182, %dma_start3A_189, %dma_start3A_190] : memref<2x16x128xf32, #tpu.memory_space<vmem>> -> memref<1x16x128xf32, #tpu.memory_space<vmem>>
    %dma_start3A_192 = tpu.memref_squeeze %dma_start3A_191 : memref<1x16x128xf32, #tpu.memory_space<vmem>> -> memref<16x128xf32, #tpu.memory_space<vmem>>
    %dma_start3A_193 = arith.constant 0 : i32
    %dma_start3A_194 = tpu.memref_slice %arg3[%add3A_159, %dma_start3A_193] : memref<4096x128xf32, #tpu.memory_space<hbm>> -> memref<16x128xf32, #tpu.memory_space<hbm>>
    tpu.enqueue_dma source(%dma_start3A_194 : memref<16x128xf32, #tpu.memory_space<hbm>>) target(%dma_start3A_192 : memref<16x128xf32, #tpu.memory_space<vmem>>) target_semaphore(%arg10 : memref<!tpu.dma_semaphore, #tpu.memory_space<semaphore_mem>>)
    %dma_wait3A_195 = arith.constant 1 : i32
    %dma_wait3A_196 = arith.constant 0 : i32
    %dma_wait3A_197 = tpu.memref_slice %arg7[%dma_wait3A_195, %dma_wait3A_196] : memref<2x16xi32, #tpu.memory_space<vmem>> -> memref<1x16xi32, #tpu.memory_space<vmem>>
    %dma_wait3A_198 = tpu.memref_squeeze %dma_wait3A_197 : memref<1x16xi32, #tpu.memory_space<vmem>> -> memref<16xi32, #tpu.memory_space<vmem>>
    %dma_wait3A_199 = tpu.memref_slice %arg4[%add3A_40] : memref<4096xi32, #tpu.memory_space<hbm>> -> memref<16xi32, #tpu.memory_space<hbm>>
    %dma_wait3A_200 = arith.constant 0 : i32
    %dma_wait3A_201 = tpu.memref_slice %arg7[%dma_wait3A_195, %dma_wait3A_200] : memref<2x16xi32, #tpu.memory_space<vmem>> -> memref<1x16xi32, #tpu.memory_space<vmem>>
    %dma_wait3A_202 = tpu.memref_squeeze %dma_wait3A_201 : memref<1x16xi32, #tpu.memory_space<vmem>> -> memref<16xi32, #tpu.memory_space<vmem>>
    %dma_wait3A_203 = tpu.memref_slice %arg4[%add3A_40] : memref<4096xi32, #tpu.memory_space<hbm>> -> memref<16xi32, #tpu.memory_space<hbm>>
    tpu.wait_dma2 semaphore(%arg10 : memref<!tpu.dma_semaphore, #tpu.memory_space<semaphore_mem>>) src(%dma_wait3A_203 : memref<16xi32, #tpu.memory_space<hbm>>) dst(%dma_wait3A_202 : memref<16xi32, #tpu.memory_space<vmem>>)
    %dma_wait3A_204 = arith.constant 1 : i32
    %dma_wait3A_205 = arith.constant 0 : i32
    %dma_wait3A_206 = arith.constant 0 : i32
    %dma_wait3A_207 = tpu.memref_slice %arg8[%dma_wait3A_204, %dma_wait3A_205, %dma_wait3A_206] : memref<2x16x1024xf32, #tpu.memory_space<vmem>> -> memref<1x16x1024xf32, #tpu.memory_space<vmem>>
    %dma_wait3A_208 = tpu.memref_squeeze %dma_wait3A_207 : memref<1x16x1024xf32, #tpu.memory_space<vmem>> -> memref<16x1024xf32, #tpu.memory_space<vmem>>
    %dma_wait3A_209 = arith.constant 0 : i32
    %dma_wait3A_210 = tpu.memref_slice %arg2[%add3A_40, %dma_wait3A_209] : memref<4096x1024xf32, #tpu.memory_space<hbm>> -> memref<16x1024xf32, #tpu.memory_space<hbm>>
    %dma_wait3A_211 = arith.constant 0 : i32
    %dma_wait3A_212 = arith.constant 0 : i32
    %dma_wait3A_213 = tpu.memref_slice %arg8[%dma_wait3A_204, %dma_wait3A_211, %dma_wait3A_212] : memref<2x16x1024xf32, #tpu.memory_space<vmem>> -> memref<1x16x1024xf32, #tpu.memory_space<vmem>>
    %dma_wait3A_214 = tpu.memref_squeeze %dma_wait3A_213 : memref<1x16x1024xf32, #tpu.memory_space<vmem>> -> memref<16x1024xf32, #tpu.memory_space<vmem>>
    %dma_wait3A_215 = arith.constant 0 : i32
    %dma_wait3A_216 = tpu.memref_slice %arg2[%add3A_40, %dma_wait3A_215] : memref<4096x1024xf32, #tpu.memory_space<hbm>> -> memref<16x1024xf32, #tpu.memory_space<hbm>>
    tpu.wait_dma2 semaphore(%arg10 : memref<!tpu.dma_semaphore, #tpu.memory_space<semaphore_mem>>) src(%dma_wait3A_216 : memref<16x1024xf32, #tpu.memory_space<hbm>>) dst(%dma_wait3A_214 : memref<16x1024xf32, #tpu.memory_space<vmem>>)
    %dma_wait3A_217 = arith.constant 1 : i32
    %dma_wait3A_218 = arith.constant 0 : i32
    %dma_wait3A_219 = arith.constant 0 : i32
    %dma_wait3A_220 = tpu.memref_slice %arg9[%dma_wait3A_217, %dma_wait3A_218, %dma_wait3A_219] : memref<2x16x128xf32, #tpu.memory_space<vmem>> -> memref<1x16x128xf32, #tpu.memory_space<vmem>>
    %dma_wait3A_221 = tpu.memref_squeeze %dma_wait3A_220 : memref<1x16x128xf32, #tpu.memory_space<vmem>> -> memref<16x128xf32, #tpu.memory_space<vmem>>
    %dma_wait3A_222 = arith.constant 0 : i32
    %dma_wait3A_223 = tpu.memref_slice %arg3[%add3A_40, %dma_wait3A_222] : memref<4096x128xf32, #tpu.memory_space<hbm>> -> memref<16x128xf32, #tpu.memory_space<hbm>>
    %dma_wait3A_224 = arith.constant 0 : i32
    %dma_wait3A_225 = arith.constant 0 : i32
    %dma_wait3A_226 = tpu.memref_slice %arg9[%dma_wait3A_217, %dma_wait3A_224, %dma_wait3A_225] : memref<2x16x128xf32, #tpu.memory_space<vmem>> -> memref<1x16x128xf32, #tpu.memory_space<vmem>>
    %dma_wait3A_227 = tpu.memref_squeeze %dma_wait3A_226 : memref<1x16x128xf32, #tpu.memory_space<vmem>> -> memref<16x128xf32, #tpu.memory_space<vmem>>
    %dma_wait3A_228 = arith.constant 0 : i32
    %dma_wait3A_229 = tpu.memref_slice %arg3[%add3A_40, %dma_wait3A_228] : memref<4096x128xf32, #tpu.memory_space<hbm>> -> memref<16x128xf32, #tpu.memory_space<hbm>>
    tpu.wait_dma2 semaphore(%arg10 : memref<!tpu.dma_semaphore, #tpu.memory_space<semaphore_mem>>) src(%dma_wait3A_229 : memref<16x128xf32, #tpu.memory_space<hbm>>) dst(%dma_wait3A_227 : memref<16x128xf32, #tpu.memory_space<vmem>>)
    %dma_start3A_230 = arith.constant 1 : i32
    %dma_start3A_231 = arith.constant 1 : i32
    %dma_start3A_232 = arith.constant 0 : i32
    %dma_start3A_233 = arith.constant 0 : i32
    %dma_start3A_234 = tpu.memref_slice %arg8[%dma_start3A_230, %dma_start3A_232, %dma_start3A_233] : memref<2x16x1024xf32, #tpu.memory_space<vmem>> -> memref<1x16x1024xf32, #tpu.memory_space<vmem>>
    %dma_start3A_235 = tpu.memref_squeeze %dma_start3A_234 : memref<1x16x1024xf32, #tpu.memory_space<vmem>> -> memref<16x1024xf32, #tpu.memory_space<vmem>>
    %dma_start3A_236 = arith.constant 0 : i32
    %dma_start3A_237 = tpu.memref_slice %arg7[%dma_start3A_231, %dma_start3A_236] : memref<2x16xi32, #tpu.memory_space<vmem>> -> memref<1x16xi32, #tpu.memory_space<vmem>>
    %dma_start3A_238 = tpu.memref_squeeze %dma_start3A_237 : memref<1x16xi32, #tpu.memory_space<vmem>> -> memref<16xi32, #tpu.memory_space<vmem>>
    %dma_start3A_239 = arith.constant 0 : i32
    %dma_start3A_240 = arith.constant 0 : i32
    %dma_start3A_241 = tpu.memref_slice %arg5[%dma_start3A_239, %dma_start3A_240] : memref<4096x1024xf32, #tpu.memory_space<hbm>> -> memref<4096x1024xf32, #tpu.memory_space<hbm>>
    tpu.enqueue_indirect_dma source(%dma_start3A_235 : memref<16x1024xf32, #tpu.memory_space<vmem>>) target(%dma_start3A_241 : memref<4096x1024xf32, #tpu.memory_space<hbm>>) offsets(%dma_start3A_238 : memref<16xi32, #tpu.memory_space<vmem>>) semaphore(%arg11 : memref<!tpu.dma_semaphore, #tpu.memory_space<semaphore_mem>>)
    %dma_start3A_242 = arith.constant 1 : i32
    %dma_start3A_243 = arith.constant 1 : i32
    %dma_start3A_244 = arith.constant 0 : i32
    %dma_start3A_245 = arith.constant 0 : i32
    %dma_start3A_246 = tpu.memref_slice %arg9[%dma_start3A_242, %dma_start3A_244, %dma_start3A_245] : memref<2x16x128xf32, #tpu.memory_space<vmem>> -> memref<1x16x128xf32, #tpu.memory_space<vmem>>
    %dma_start3A_247 = tpu.memref_squeeze %dma_start3A_246 : memref<1x16x128xf32, #tpu.memory_space<vmem>> -> memref<16x128xf32, #tpu.memory_space<vmem>>
    %dma_start3A_248 = arith.constant 0 : i32
    %dma_start3A_249 = tpu.memref_slice %arg7[%dma_start3A_243, %dma_start3A_248] : memref<2x16xi32, #tpu.memory_space<vmem>> -> memref<1x16xi32, #tpu.memory_space<vmem>>
    %dma_start3A_250 = tpu.memref_squeeze %dma_start3A_249 : memref<1x16xi32, #tpu.memory_space<vmem>> -> memref<16xi32, #tpu.memory_space<vmem>>
    %dma_start3A_251 = arith.constant 0 : i32
    %dma_start3A_252 = arith.constant 0 : i32
    %dma_start3A_253 = tpu.memref_slice %arg6[%dma_start3A_251, %dma_start3A_252] : memref<4096x128xf32, #tpu.memory_space<hbm>> -> memref<4096x128xf32, #tpu.memory_space<hbm>>
    tpu.enqueue_indirect_dma source(%dma_start3A_247 : memref<16x128xf32, #tpu.memory_space<vmem>>) target(%dma_start3A_253 : memref<4096x128xf32, #tpu.memory_space<hbm>>) offsets(%dma_start3A_250 : memref<16xi32, #tpu.memory_space<vmem>>) semaphore(%arg11 : memref<!tpu.dma_semaphore, #tpu.memory_space<semaphore_mem>>)
    %dma_wait3A_254 = arith.constant 1 : i32
    %dma_wait3A_255 = arith.constant 1 : i32
    %dma_wait3A_256 = arith.constant 0 : i32
    %dma_wait3A_257 = arith.constant 0 : i32
    %dma_wait3A_258 = tpu.memref_slice %arg8[%dma_wait3A_254, %dma_wait3A_256, %dma_wait3A_257] : memref<2x16x1024xf32, #tpu.memory_space<vmem>> -> memref<1x16x1024xf32, #tpu.memory_space<vmem>>
    %dma_wait3A_259 = tpu.memref_squeeze %dma_wait3A_258 : memref<1x16x1024xf32, #tpu.memory_space<vmem>> -> memref<16x1024xf32, #tpu.memory_space<vmem>>
    %dma_wait3A_260 = arith.constant 0 : i32
    %dma_wait3A_261 = tpu.memref_slice %arg7[%dma_wait3A_255, %dma_wait3A_260] : memref<2x16xi32, #tpu.memory_space<vmem>> -> memref<1x16xi32, #tpu.memory_space<vmem>>
    %dma_wait3A_262 = tpu.memref_squeeze %dma_wait3A_261 : memref<1x16xi32, #tpu.memory_space<vmem>> -> memref<16xi32, #tpu.memory_space<vmem>>
    %dma_wait3A_263 = arith.constant 0 : i32
    %dma_wait3A_264 = arith.constant 0 : i32
    %dma_wait3A_265 = tpu.memref_slice %arg5[%dma_wait3A_263, %dma_wait3A_264] : memref<4096x1024xf32, #tpu.memory_space<hbm>> -> memref<4096x1024xf32, #tpu.memory_space<hbm>>
    tpu.wait_indirect_dma semaphore(%arg11 : memref<!tpu.dma_semaphore, #tpu.memory_space<semaphore_mem>>) src(%dma_wait3A_259 : memref<16x1024xf32, #tpu.memory_space<vmem>>) dst(%dma_wait3A_265 : memref<4096x1024xf32, #tpu.memory_space<hbm>>)
    %dma_wait3A_266 = arith.constant 1 : i32
    %dma_wait3A_267 = arith.constant 1 : i32
    %dma_wait3A_268 = arith.constant 0 : i32
    %dma_wait3A_269 = arith.constant 0 : i32
    %dma_wait3A_270 = tpu.memref_slice %arg9[%dma_wait3A_266, %dma_wait3A_268, %dma_wait3A_269] : memref<2x16x128xf32, #tpu.memory_space<vmem>> -> memref<1x16x128xf32, #tpu.memory_space<vmem>>
    %dma_wait3A_271 = tpu.memref_squeeze %dma_wait3A_270 : memref<1x16x128xf32, #tpu.memory_space<vmem>> -> memref<16x128xf32, #tpu.memory_space<vmem>>
    %dma_wait3A_272 = arith.constant 0 : i32
    %dma_wait3A_273 = tpu.memref_slice %arg7[%dma_wait3A_267, %dma_wait3A_272] : memref<2x16xi32, #tpu.memory_space<vmem>> -> memref<1x16xi32, #tpu.memory_space<vmem>>
    %dma_wait3A_274 = tpu.memref_squeeze %dma_wait3A_273 : memref<1x16xi32, #tpu.memory_space<vmem>> -> memref<16xi32, #tpu.memory_space<vmem>>
    %dma_wait3A_275 = arith.constant 0 : i32
    %dma_wait3A_276 = arith.constant 0 : i32
    %dma_wait3A_277 = tpu.memref_slice %arg6[%dma_wait3A_275, %dma_wait3A_276] : memref<4096x128xf32, #tpu.memory_space<hbm>> -> memref<4096x128xf32, #tpu.memory_space<hbm>>
    tpu.wait_indirect_dma semaphore(%arg11 : memref<!tpu.dma_semaphore, #tpu.memory_space<semaphore_mem>>) src(%dma_wait3A_271 : memref<16x128xf32, #tpu.memory_space<vmem>>) dst(%dma_wait3A_277 : memref<4096x128xf32, #tpu.memory_space<hbm>>)
    %add3A_278 = arith.constant 48 : i32
    %add3A_279 = arith.addi %mul3A_2, %add3A_278 : i32
    %dma_start3A_280 = arith.constant 1 : i32
    %dma_start3A_281 = arith.constant 0 : i32
    %dma_start3A_282 = tpu.memref_slice %arg7[%dma_start3A_280, %dma_start3A_281] : memref<2x16xi32, #tpu.memory_space<vmem>> -> memref<1x16xi32, #tpu.memory_space<vmem>>
    %dma_start3A_283 = tpu.memref_squeeze %dma_start3A_282 : memref<1x16xi32, #tpu.memory_space<vmem>> -> memref<16xi32, #tpu.memory_space<vmem>>
    %dma_start3A_284 = tpu.memref_slice %arg4[%add3A_279] : memref<4096xi32, #tpu.memory_space<hbm>> -> memref<16xi32, #tpu.memory_space<hbm>>
    %dma_start3A_285 = arith.constant 0 : i32
    %dma_start3A_286 = tpu.memref_slice %arg7[%dma_start3A_280, %dma_start3A_285] : memref<2x16xi32, #tpu.memory_space<vmem>> -> memref<1x16xi32, #tpu.memory_space<vmem>>
    %dma_start3A_287 = tpu.memref_squeeze %dma_start3A_286 : memref<1x16xi32, #tpu.memory_space<vmem>> -> memref<16xi32, #tpu.memory_space<vmem>>
    %dma_start3A_288 = tpu.memref_slice %arg4[%add3A_279] : memref<4096xi32, #tpu.memory_space<hbm>> -> memref<16xi32, #tpu.memory_space<hbm>>
    tpu.enqueue_dma source(%dma_start3A_288 : memref<16xi32, #tpu.memory_space<hbm>>) target(%dma_start3A_287 : memref<16xi32, #tpu.memory_space<vmem>>) target_semaphore(%arg10 : memref<!tpu.dma_semaphore, #tpu.memory_space<semaphore_mem>>)
    %dma_start3A_289 = arith.constant 1 : i32
    %dma_start3A_290 = arith.constant 0 : i32
    %dma_start3A_291 = arith.constant 0 : i32
    %dma_start3A_292 = tpu.memref_slice %arg8[%dma_start3A_289, %dma_start3A_290, %dma_start3A_291] : memref<2x16x1024xf32, #tpu.memory_space<vmem>> -> memref<1x16x1024xf32, #tpu.memory_space<vmem>>
    %dma_start3A_293 = tpu.memref_squeeze %dma_start3A_292 : memref<1x16x1024xf32, #tpu.memory_space<vmem>> -> memref<16x1024xf32, #tpu.memory_space<vmem>>
    %dma_start3A_294 = arith.constant 0 : i32
    %dma_start3A_295 = tpu.memref_slice %arg2[%add3A_279, %dma_start3A_294] : memref<4096x1024xf32, #tpu.memory_space<hbm>> -> memref<16x1024xf32, #tpu.memory_space<hbm>>
    %dma_start3A_296 = arith.constant 0 : i32
    %dma_start3A_297 = arith.constant 0 : i32
    %dma_start3A_298 = tpu.memref_slice %arg8[%dma_start3A_289, %dma_start3A_296, %dma_start3A_297] : memref<2x16x1024xf32, #tpu.memory_space<vmem>> -> memref<1x16x1024xf32, #tpu.memory_space<vmem>>
    %dma_start3A_299 = tpu.memref_squeeze %dma_start3A_298 : memref<1x16x1024xf32, #tpu.memory_space<vmem>> -> memref<16x1024xf32, #tpu.memory_space<vmem>>
    %dma_start3A_300 = arith.constant 0 : i32
    %dma_start3A_301 = tpu.memref_slice %arg2[%add3A_279, %dma_start3A_300] : memref<4096x1024xf32, #tpu.memory_space<hbm>> -> memref<16x1024xf32, #tpu.memory_space<hbm>>
    tpu.enqueue_dma source(%dma_start3A_301 : memref<16x1024xf32, #tpu.memory_space<hbm>>) target(%dma_start3A_299 : memref<16x1024xf32, #tpu.memory_space<vmem>>) target_semaphore(%arg10 : memref<!tpu.dma_semaphore, #tpu.memory_space<semaphore_mem>>)
    %dma_start3A_302 = arith.constant 1 : i32
    %dma_start3A_303 = arith.constant 0 : i32
    %dma_start3A_304 = arith.constant 0 : i32
    %dma_start3A_305 = tpu.memref_slice %arg9[%dma_start3A_302, %dma_start3A_303, %dma_start3A_304] : memref<2x16x128xf32, #tpu.memory_space<vmem>> -> memref<1x16x128xf32, #tpu.memory_space<vmem>>
    %dma_start3A_306 = tpu.memref_squeeze %dma_start3A_305 : memref<1x16x128xf32, #tpu.memory_space<vmem>> -> memref<16x128xf32, #tpu.memory_space<vmem>>
    %dma_start3A_307 = arith.constant 0 : i32
    %dma_start3A_308 = tpu.memref_slice %arg3[%add3A_279, %dma_start3A_307] : memref<4096x128xf32, #tpu.memory_space<hbm>> -> memref<16x128xf32, #tpu.memory_space<hbm>>
    %dma_start3A_309 = arith.constant 0 : i32
    %dma_start3A_310 = arith.constant 0 : i32
    %dma_start3A_311 = tpu.memref_slice %arg9[%dma_start3A_302, %dma_start3A_309, %dma_start3A_310] : memref<2x16x128xf32, #tpu.memory_space<vmem>> -> memref<1x16x128xf32, #tpu.memory_space<vmem>>
    %dma_start3A_312 = tpu.memref_squeeze %dma_start3A_311 : memref<1x16x128xf32, #tpu.memory_space<vmem>> -> memref<16x128xf32, #tpu.memory_space<vmem>>
    %dma_start3A_313 = arith.constant 0 : i32
    %dma_start3A_314 = tpu.memref_slice %arg3[%add3A_279, %dma_start3A_313] : memref<4096x128xf32, #tpu.memory_space<hbm>> -> memref<16x128xf32, #tpu.memory_space<hbm>>
    tpu.enqueue_dma source(%dma_start3A_314 : memref<16x128xf32, #tpu.memory_space<hbm>>) target(%dma_start3A_312 : memref<16x128xf32, #tpu.memory_space<vmem>>) target_semaphore(%arg10 : memref<!tpu.dma_semaphore, #tpu.memory_space<semaphore_mem>>)
    %dma_wait3A_315 = arith.constant 0 : i32
    %dma_wait3A_316 = arith.constant 0 : i32
    %dma_wait3A_317 = tpu.memref_slice %arg7[%dma_wait3A_315, %dma_wait3A_316] : memref<2x16xi32, #tpu.memory_space<vmem>> -> memref<1x16xi32, #tpu.memory_space<vmem>>
    %dma_wait3A_318 = tpu.memref_squeeze %dma_wait3A_317 : memref<1x16xi32, #tpu.memory_space<vmem>> -> memref<16xi32, #tpu.memory_space<vmem>>
    %dma_wait3A_319 = tpu.memref_slice %arg4[%add3A_159] : memref<4096xi32, #tpu.memory_space<hbm>> -> memref<16xi32, #tpu.memory_space<hbm>>
    %dma_wait3A_320 = arith.constant 0 : i32
    %dma_wait3A_321 = tpu.memref_slice %arg7[%dma_wait3A_315, %dma_wait3A_320] : memref<2x16xi32, #tpu.memory_space<vmem>> -> memref<1x16xi32, #tpu.memory_space<vmem>>
    %dma_wait3A_322 = tpu.memref_squeeze %dma_wait3A_321 : memref<1x16xi32, #tpu.memory_space<vmem>> -> memref<16xi32, #tpu.memory_space<vmem>>
    %dma_wait3A_323 = tpu.memref_slice %arg4[%add3A_159] : memref<4096xi32, #tpu.memory_space<hbm>> -> memref<16xi32, #tpu.memory_space<hbm>>
    tpu.wait_dma2 semaphore(%arg10 : memref<!tpu.dma_semaphore, #tpu.memory_space<semaphore_mem>>) src(%dma_wait3A_323 : memref<16xi32, #tpu.memory_space<hbm>>) dst(%dma_wait3A_322 : memref<16xi32, #tpu.memory_space<vmem>>)
    %dma_wait3A_324 = arith.constant 0 : i32
    %dma_wait3A_325 = arith.constant 0 : i32
    %dma_wait3A_326 = arith.constant 0 : i32
    %dma_wait3A_327 = tpu.memref_slice %arg8[%dma_wait3A_324, %dma_wait3A_325, %dma_wait3A_326] : memref<2x16x1024xf32, #tpu.memory_space<vmem>> -> memref<1x16x1024xf32, #tpu.memory_space<vmem>>
    %dma_wait3A_328 = tpu.memref_squeeze %dma_wait3A_327 : memref<1x16x1024xf32, #tpu.memory_space<vmem>> -> memref<16x1024xf32, #tpu.memory_space<vmem>>
    %dma_wait3A_329 = arith.constant 0 : i32
    %dma_wait3A_330 = tpu.memref_slice %arg2[%add3A_159, %dma_wait3A_329] : memref<4096x1024xf32, #tpu.memory_space<hbm>> -> memref<16x1024xf32, #tpu.memory_space<hbm>>
    %dma_wait3A_331 = arith.constant 0 : i32
    %dma_wait3A_332 = arith.constant 0 : i32
    %dma_wait3A_333 = tpu.memref_slice %arg8[%dma_wait3A_324, %dma_wait3A_331, %dma_wait3A_332] : memref<2x16x1024xf32, #tpu.memory_space<vmem>> -> memref<1x16x1024xf32, #tpu.memory_space<vmem>>
    %dma_wait3A_334 = tpu.memref_squeeze %dma_wait3A_333 : memref<1x16x1024xf32, #tpu.memory_space<vmem>> -> memref<16x1024xf32, #tpu.memory_space<vmem>>
    %dma_wait3A_335 = arith.constant 0 : i32
    %dma_wait3A_336 = tpu.memref_slice %arg2[%add3A_159, %dma_wait3A_335] : memref<4096x1024xf32, #tpu.memory_space<hbm>> -> memref<16x1024xf32, #tpu.memory_space<hbm>>
    tpu.wait_dma2 semaphore(%arg10 : memref<!tpu.dma_semaphore, #tpu.memory_space<semaphore_mem>>) src(%dma_wait3A_336 : memref<16x1024xf32, #tpu.memory_space<hbm>>) dst(%dma_wait3A_334 : memref<16x1024xf32, #tpu.memory_space<vmem>>)
    %dma_wait3A_337 = arith.constant 0 : i32
    %dma_wait3A_338 = arith.constant 0 : i32
    %dma_wait3A_339 = arith.constant 0 : i32
    %dma_wait3A_340 = tpu.memref_slice %arg9[%dma_wait3A_337, %dma_wait3A_338, %dma_wait3A_339] : memref<2x16x128xf32, #tpu.memory_space<vmem>> -> memref<1x16x128xf32, #tpu.memory_space<vmem>>
    %dma_wait3A_341 = tpu.memref_squeeze %dma_wait3A_340 : memref<1x16x128xf32, #tpu.memory_space<vmem>> -> memref<16x128xf32, #tpu.memory_space<vmem>>
    %dma_wait3A_342 = arith.constant 0 : i32
    %dma_wait3A_343 = tpu.memref_slice %arg3[%add3A_159, %dma_wait3A_342] : memref<4096x128xf32, #tpu.memory_space<hbm>> -> memref<16x128xf32, #tpu.memory_space<hbm>>
    %dma_wait3A_344 = arith.constant 0 : i32
    %dma_wait3A_345 = arith.constant 0 : i32
    %dma_wait3A_346 = tpu.memref_slice %arg9[%dma_wait3A_337, %dma_wait3A_344, %dma_wait3A_345] : memref<2x16x128xf32, #tpu.memory_space<vmem>> -> memref<1x16x128xf32, #tpu.memory_space<vmem>>
    %dma_wait3A_347 = tpu.memref_squeeze %dma_wait3A_346 : memref<1x16x128xf32, #tpu.memory_space<vmem>> -> memref<16x128xf32, #tpu.memory_space<vmem>>
    %dma_wait3A_348 = arith.constant 0 : i32
    %dma_wait3A_349 = tpu.memref_slice %arg3[%add3A_159, %dma_wait3A_348] : memref<4096x128xf32, #tpu.memory_space<hbm>> -> memref<16x128xf32, #tpu.memory_space<hbm>>
    tpu.wait_dma2 semaphore(%arg10 : memref<!tpu.dma_semaphore, #tpu.memory_space<semaphore_mem>>) src(%dma_wait3A_349 : memref<16x128xf32, #tpu.memory_space<hbm>>) dst(%dma_wait3A_347 : memref<16x128xf32, #tpu.memory_space<vmem>>)
    %dma_start3A_350 = arith.constant 0 : i32
    %dma_start3A_351 = arith.constant 0 : i32
    %dma_start3A_352 = arith.constant 0 : i32
    %dma_start3A_353 = arith.constant 0 : i32
    %dma_start3A_354 = tpu.memref_slice %arg8[%dma_start3A_350, %dma_start3A_352, %dma_start3A_353] : memref<2x16x1024xf32, #tpu.memory_space<vmem>> -> memref<1x16x1024xf32, #tpu.memory_space<vmem>>
    %dma_start3A_355 = tpu.memref_squeeze %dma_start3A_354 : memref<1x16x1024xf32, #tpu.memory_space<vmem>> -> memref<16x1024xf32, #tpu.memory_space<vmem>>
    %dma_start3A_356 = arith.constant 0 : i32
    %dma_start3A_357 = tpu.memref_slice %arg7[%dma_start3A_351, %dma_start3A_356] : memref<2x16xi32, #tpu.memory_space<vmem>> -> memref<1x16xi32, #tpu.memory_space<vmem>>
    %dma_start3A_358 = tpu.memref_squeeze %dma_start3A_357 : memref<1x16xi32, #tpu.memory_space<vmem>> -> memref<16xi32, #tpu.memory_space<vmem>>
    %dma_start3A_359 = arith.constant 0 : i32
    %dma_start3A_360 = arith.constant 0 : i32
    %dma_start3A_361 = tpu.memref_slice %arg5[%dma_start3A_359, %dma_start3A_360] : memref<4096x1024xf32, #tpu.memory_space<hbm>> -> memref<4096x1024xf32, #tpu.memory_space<hbm>>
    tpu.enqueue_indirect_dma source(%dma_start3A_355 : memref<16x1024xf32, #tpu.memory_space<vmem>>) target(%dma_start3A_361 : memref<4096x1024xf32, #tpu.memory_space<hbm>>) offsets(%dma_start3A_358 : memref<16xi32, #tpu.memory_space<vmem>>) semaphore(%arg11 : memref<!tpu.dma_semaphore, #tpu.memory_space<semaphore_mem>>)
    %dma_start3A_362 = arith.constant 0 : i32
    %dma_start3A_363 = arith.constant 0 : i32
    %dma_start3A_364 = arith.constant 0 : i32
    %dma_start3A_365 = arith.constant 0 : i32
    %dma_start3A_366 = tpu.memref_slice %arg9[%dma_start3A_362, %dma_start3A_364, %dma_start3A_365] : memref<2x16x128xf32, #tpu.memory_space<vmem>> -> memref<1x16x128xf32, #tpu.memory_space<vmem>>
    %dma_start3A_367 = tpu.memref_squeeze %dma_start3A_366 : memref<1x16x128xf32, #tpu.memory_space<vmem>> -> memref<16x128xf32, #tpu.memory_space<vmem>>
    %dma_start3A_368 = arith.constant 0 : i32
    %dma_start3A_369 = tpu.memref_slice %arg7[%dma_start3A_363, %dma_start3A_368] : memref<2x16xi32, #tpu.memory_space<vmem>> -> memref<1x16xi32, #tpu.memory_space<vmem>>
    %dma_start3A_370 = tpu.memref_squeeze %dma_start3A_369 : memref<1x16xi32, #tpu.memory_space<vmem>> -> memref<16xi32, #tpu.memory_space<vmem>>
    %dma_start3A_371 = arith.constant 0 : i32
    %dma_start3A_372 = arith.constant 0 : i32
    %dma_start3A_373 = tpu.memref_slice %arg6[%dma_start3A_371, %dma_start3A_372] : memref<4096x128xf32, #tpu.memory_space<hbm>> -> memref<4096x128xf32, #tpu.memory_space<hbm>>
    tpu.enqueue_indirect_dma source(%dma_start3A_367 : memref<16x128xf32, #tpu.memory_space<vmem>>) target(%dma_start3A_373 : memref<4096x128xf32, #tpu.memory_space<hbm>>) offsets(%dma_start3A_370 : memref<16xi32, #tpu.memory_space<vmem>>) semaphore(%arg11 : memref<!tpu.dma_semaphore, #tpu.memory_space<semaphore_mem>>)
    %dma_wait3A_374 = arith.constant 0 : i32
    %dma_wait3A_375 = arith.constant 0 : i32
    %dma_wait3A_376 = arith.constant 0 : i32
    %dma_wait3A_377 = arith.constant 0 : i32
    %dma_wait3A_378 = tpu.memref_slice %arg8[%dma_wait3A_374, %dma_wait3A_376, %dma_wait3A_377] : memref<2x16x1024xf32, #tpu.memory_space<vmem>> -> memref<1x16x1024xf32, #tpu.memory_space<vmem>>
    %dma_wait3A_379 = tpu.memref_squeeze %dma_wait3A_378 : memref<1x16x1024xf32, #tpu.memory_space<vmem>> -> memref<16x1024xf32, #tpu.memory_space<vmem>>
    %dma_wait3A_380 = arith.constant 0 : i32
    %dma_wait3A_381 = tpu.memref_slice %arg7[%dma_wait3A_375, %dma_wait3A_380] : memref<2x16xi32, #tpu.memory_space<vmem>> -> memref<1x16xi32, #tpu.memory_space<vmem>>
    %dma_wait3A_382 = tpu.memref_squeeze %dma_wait3A_381 : memref<1x16xi32, #tpu.memory_space<vmem>> -> memref<16xi32, #tpu.memory_space<vmem>>
    %dma_wait3A_383 = arith.constant 0 : i32
    %dma_wait3A_384 = arith.constant 0 : i32
    %dma_wait3A_385 = tpu.memref_slice %arg5[%dma_wait3A_383, %dma_wait3A_384] : memref<4096x1024xf32, #tpu.memory_space<hbm>> -> memref<4096x1024xf32, #tpu.memory_space<hbm>>
    tpu.wait_indirect_dma semaphore(%arg11 : memref<!tpu.dma_semaphore, #tpu.memory_space<semaphore_mem>>) src(%dma_wait3A_379 : memref<16x1024xf32, #tpu.memory_space<vmem>>) dst(%dma_wait3A_385 : memref<4096x1024xf32, #tpu.memory_space<hbm>>)
    %dma_wait3A_386 = arith.constant 0 : i32
    %dma_wait3A_387 = arith.constant 0 : i32
    %dma_wait3A_388 = arith.constant 0 : i32
    %dma_wait3A_389 = arith.constant 0 : i32
    %dma_wait3A_390 = tpu.memref_slice %arg9[%dma_wait3A_386, %dma_wait3A_388, %dma_wait3A_389] : memref<2x16x128xf32, #tpu.memory_space<vmem>> -> memref<1x16x128xf32, #tpu.memory_space<vmem>>
    %dma_wait3A_391 = tpu.memref_squeeze %dma_wait3A_390 : memref<1x16x128xf32, #tpu.memory_space<vmem>> -> memref<16x128xf32, #tpu.memory_space<vmem>>
    %dma_wait3A_392 = arith.constant 0 : i32
    %dma_wait3A_393 = tpu.memref_slice %arg7[%dma_wait3A_387, %dma_wait3A_392] : memref<2x16xi32, #tpu.memory_space<vmem>> -> memref<1x16xi32, #tpu.memory_space<vmem>>
    %dma_wait3A_394 = tpu.memref_squeeze %dma_wait3A_393 : memref<1x16xi32, #tpu.memory_space<vmem>> -> memref<16xi32, #tpu.memory_space<vmem>>
    %dma_wait3A_395 = arith.constant 0 : i32
    %dma_wait3A_396 = arith.constant 0 : i32
    %dma_wait3A_397 = tpu.memref_slice %arg6[%dma_wait3A_395, %dma_wait3A_396] : memref<4096x128xf32, #tpu.memory_space<hbm>> -> memref<4096x128xf32, #tpu.memory_space<hbm>>
    tpu.wait_indirect_dma semaphore(%arg11 : memref<!tpu.dma_semaphore, #tpu.memory_space<semaphore_mem>>) src(%dma_wait3A_391 : memref<16x128xf32, #tpu.memory_space<vmem>>) dst(%dma_wait3A_397 : memref<4096x128xf32, #tpu.memory_space<hbm>>)
    %add3A_398 = arith.constant 64 : i32
    %add3A_399 = arith.addi %mul3A_2, %add3A_398 : i32
    %dma_start3A_400 = arith.constant 0 : i32
    %dma_start3A_401 = arith.constant 0 : i32
    %dma_start3A_402 = tpu.memref_slice %arg7[%dma_start3A_400, %dma_start3A_401] : memref<2x16xi32, #tpu.memory_space<vmem>> -> memref<1x16xi32, #tpu.memory_space<vmem>>
    %dma_start3A_403 = tpu.memref_squeeze %dma_start3A_402 : memref<1x16xi32, #tpu.memory_space<vmem>> -> memref<16xi32, #tpu.memory_space<vmem>>
    %dma_start3A_404 = tpu.memref_slice %arg4[%add3A_399] : memref<4096xi32, #tpu.memory_space<hbm>> -> memref<16xi32, #tpu.memory_space<hbm>>
    %dma_start3A_405 = arith.constant 0 : i32
    %dma_start3A_406 = tpu.memref_slice %arg7[%dma_start3A_400, %dma_start3A_405] : memref<2x16xi32, #tpu.memory_space<vmem>> -> memref<1x16xi32, #tpu.memory_space<vmem>>
    %dma_start3A_407 = tpu.memref_squeeze %dma_start3A_406 : memref<1x16xi32, #tpu.memory_space<vmem>> -> memref<16xi32, #tpu.memory_space<vmem>>
    %dma_start3A_408 = tpu.memref_slice %arg4[%add3A_399] : memref<4096xi32, #tpu.memory_space<hbm>> -> memref<16xi32, #tpu.memory_space<hbm>>
    tpu.enqueue_dma source(%dma_start3A_408 : memref<16xi32, #tpu.memory_space<hbm>>) target(%dma_start3A_407 : memref<16xi32, #tpu.memory_space<vmem>>) target_semaphore(%arg10 : memref<!tpu.dma_semaphore, #tpu.memory_space<semaphore_mem>>)
    %dma_start3A_409 = arith.constant 0 : i32
    %dma_start3A_410 = arith.constant 0 : i32
    %dma_start3A_411 = arith.constant 0 : i32
    %dma_start3A_412 = tpu.memref_slice %arg8[%dma_start3A_409, %dma_start3A_410, %dma_start3A_411] : memref<2x16x1024xf32, #tpu.memory_space<vmem>> -> memref<1x16x1024xf32, #tpu.memory_space<vmem>>
    %dma_start3A_413 = tpu.memref_squeeze %dma_start3A_412 : memref<1x16x1024xf32, #tpu.memory_space<vmem>> -> memref<16x1024xf32, #tpu.memory_space<vmem>>
    %dma_start3A_414 = arith.constant 0 : i32
    %dma_start3A_415 = tpu.memref_slice %arg2[%add3A_399, %dma_start3A_414] : memref<4096x1024xf32, #tpu.memory_space<hbm>> -> memref<16x1024xf32, #tpu.memory_space<hbm>>
    %dma_start3A_416 = arith.constant 0 : i32
    %dma_start3A_417 = arith.constant 0 : i32
    %dma_start3A_418 = tpu.memref_slice %arg8[%dma_start3A_409, %dma_start3A_416, %dma_start3A_417] : memref<2x16x1024xf32, #tpu.memory_space<vmem>> -> memref<1x16x1024xf32, #tpu.memory_space<vmem>>
    %dma_start3A_419 = tpu.memref_squeeze %dma_start3A_418 : memref<1x16x1024xf32, #tpu.memory_space<vmem>> -> memref<16x1024xf32, #tpu.memory_space<vmem>>
    %dma_start3A_420 = arith.constant 0 : i32
    %dma_start3A_421 = tpu.memref_slice %arg2[%add3A_399, %dma_start3A_420] : memref<4096x1024xf32, #tpu.memory_space<hbm>> -> memref<16x1024xf32, #tpu.memory_space<hbm>>
    tpu.enqueue_dma source(%dma_start3A_421 : memref<16x1024xf32, #tpu.memory_space<hbm>>) target(%dma_start3A_419 : memref<16x1024xf32, #tpu.memory_space<vmem>>) target_semaphore(%arg10 : memref<!tpu.dma_semaphore, #tpu.memory_space<semaphore_mem>>)
    %dma_start3A_422 = arith.constant 0 : i32
    %dma_start3A_423 = arith.constant 0 : i32
    %dma_start3A_424 = arith.constant 0 : i32
    %dma_start3A_425 = tpu.memref_slice %arg9[%dma_start3A_422, %dma_start3A_423, %dma_start3A_424] : memref<2x16x128xf32, #tpu.memory_space<vmem>> -> memref<1x16x128xf32, #tpu.memory_space<vmem>>
    %dma_start3A_426 = tpu.memref_squeeze %dma_start3A_425 : memref<1x16x128xf32, #tpu.memory_space<vmem>> -> memref<16x128xf32, #tpu.memory_space<vmem>>
    %dma_start3A_427 = arith.constant 0 : i32
    %dma_start3A_428 = tpu.memref_slice %arg3[%add3A_399, %dma_start3A_427] : memref<4096x128xf32, #tpu.memory_space<hbm>> -> memref<16x128xf32, #tpu.memory_space<hbm>>
    %dma_start3A_429 = arith.constant 0 : i32
    %dma_start3A_430 = arith.constant 0 : i32
    %dma_start3A_431 = tpu.memref_slice %arg9[%dma_start3A_422, %dma_start3A_429, %dma_start3A_430] : memref<2x16x128xf32, #tpu.memory_space<vmem>> -> memref<1x16x128xf32, #tpu.memory_space<vmem>>
    %dma_start3A_432 = tpu.memref_squeeze %dma_start3A_431 : memref<1x16x128xf32, #tpu.memory_space<vmem>> -> memref<16x128xf32, #tpu.memory_space<vmem>>
    %dma_start3A_433 = arith.constant 0 : i32
    %dma_start3A_434 = tpu.memref_slice %arg3[%add3A_399, %dma_start3A_433] : memref<4096x128xf32, #tpu.memory_space<hbm>> -> memref<16x128xf32, #tpu.memory_space<hbm>>
    tpu.enqueue_dma source(%dma_start3A_434 : memref<16x128xf32, #tpu.memory_space<hbm>>) target(%dma_start3A_432 : memref<16x128xf32, #tpu.memory_space<vmem>>) target_semaphore(%arg10 : memref<!tpu.dma_semaphore, #tpu.memory_space<semaphore_mem>>)
    %dma_wait3A_435 = arith.constant 1 : i32
    %dma_wait3A_436 = arith.constant 0 : i32
    %dma_wait3A_437 = tpu.memref_slice %arg7[%dma_wait3A_435, %dma_wait3A_436] : memref<2x16xi32, #tpu.memory_space<vmem>> -> memref<1x16xi32, #tpu.memory_space<vmem>>
    %dma_wait3A_438 = tpu.memref_squeeze %dma_wait3A_437 : memref<1x16xi32, #tpu.memory_space<vmem>> -> memref<16xi32, #tpu.memory_space<vmem>>
    %dma_wait3A_439 = tpu.memref_slice %arg4[%add3A_279] : memref<4096xi32, #tpu.memory_space<hbm>> -> memref<16xi32, #tpu.memory_space<hbm>>
    %dma_wait3A_440 = arith.constant 0 : i32
    %dma_wait3A_441 = tpu.memref_slice %arg7[%dma_wait3A_435, %dma_wait3A_440] : memref<2x16xi32, #tpu.memory_space<vmem>> -> memref<1x16xi32, #tpu.memory_space<vmem>>
    %dma_wait3A_442 = tpu.memref_squeeze %dma_wait3A_441 : memref<1x16xi32, #tpu.memory_space<vmem>> -> memref<16xi32, #tpu.memory_space<vmem>>
    %dma_wait3A_443 = tpu.memref_slice %arg4[%add3A_279] : memref<4096xi32, #tpu.memory_space<hbm>> -> memref<16xi32, #tpu.memory_space<hbm>>
    tpu.wait_dma2 semaphore(%arg10 : memref<!tpu.dma_semaphore, #tpu.memory_space<semaphore_mem>>) src(%dma_wait3A_443 : memref<16xi32, #tpu.memory_space<hbm>>) dst(%dma_wait3A_442 : memref<16xi32, #tpu.memory_space<vmem>>)
    %dma_wait3A_444 = arith.constant 1 : i32
    %dma_wait3A_445 = arith.constant 0 : i32
    %dma_wait3A_446 = arith.constant 0 : i32
    %dma_wait3A_447 = tpu.memref_slice %arg8[%dma_wait3A_444, %dma_wait3A_445, %dma_wait3A_446] : memref<2x16x1024xf32, #tpu.memory_space<vmem>> -> memref<1x16x1024xf32, #tpu.memory_space<vmem>>
    %dma_wait3A_448 = tpu.memref_squeeze %dma_wait3A_447 : memref<1x16x1024xf32, #tpu.memory_space<vmem>> -> memref<16x1024xf32, #tpu.memory_space<vmem>>
    %dma_wait3A_449 = arith.constant 0 : i32
    %dma_wait3A_450 = tpu.memref_slice %arg2[%add3A_279, %dma_wait3A_449] : memref<4096x1024xf32, #tpu.memory_space<hbm>> -> memref<16x1024xf32, #tpu.memory_space<hbm>>
    %dma_wait3A_451 = arith.constant 0 : i32
    %dma_wait3A_452 = arith.constant 0 : i32
    %dma_wait3A_453 = tpu.memref_slice %arg8[%dma_wait3A_444, %dma_wait3A_451, %dma_wait3A_452] : memref<2x16x1024xf32, #tpu.memory_space<vmem>> -> memref<1x16x1024xf32, #tpu.memory_space<vmem>>
    %dma_wait3A_454 = tpu.memref_squeeze %dma_wait3A_453 : memref<1x16x1024xf32, #tpu.memory_space<vmem>> -> memref<16x1024xf32, #tpu.memory_space<vmem>>
    %dma_wait3A_455 = arith.constant 0 : i32
    %dma_wait3A_456 = tpu.memref_slice %arg2[%add3A_279, %dma_wait3A_455] : memref<4096x1024xf32, #tpu.memory_space<hbm>> -> memref<16x1024xf32, #tpu.memory_space<hbm>>
    tpu.wait_dma2 semaphore(%arg10 : memref<!tpu.dma_semaphore, #tpu.memory_space<semaphore_mem>>) src(%dma_wait3A_456 : memref<16x1024xf32, #tpu.memory_space<hbm>>) dst(%dma_wait3A_454 : memref<16x1024xf32, #tpu.memory_space<vmem>>)
    %dma_wait3A_457 = arith.constant 1 : i32
    %dma_wait3A_458 = arith.constant 0 : i32
    %dma_wait3A_459 = arith.constant 0 : i32
    %dma_wait3A_460 = tpu.memref_slice %arg9[%dma_wait3A_457, %dma_wait3A_458, %dma_wait3A_459] : memref<2x16x128xf32, #tpu.memory_space<vmem>> -> memref<1x16x128xf32, #tpu.memory_space<vmem>>
    %dma_wait3A_461 = tpu.memref_squeeze %dma_wait3A_460 : memref<1x16x128xf32, #tpu.memory_space<vmem>> -> memref<16x128xf32, #tpu.memory_space<vmem>>
    %dma_wait3A_462 = arith.constant 0 : i32
    %dma_wait3A_463 = tpu.memref_slice %arg3[%add3A_279, %dma_wait3A_462] : memref<4096x128xf32, #tpu.memory_space<hbm>> -> memref<16x128xf32, #tpu.memory_space<hbm>>
    %dma_wait3A_464 = arith.constant 0 : i32
    %dma_wait3A_465 = arith.constant 0 : i32
    %dma_wait3A_466 = tpu.memref_slice %arg9[%dma_wait3A_457, %dma_wait3A_464, %dma_wait3A_465] : memref<2x16x128xf32, #tpu.memory_space<vmem>> -> memref<1x16x128xf32, #tpu.memory_space<vmem>>
    %dma_wait3A_467 = tpu.memref_squeeze %dma_wait3A_466 : memref<1x16x128xf32, #tpu.memory_space<vmem>> -> memref<16x128xf32, #tpu.memory_space<vmem>>
    %dma_wait3A_468 = arith.constant 0 : i32
    %dma_wait3A_469 = tpu.memref_slice %arg3[%add3A_279, %dma_wait3A_468] : memref<4096x128xf32, #tpu.memory_space<hbm>> -> memref<16x128xf32, #tpu.memory_space<hbm>>
    tpu.wait_dma2 semaphore(%arg10 : memref<!tpu.dma_semaphore, #tpu.memory_space<semaphore_mem>>) src(%dma_wait3A_469 : memref<16x128xf32, #tpu.memory_space<hbm>>) dst(%dma_wait3A_467 : memref<16x128xf32, #tpu.memory_space<vmem>>)
    %dma_start3A_470 = arith.constant 1 : i32
    %dma_start3A_471 = arith.constant 1 : i32
    %dma_start3A_472 = arith.constant 0 : i32
    %dma_start3A_473 = arith.constant 0 : i32
    %dma_start3A_474 = tpu.memref_slice %arg8[%dma_start3A_470, %dma_start3A_472, %dma_start3A_473] : memref<2x16x1024xf32, #tpu.memory_space<vmem>> -> memref<1x16x1024xf32, #tpu.memory_space<vmem>>
    %dma_start3A_475 = tpu.memref_squeeze %dma_start3A_474 : memref<1x16x1024xf32, #tpu.memory_space<vmem>> -> memref<16x1024xf32, #tpu.memory_space<vmem>>
    %dma_start3A_476 = arith.constant 0 : i32
    %dma_start3A_477 = tpu.memref_slice %arg7[%dma_start3A_471, %dma_start3A_476] : memref<2x16xi32, #tpu.memory_space<vmem>> -> memref<1x16xi32, #tpu.memory_space<vmem>>
    %dma_start3A_478 = tpu.memref_squeeze %dma_start3A_477 : memref<1x16xi32, #tpu.memory_space<vmem>> -> memref<16xi32, #tpu.memory_space<vmem>>
    %dma_start3A_479 = arith.constant 0 : i32
    %dma_start3A_480 = arith.constant 0 : i32
    %dma_start3A_481 = tpu.memref_slice %arg5[%dma_start3A_479, %dma_start3A_480] : memref<4096x1024xf32, #tpu.memory_space<hbm>> -> memref<4096x1024xf32, #tpu.memory_space<hbm>>
    tpu.enqueue_indirect_dma source(%dma_start3A_475 : memref<16x1024xf32, #tpu.memory_space<vmem>>) target(%dma_start3A_481 : memref<4096x1024xf32, #tpu.memory_space<hbm>>) offsets(%dma_start3A_478 : memref<16xi32, #tpu.memory_space<vmem>>) semaphore(%arg11 : memref<!tpu.dma_semaphore, #tpu.memory_space<semaphore_mem>>)
    %dma_start3A_482 = arith.constant 1 : i32
    %dma_start3A_483 = arith.constant 1 : i32
    %dma_start3A_484 = arith.constant 0 : i32
    %dma_start3A_485 = arith.constant 0 : i32
    %dma_start3A_486 = tpu.memref_slice %arg9[%dma_start3A_482, %dma_start3A_484, %dma_start3A_485] : memref<2x16x128xf32, #tpu.memory_space<vmem>> -> memref<1x16x128xf32, #tpu.memory_space<vmem>>
    %dma_start3A_487 = tpu.memref_squeeze %dma_start3A_486 : memref<1x16x128xf32, #tpu.memory_space<vmem>> -> memref<16x128xf32, #tpu.memory_space<vmem>>
    %dma_start3A_488 = arith.constant 0 : i32
    %dma_start3A_489 = tpu.memref_slice %arg7[%dma_start3A_483, %dma_start3A_488] : memref<2x16xi32, #tpu.memory_space<vmem>> -> memref<1x16xi32, #tpu.memory_space<vmem>>
    %dma_start3A_490 = tpu.memref_squeeze %dma_start3A_489 : memref<1x16xi32, #tpu.memory_space<vmem>> -> memref<16xi32, #tpu.memory_space<vmem>>
    %dma_start3A_491 = arith.constant 0 : i32
    %dma_start3A_492 = arith.constant 0 : i32
    %dma_start3A_493 = tpu.memref_slice %arg6[%dma_start3A_491, %dma_start3A_492] : memref<4096x128xf32, #tpu.memory_space<hbm>> -> memref<4096x128xf32, #tpu.memory_space<hbm>>
    tpu.enqueue_indirect_dma source(%dma_start3A_487 : memref<16x128xf32, #tpu.memory_space<vmem>>) target(%dma_start3A_493 : memref<4096x128xf32, #tpu.memory_space<hbm>>) offsets(%dma_start3A_490 : memref<16xi32, #tpu.memory_space<vmem>>) semaphore(%arg11 : memref<!tpu.dma_semaphore, #tpu.memory_space<semaphore_mem>>)
    %dma_wait3A_494 = arith.constant 1 : i32
    %dma_wait3A_495 = arith.constant 1 : i32
    %dma_wait3A_496 = arith.constant 0 : i32
    %dma_wait3A_497 = arith.constant 0 : i32
    %dma_wait3A_498 = tpu.memref_slice %arg8[%dma_wait3A_494, %dma_wait3A_496, %dma_wait3A_497] : memref<2x16x1024xf32, #tpu.memory_space<vmem>> -> memref<1x16x1024xf32, #tpu.memory_space<vmem>>
    %dma_wait3A_499 = tpu.memref_squeeze %dma_wait3A_498 : memref<1x16x1024xf32, #tpu.memory_space<vmem>> -> memref<16x1024xf32, #tpu.memory_space<vmem>>
    %dma_wait3A_500 = arith.constant 0 : i32
    %dma_wait3A_501 = tpu.memref_slice %arg7[%dma_wait3A_495, %dma_wait3A_500] : memref<2x16xi32, #tpu.memory_space<vmem>> -> memref<1x16xi32, #tpu.memory_space<vmem>>
    %dma_wait3A_502 = tpu.memref_squeeze %dma_wait3A_501 : memref<1x16xi32, #tpu.memory_space<vmem>> -> memref<16xi32, #tpu.memory_space<vmem>>
    %dma_wait3A_503 = arith.constant 0 : i32
    %dma_wait3A_504 = arith.constant 0 : i32
    %dma_wait3A_505 = tpu.memref_slice %arg5[%dma_wait3A_503, %dma_wait3A_504] : memref<4096x1024xf32, #tpu.memory_space<hbm>> -> memref<4096x1024xf32, #tpu.memory_space<hbm>>
    tpu.wait_indirect_dma semaphore(%arg11 : memref<!tpu.dma_semaphore, #tpu.memory_space<semaphore_mem>>) src(%dma_wait3A_499 : memref<16x1024xf32, #tpu.memory_space<vmem>>) dst(%dma_wait3A_505 : memref<4096x1024xf32, #tpu.memory_space<hbm>>)
    %dma_wait3A_506 = arith.constant 1 : i32
    %dma_wait3A_507 = arith.constant 1 : i32
    %dma_wait3A_508 = arith.constant 0 : i32
    %dma_wait3A_509 = arith.constant 0 : i32
    %dma_wait3A_510 = tpu.memref_slice %arg9[%dma_wait3A_506, %dma_wait3A_508, %dma_wait3A_509] : memref<2x16x128xf32, #tpu.memory_space<vmem>> -> memref<1x16x128xf32, #tpu.memory_space<vmem>>
    %dma_wait3A_511 = tpu.memref_squeeze %dma_wait3A_510 : memref<1x16x128xf32, #tpu.memory_space<vmem>> -> memref<16x128xf32, #tpu.memory_space<vmem>>
    %dma_wait3A_512 = arith.constant 0 : i32
    %dma_wait3A_513 = tpu.memref_slice %arg7[%dma_wait3A_507, %dma_wait3A_512] : memref<2x16xi32, #tpu.memory_space<vmem>> -> memref<1x16xi32, #tpu.memory_space<vmem>>
    %dma_wait3A_514 = tpu.memref_squeeze %dma_wait3A_513 : memref<1x16xi32, #tpu.memory_space<vmem>> -> memref<16xi32, #tpu.memory_space<vmem>>
    %dma_wait3A_515 = arith.constant 0 : i32
    %dma_wait3A_516 = arith.constant 0 : i32
    %dma_wait3A_517 = tpu.memref_slice %arg6[%dma_wait3A_515, %dma_wait3A_516] : memref<4096x128xf32, #tpu.memory_space<hbm>> -> memref<4096x128xf32, #tpu.memory_space<hbm>>
    tpu.wait_indirect_dma semaphore(%arg11 : memref<!tpu.dma_semaphore, #tpu.memory_space<semaphore_mem>>) src(%dma_wait3A_511 : memref<16x128xf32, #tpu.memory_space<vmem>>) dst(%dma_wait3A_517 : memref<4096x128xf32, #tpu.memory_space<hbm>>)
    %add3A_518 = arith.constant 80 : i32
    %add3A_519 = arith.addi %mul3A_2, %add3A_518 : i32
    %dma_start3A_520 = arith.constant 1 : i32
    %dma_start3A_521 = arith.constant 0 : i32
    %dma_start3A_522 = tpu.memref_slice %arg7[%dma_start3A_520, %dma_start3A_521] : memref<2x16xi32, #tpu.memory_space<vmem>> -> memref<1x16xi32, #tpu.memory_space<vmem>>
    %dma_start3A_523 = tpu.memref_squeeze %dma_start3A_522 : memref<1x16xi32, #tpu.memory_space<vmem>> -> memref<16xi32, #tpu.memory_space<vmem>>
    %dma_start3A_524 = tpu.memref_slice %arg4[%add3A_519] : memref<4096xi32, #tpu.memory_space<hbm>> -> memref<16xi32, #tpu.memory_space<hbm>>
    %dma_start3A_525 = arith.constant 0 : i32
    %dma_start3A_526 = tpu.memref_slice %arg7[%dma_start3A_520, %dma_start3A_525] : memref<2x16xi32, #tpu.memory_space<vmem>> -> memref<1x16xi32, #tpu.memory_space<vmem>>
    %dma_start3A_527 = tpu.memref_squeeze %dma_start3A_526 : memref<1x16xi32, #tpu.memory_space<vmem>> -> memref<16xi32, #tpu.memory_space<vmem>>
    %dma_start3A_528 = tpu.memref_slice %arg4[%add3A_519] : memref<4096xi32, #tpu.memory_space<hbm>> -> memref<16xi32, #tpu.memory_space<hbm>>
    tpu.enqueue_dma source(%dma_start3A_528 : memref<16xi32, #tpu.memory_space<hbm>>) target(%dma_start3A_527 : memref<16xi32, #tpu.memory_space<vmem>>) target_semaphore(%arg10 : memref<!tpu.dma_semaphore, #tpu.memory_space<semaphore_mem>>)
    %dma_start3A_529 = arith.constant 1 : i32
    %dma_start3A_530 = arith.constant 0 : i32
    %dma_start3A_531 = arith.constant 0 : i32
    %dma_start3A_532 = tpu.memref_slice %arg8[%dma_start3A_529, %dma_start3A_530, %dma_start3A_531] : memref<2x16x1024xf32, #tpu.memory_space<vmem>> -> memref<1x16x1024xf32, #tpu.memory_space<vmem>>
    %dma_start3A_533 = tpu.memref_squeeze %dma_start3A_532 : memref<1x16x1024xf32, #tpu.memory_space<vmem>> -> memref<16x1024xf32, #tpu.memory_space<vmem>>
    %dma_start3A_534 = arith.constant 0 : i32
    %dma_start3A_535 = tpu.memref_slice %arg2[%add3A_519, %dma_start3A_534] : memref<4096x1024xf32, #tpu.memory_space<hbm>> -> memref<16x1024xf32, #tpu.memory_space<hbm>>
    %dma_start3A_536 = arith.constant 0 : i32
    %dma_start3A_537 = arith.constant 0 : i32
    %dma_start3A_538 = tpu.memref_slice %arg8[%dma_start3A_529, %dma_start3A_536, %dma_start3A_537] : memref<2x16x1024xf32, #tpu.memory_space<vmem>> -> memref<1x16x1024xf32, #tpu.memory_space<vmem>>
    %dma_start3A_539 = tpu.memref_squeeze %dma_start3A_538 : memref<1x16x1024xf32, #tpu.memory_space<vmem>> -> memref<16x1024xf32, #tpu.memory_space<vmem>>
    %dma_start3A_540 = arith.constant 0 : i32
    %dma_start3A_541 = tpu.memref_slice %arg2[%add3A_519, %dma_start3A_540] : memref<4096x1024xf32, #tpu.memory_space<hbm>> -> memref<16x1024xf32, #tpu.memory_space<hbm>>
    tpu.enqueue_dma source(%dma_start3A_541 : memref<16x1024xf32, #tpu.memory_space<hbm>>) target(%dma_start3A_539 : memref<16x1024xf32, #tpu.memory_space<vmem>>) target_semaphore(%arg10 : memref<!tpu.dma_semaphore, #tpu.memory_space<semaphore_mem>>)
    %dma_start3A_542 = arith.constant 1 : i32
    %dma_start3A_543 = arith.constant 0 : i32
    %dma_start3A_544 = arith.constant 0 : i32
    %dma_start3A_545 = tpu.memref_slice %arg9[%dma_start3A_542, %dma_start3A_543, %dma_start3A_544] : memref<2x16x128xf32, #tpu.memory_space<vmem>> -> memref<1x16x128xf32, #tpu.memory_space<vmem>>
    %dma_start3A_546 = tpu.memref_squeeze %dma_start3A_545 : memref<1x16x128xf32, #tpu.memory_space<vmem>> -> memref<16x128xf32, #tpu.memory_space<vmem>>
    %dma_start3A_547 = arith.constant 0 : i32
    %dma_start3A_548 = tpu.memref_slice %arg3[%add3A_519, %dma_start3A_547] : memref<4096x128xf32, #tpu.memory_space<hbm>> -> memref<16x128xf32, #tpu.memory_space<hbm>>
    %dma_start3A_549 = arith.constant 0 : i32
    %dma_start3A_550 = arith.constant 0 : i32
    %dma_start3A_551 = tpu.memref_slice %arg9[%dma_start3A_542, %dma_start3A_549, %dma_start3A_550] : memref<2x16x128xf32, #tpu.memory_space<vmem>> -> memref<1x16x128xf32, #tpu.memory_space<vmem>>
    %dma_start3A_552 = tpu.memref_squeeze %dma_start3A_551 : memref<1x16x128xf32, #tpu.memory_space<vmem>> -> memref<16x128xf32, #tpu.memory_space<vmem>>
    %dma_start3A_553 = arith.constant 0 : i32
    %dma_start3A_554 = tpu.memref_slice %arg3[%add3A_519, %dma_start3A_553] : memref<4096x128xf32, #tpu.memory_space<hbm>> -> memref<16x128xf32, #tpu.memory_space<hbm>>
    tpu.enqueue_dma source(%dma_start3A_554 : memref<16x128xf32, #tpu.memory_space<hbm>>) target(%dma_start3A_552 : memref<16x128xf32, #tpu.memory_space<vmem>>) target_semaphore(%arg10 : memref<!tpu.dma_semaphore, #tpu.memory_space<semaphore_mem>>)
    %dma_wait3A_555 = arith.constant 0 : i32
    %dma_wait3A_556 = arith.constant 0 : i32
    %dma_wait3A_557 = tpu.memref_slice %arg7[%dma_wait3A_555, %dma_wait3A_556] : memref<2x16xi32, #tpu.memory_space<vmem>> -> memref<1x16xi32, #tpu.memory_space<vmem>>
    %dma_wait3A_558 = tpu.memref_squeeze %dma_wait3A_557 : memref<1x16xi32, #tpu.memory_space<vmem>> -> memref<16xi32, #tpu.memory_space<vmem>>
    %dma_wait3A_559 = tpu.memref_slice %arg4[%add3A_399] : memref<4096xi32, #tpu.memory_space<hbm>> -> memref<16xi32, #tpu.memory_space<hbm>>
    %dma_wait3A_560 = arith.constant 0 : i32
    %dma_wait3A_561 = tpu.memref_slice %arg7[%dma_wait3A_555, %dma_wait3A_560] : memref<2x16xi32, #tpu.memory_space<vmem>> -> memref<1x16xi32, #tpu.memory_space<vmem>>
    %dma_wait3A_562 = tpu.memref_squeeze %dma_wait3A_561 : memref<1x16xi32, #tpu.memory_space<vmem>> -> memref<16xi32, #tpu.memory_space<vmem>>
    %dma_wait3A_563 = tpu.memref_slice %arg4[%add3A_399] : memref<4096xi32, #tpu.memory_space<hbm>> -> memref<16xi32, #tpu.memory_space<hbm>>
    tpu.wait_dma2 semaphore(%arg10 : memref<!tpu.dma_semaphore, #tpu.memory_space<semaphore_mem>>) src(%dma_wait3A_563 : memref<16xi32, #tpu.memory_space<hbm>>) dst(%dma_wait3A_562 : memref<16xi32, #tpu.memory_space<vmem>>)
    %dma_wait3A_564 = arith.constant 0 : i32
    %dma_wait3A_565 = arith.constant 0 : i32
    %dma_wait3A_566 = arith.constant 0 : i32
    %dma_wait3A_567 = tpu.memref_slice %arg8[%dma_wait3A_564, %dma_wait3A_565, %dma_wait3A_566] : memref<2x16x1024xf32, #tpu.memory_space<vmem>> -> memref<1x16x1024xf32, #tpu.memory_space<vmem>>
    %dma_wait3A_568 = tpu.memref_squeeze %dma_wait3A_567 : memref<1x16x1024xf32, #tpu.memory_space<vmem>> -> memref<16x1024xf32, #tpu.memory_space<vmem>>
    %dma_wait3A_569 = arith.constant 0 : i32
    %dma_wait3A_570 = tpu.memref_slice %arg2[%add3A_399, %dma_wait3A_569] : memref<4096x1024xf32, #tpu.memory_space<hbm>> -> memref<16x1024xf32, #tpu.memory_space<hbm>>
    %dma_wait3A_571 = arith.constant 0 : i32
    %dma_wait3A_572 = arith.constant 0 : i32
    %dma_wait3A_573 = tpu.memref_slice %arg8[%dma_wait3A_564, %dma_wait3A_571, %dma_wait3A_572] : memref<2x16x1024xf32, #tpu.memory_space<vmem>> -> memref<1x16x1024xf32, #tpu.memory_space<vmem>>
    %dma_wait3A_574 = tpu.memref_squeeze %dma_wait3A_573 : memref<1x16x1024xf32, #tpu.memory_space<vmem>> -> memref<16x1024xf32, #tpu.memory_space<vmem>>
    %dma_wait3A_575 = arith.constant 0 : i32
    %dma_wait3A_576 = tpu.memref_slice %arg2[%add3A_399, %dma_wait3A_575] : memref<4096x1024xf32, #tpu.memory_space<hbm>> -> memref<16x1024xf32, #tpu.memory_space<hbm>>
    tpu.wait_dma2 semaphore(%arg10 : memref<!tpu.dma_semaphore, #tpu.memory_space<semaphore_mem>>) src(%dma_wait3A_576 : memref<16x1024xf32, #tpu.memory_space<hbm>>) dst(%dma_wait3A_574 : memref<16x1024xf32, #tpu.memory_space<vmem>>)
    %dma_wait3A_577 = arith.constant 0 : i32
    %dma_wait3A_578 = arith.constant 0 : i32
    %dma_wait3A_579 = arith.constant 0 : i32
    %dma_wait3A_580 = tpu.memref_slice %arg9[%dma_wait3A_577, %dma_wait3A_578, %dma_wait3A_579] : memref<2x16x128xf32, #tpu.memory_space<vmem>> -> memref<1x16x128xf32, #tpu.memory_space<vmem>>
    %dma_wait3A_581 = tpu.memref_squeeze %dma_wait3A_580 : memref<1x16x128xf32, #tpu.memory_space<vmem>> -> memref<16x128xf32, #tpu.memory_space<vmem>>
    %dma_wait3A_582 = arith.constant 0 : i32
    %dma_wait3A_583 = tpu.memref_slice %arg3[%add3A_399, %dma_wait3A_582] : memref<4096x128xf32, #tpu.memory_space<hbm>> -> memref<16x128xf32, #tpu.memory_space<hbm>>
    %dma_wait3A_584 = arith.constant 0 : i32
    %dma_wait3A_585 = arith.constant 0 : i32
    %dma_wait3A_586 = tpu.memref_slice %arg9[%dma_wait3A_577, %dma_wait3A_584, %dma_wait3A_585] : memref<2x16x128xf32, #tpu.memory_space<vmem>> -> memref<1x16x128xf32, #tpu.memory_space<vmem>>
    %dma_wait3A_587 = tpu.memref_squeeze %dma_wait3A_586 : memref<1x16x128xf32, #tpu.memory_space<vmem>> -> memref<16x128xf32, #tpu.memory_space<vmem>>
    %dma_wait3A_588 = arith.constant 0 : i32
    %dma_wait3A_589 = tpu.memref_slice %arg3[%add3A_399, %dma_wait3A_588] : memref<4096x128xf32, #tpu.memory_space<hbm>> -> memref<16x128xf32, #tpu.memory_space<hbm>>
    tpu.wait_dma2 semaphore(%arg10 : memref<!tpu.dma_semaphore, #tpu.memory_space<semaphore_mem>>) src(%dma_wait3A_589 : memref<16x128xf32, #tpu.memory_space<hbm>>) dst(%dma_wait3A_587 : memref<16x128xf32, #tpu.memory_space<vmem>>)
    %dma_start3A_590 = arith.constant 0 : i32
    %dma_start3A_591 = arith.constant 0 : i32
    %dma_start3A_592 = arith.constant 0 : i32
    %dma_start3A_593 = arith.constant 0 : i32
    %dma_start3A_594 = tpu.memref_slice %arg8[%dma_start3A_590, %dma_start3A_592, %dma_start3A_593] : memref<2x16x1024xf32, #tpu.memory_space<vmem>> -> memref<1x16x1024xf32, #tpu.memory_space<vmem>>
    %dma_start3A_595 = tpu.memref_squeeze %dma_start3A_594 : memref<1x16x1024xf32, #tpu.memory_space<vmem>> -> memref<16x1024xf32, #tpu.memory_space<vmem>>
    %dma_start3A_596 = arith.constant 0 : i32
    %dma_start3A_597 = tpu.memref_slice %arg7[%dma_start3A_591, %dma_start3A_596] : memref<2x16xi32, #tpu.memory_space<vmem>> -> memref<1x16xi32, #tpu.memory_space<vmem>>
    %dma_start3A_598 = tpu.memref_squeeze %dma_start3A_597 : memref<1x16xi32, #tpu.memory_space<vmem>> -> memref<16xi32, #tpu.memory_space<vmem>>
    %dma_start3A_599 = arith.constant 0 : i32
    %dma_start3A_600 = arith.constant 0 : i32
    %dma_start3A_601 = tpu.memref_slice %arg5[%dma_start3A_599, %dma_start3A_600] : memref<4096x1024xf32, #tpu.memory_space<hbm>> -> memref<4096x1024xf32, #tpu.memory_space<hbm>>
    tpu.enqueue_indirect_dma source(%dma_start3A_595 : memref<16x1024xf32, #tpu.memory_space<vmem>>) target(%dma_start3A_601 : memref<4096x1024xf32, #tpu.memory_space<hbm>>) offsets(%dma_start3A_598 : memref<16xi32, #tpu.memory_space<vmem>>) semaphore(%arg11 : memref<!tpu.dma_semaphore, #tpu.memory_space<semaphore_mem>>)
    %dma_start3A_602 = arith.constant 0 : i32
    %dma_start3A_603 = arith.constant 0 : i32
    %dma_start3A_604 = arith.constant 0 : i32
    %dma_start3A_605 = arith.constant 0 : i32
    %dma_start3A_606 = tpu.memref_slice %arg9[%dma_start3A_602, %dma_start3A_604, %dma_start3A_605] : memref<2x16x128xf32, #tpu.memory_space<vmem>> -> memref<1x16x128xf32, #tpu.memory_space<vmem>>
    %dma_start3A_607 = tpu.memref_squeeze %dma_start3A_606 : memref<1x16x128xf32, #tpu.memory_space<vmem>> -> memref<16x128xf32, #tpu.memory_space<vmem>>
    %dma_start3A_608 = arith.constant 0 : i32
    %dma_start3A_609 = tpu.memref_slice %arg7[%dma_start3A_603, %dma_start3A_608] : memref<2x16xi32, #tpu.memory_space<vmem>> -> memref<1x16xi32, #tpu.memory_space<vmem>>
    %dma_start3A_610 = tpu.memref_squeeze %dma_start3A_609 : memref<1x16xi32, #tpu.memory_space<vmem>> -> memref<16xi32, #tpu.memory_space<vmem>>
    %dma_start3A_611 = arith.constant 0 : i32
    %dma_start3A_612 = arith.constant 0 : i32
    %dma_start3A_613 = tpu.memref_slice %arg6[%dma_start3A_611, %dma_start3A_612] : memref<4096x128xf32, #tpu.memory_space<hbm>> -> memref<4096x128xf32, #tpu.memory_space<hbm>>
    tpu.enqueue_indirect_dma source(%dma_start3A_607 : memref<16x128xf32, #tpu.memory_space<vmem>>) target(%dma_start3A_613 : memref<4096x128xf32, #tpu.memory_space<hbm>>) offsets(%dma_start3A_610 : memref<16xi32, #tpu.memory_space<vmem>>) semaphore(%arg11 : memref<!tpu.dma_semaphore, #tpu.memory_space<semaphore_mem>>)
    %dma_wait3A_614 = arith.constant 0 : i32
    %dma_wait3A_615 = arith.constant 0 : i32
    %dma_wait3A_616 = arith.constant 0 : i32
    %dma_wait3A_617 = arith.constant 0 : i32
    %dma_wait3A_618 = tpu.memref_slice %arg8[%dma_wait3A_614, %dma_wait3A_616, %dma_wait3A_617] : memref<2x16x1024xf32, #tpu.memory_space<vmem>> -> memref<1x16x1024xf32, #tpu.memory_space<vmem>>
    %dma_wait3A_619 = tpu.memref_squeeze %dma_wait3A_618 : memref<1x16x1024xf32, #tpu.memory_space<vmem>> -> memref<16x1024xf32, #tpu.memory_space<vmem>>
    %dma_wait3A_620 = arith.constant 0 : i32
    %dma_wait3A_621 = tpu.memref_slice %arg7[%dma_wait3A_615, %dma_wait3A_620] : memref<2x16xi32, #tpu.memory_space<vmem>> -> memref<1x16xi32, #tpu.memory_space<vmem>>
    %dma_wait3A_622 = tpu.memref_squeeze %dma_wait3A_621 : memref<1x16xi32, #tpu.memory_space<vmem>> -> memref<16xi32, #tpu.memory_space<vmem>>
    %dma_wait3A_623 = arith.constant 0 : i32
    %dma_wait3A_624 = arith.constant 0 : i32
    %dma_wait3A_625 = tpu.memref_slice %arg5[%dma_wait3A_623, %dma_wait3A_624] : memref<4096x1024xf32, #tpu.memory_space<hbm>> -> memref<4096x1024xf32, #tpu.memory_space<hbm>>
    tpu.wait_indirect_dma semaphore(%arg11 : memref<!tpu.dma_semaphore, #tpu.memory_space<semaphore_mem>>) src(%dma_wait3A_619 : memref<16x1024xf32, #tpu.memory_space<vmem>>) dst(%dma_wait3A_625 : memref<4096x1024xf32, #tpu.memory_space<hbm>>)
    %dma_wait3A_626 = arith.constant 0 : i32
    %dma_wait3A_627 = arith.constant 0 : i32
    %dma_wait3A_628 = arith.constant 0 : i32
    %dma_wait3A_629 = arith.constant 0 : i32
    %dma_wait3A_630 = tpu.memref_slice %arg9[%dma_wait3A_626, %dma_wait3A_628, %dma_wait3A_629] : memref<2x16x128xf32, #tpu.memory_space<vmem>> -> memref<1x16x128xf32, #tpu.memory_space<vmem>>
    %dma_wait3A_631 = tpu.memref_squeeze %dma_wait3A_630 : memref<1x16x128xf32, #tpu.memory_space<vmem>> -> memref<16x128xf32, #tpu.memory_space<vmem>>
    %dma_wait3A_632 = arith.constant 0 : i32
    %dma_wait3A_633 = tpu.memref_slice %arg7[%dma_wait3A_627, %dma_wait3A_632] : memref<2x16xi32, #tpu.memory_space<vmem>> -> memref<1x16xi32, #tpu.memory_space<vmem>>
    %dma_wait3A_634 = tpu.memref_squeeze %dma_wait3A_633 : memref<1x16xi32, #tpu.memory_space<vmem>> -> memref<16xi32, #tpu.memory_space<vmem>>
    %dma_wait3A_635 = arith.constant 0 : i32
    %dma_wait3A_636 = arith.constant 0 : i32
    %dma_wait3A_637 = tpu.memref_slice %arg6[%dma_wait3A_635, %dma_wait3A_636] : memref<4096x128xf32, #tpu.memory_space<hbm>> -> memref<4096x128xf32, #tpu.memory_space<hbm>>
    tpu.wait_indirect_dma semaphore(%arg11 : memref<!tpu.dma_semaphore, #tpu.memory_space<semaphore_mem>>) src(%dma_wait3A_631 : memref<16x128xf32, #tpu.memory_space<vmem>>) dst(%dma_wait3A_637 : memref<4096x128xf32, #tpu.memory_space<hbm>>)
    %add3A_638 = arith.constant 96 : i32
    %add3A_639 = arith.addi %mul3A_2, %add3A_638 : i32
    %dma_start3A_640 = arith.constant 0 : i32
    %dma_start3A_641 = arith.constant 0 : i32
    %dma_start3A_642 = tpu.memref_slice %arg7[%dma_start3A_640, %dma_start3A_641] : memref<2x16xi32, #tpu.memory_space<vmem>> -> memref<1x16xi32, #tpu.memory_space<vmem>>
    %dma_start3A_643 = tpu.memref_squeeze %dma_start3A_642 : memref<1x16xi32, #tpu.memory_space<vmem>> -> memref<16xi32, #tpu.memory_space<vmem>>
    %dma_start3A_644 = tpu.memref_slice %arg4[%add3A_639] : memref<4096xi32, #tpu.memory_space<hbm>> -> memref<16xi32, #tpu.memory_space<hbm>>
    %dma_start3A_645 = arith.constant 0 : i32
    %dma_start3A_646 = tpu.memref_slice %arg7[%dma_start3A_640, %dma_start3A_645] : memref<2x16xi32, #tpu.memory_space<vmem>> -> memref<1x16xi32, #tpu.memory_space<vmem>>
    %dma_start3A_647 = tpu.memref_squeeze %dma_start3A_646 : memref<1x16xi32, #tpu.memory_space<vmem>> -> memref<16xi32, #tpu.memory_space<vmem>>
    %dma_start3A_648 = tpu.memref_slice %arg4[%add3A_639] : memref<4096xi32, #tpu.memory_space<hbm>> -> memref<16xi32, #tpu.memory_space<hbm>>
    tpu.enqueue_dma source(%dma_start3A_648 : memref<16xi32, #tpu.memory_space<hbm>>) target(%dma_start3A_647 : memref<16xi32, #tpu.memory_space<vmem>>) target_semaphore(%arg10 : memref<!tpu.dma_semaphore, #tpu.memory_space<semaphore_mem>>)
    %dma_start3A_649 = arith.constant 0 : i32
    %dma_start3A_650 = arith.constant 0 : i32
    %dma_start3A_651 = arith.constant 0 : i32
    %dma_start3A_652 = tpu.memref_slice %arg8[%dma_start3A_649, %dma_start3A_650, %dma_start3A_651] : memref<2x16x1024xf32, #tpu.memory_space<vmem>> -> memref<1x16x1024xf32, #tpu.memory_space<vmem>>
    %dma_start3A_653 = tpu.memref_squeeze %dma_start3A_652 : memref<1x16x1024xf32, #tpu.memory_space<vmem>> -> memref<16x1024xf32, #tpu.memory_space<vmem>>
    %dma_start3A_654 = arith.constant 0 : i32
    %dma_start3A_655 = tpu.memref_slice %arg2[%add3A_639, %dma_start3A_654] : memref<4096x1024xf32, #tpu.memory_space<hbm>> -> memref<16x1024xf32, #tpu.memory_space<hbm>>
    %dma_start3A_656 = arith.constant 0 : i32
    %dma_start3A_657 = arith.constant 0 : i32
    %dma_start3A_658 = tpu.memref_slice %arg8[%dma_start3A_649, %dma_start3A_656, %dma_start3A_657] : memref<2x16x1024xf32, #tpu.memory_space<vmem>> -> memref<1x16x1024xf32, #tpu.memory_space<vmem>>
    %dma_start3A_659 = tpu.memref_squeeze %dma_start3A_658 : memref<1x16x1024xf32, #tpu.memory_space<vmem>> -> memref<16x1024xf32, #tpu.memory_space<vmem>>
    %dma_start3A_660 = arith.constant 0 : i32
    %dma_start3A_661 = tpu.memref_slice %arg2[%add3A_639, %dma_start3A_660] : memref<4096x1024xf32, #tpu.memory_space<hbm>> -> memref<16x1024xf32, #tpu.memory_space<hbm>>
    tpu.enqueue_dma source(%dma_start3A_661 : memref<16x1024xf32, #tpu.memory_space<hbm>>) target(%dma_start3A_659 : memref<16x1024xf32, #tpu.memory_space<vmem>>) target_semaphore(%arg10 : memref<!tpu.dma_semaphore, #tpu.memory_space<semaphore_mem>>)
    %dma_start3A_662 = arith.constant 0 : i32
    %dma_start3A_663 = arith.constant 0 : i32
    %dma_start3A_664 = arith.constant 0 : i32
    %dma_start3A_665 = tpu.memref_slice %arg9[%dma_start3A_662, %dma_start3A_663, %dma_start3A_664] : memref<2x16x128xf32, #tpu.memory_space<vmem>> -> memref<1x16x128xf32, #tpu.memory_space<vmem>>
    %dma_start3A_666 = tpu.memref_squeeze %dma_start3A_665 : memref<1x16x128xf32, #tpu.memory_space<vmem>> -> memref<16x128xf32, #tpu.memory_space<vmem>>
    %dma_start3A_667 = arith.constant 0 : i32
    %dma_start3A_668 = tpu.memref_slice %arg3[%add3A_639, %dma_start3A_667] : memref<4096x128xf32, #tpu.memory_space<hbm>> -> memref<16x128xf32, #tpu.memory_space<hbm>>
    %dma_start3A_669 = arith.constant 0 : i32
    %dma_start3A_670 = arith.constant 0 : i32
    %dma_start3A_671 = tpu.memref_slice %arg9[%dma_start3A_662, %dma_start3A_669, %dma_start3A_670] : memref<2x16x128xf32, #tpu.memory_space<vmem>> -> memref<1x16x128xf32, #tpu.memory_space<vmem>>
    %dma_start3A_672 = tpu.memref_squeeze %dma_start3A_671 : memref<1x16x128xf32, #tpu.memory_space<vmem>> -> memref<16x128xf32, #tpu.memory_space<vmem>>
    %dma_start3A_673 = arith.constant 0 : i32
    %dma_start3A_674 = tpu.memref_slice %arg3[%add3A_639, %dma_start3A_673] : memref<4096x128xf32, #tpu.memory_space<hbm>> -> memref<16x128xf32, #tpu.memory_space<hbm>>
    tpu.enqueue_dma source(%dma_start3A_674 : memref<16x128xf32, #tpu.memory_space<hbm>>) target(%dma_start3A_672 : memref<16x128xf32, #tpu.memory_space<vmem>>) target_semaphore(%arg10 : memref<!tpu.dma_semaphore, #tpu.memory_space<semaphore_mem>>)
    %dma_wait3A_675 = arith.constant 1 : i32
    %dma_wait3A_676 = arith.constant 0 : i32
    %dma_wait3A_677 = tpu.memref_slice %arg7[%dma_wait3A_675, %dma_wait3A_676] : memref<2x16xi32, #tpu.memory_space<vmem>> -> memref<1x16xi32, #tpu.memory_space<vmem>>
    %dma_wait3A_678 = tpu.memref_squeeze %dma_wait3A_677 : memref<1x16xi32, #tpu.memory_space<vmem>> -> memref<16xi32, #tpu.memory_space<vmem>>
    %dma_wait3A_679 = tpu.memref_slice %arg4[%add3A_519] : memref<4096xi32, #tpu.memory_space<hbm>> -> memref<16xi32, #tpu.memory_space<hbm>>
    %dma_wait3A_680 = arith.constant 0 : i32
    %dma_wait3A_681 = tpu.memref_slice %arg7[%dma_wait3A_675, %dma_wait3A_680] : memref<2x16xi32, #tpu.memory_space<vmem>> -> memref<1x16xi32, #tpu.memory_space<vmem>>
    %dma_wait3A_682 = tpu.memref_squeeze %dma_wait3A_681 : memref<1x16xi32, #tpu.memory_space<vmem>> -> memref<16xi32, #tpu.memory_space<vmem>>
    %dma_wait3A_683 = tpu.memref_slice %arg4[%add3A_519] : memref<4096xi32, #tpu.memory_space<hbm>> -> memref<16xi32, #tpu.memory_space<hbm>>
    tpu.wait_dma2 semaphore(%arg10 : memref<!tpu.dma_semaphore, #tpu.memory_space<semaphore_mem>>) src(%dma_wait3A_683 : memref<16xi32, #tpu.memory_space<hbm>>) dst(%dma_wait3A_682 : memref<16xi32, #tpu.memory_space<vmem>>)
    %dma_wait3A_684 = arith.constant 1 : i32
    %dma_wait3A_685 = arith.constant 0 : i32
    %dma_wait3A_686 = arith.constant 0 : i32
    %dma_wait3A_687 = tpu.memref_slice %arg8[%dma_wait3A_684, %dma_wait3A_685, %dma_wait3A_686] : memref<2x16x1024xf32, #tpu.memory_space<vmem>> -> memref<1x16x1024xf32, #tpu.memory_space<vmem>>
    %dma_wait3A_688 = tpu.memref_squeeze %dma_wait3A_687 : memref<1x16x1024xf32, #tpu.memory_space<vmem>> -> memref<16x1024xf32, #tpu.memory_space<vmem>>
    %dma_wait3A_689 = arith.constant 0 : i32
    %dma_wait3A_690 = tpu.memref_slice %arg2[%add3A_519, %dma_wait3A_689] : memref<4096x1024xf32, #tpu.memory_space<hbm>> -> memref<16x1024xf32, #tpu.memory_space<hbm>>
    %dma_wait3A_691 = arith.constant 0 : i32
    %dma_wait3A_692 = arith.constant 0 : i32
    %dma_wait3A_693 = tpu.memref_slice %arg8[%dma_wait3A_684, %dma_wait3A_691, %dma_wait3A_692] : memref<2x16x1024xf32, #tpu.memory_space<vmem>> -> memref<1x16x1024xf32, #tpu.memory_space<vmem>>
    %dma_wait3A_694 = tpu.memref_squeeze %dma_wait3A_693 : memref<1x16x1024xf32, #tpu.memory_space<vmem>> -> memref<16x1024xf32, #tpu.memory_space<vmem>>
    %dma_wait3A_695 = arith.constant 0 : i32
    %dma_wait3A_696 = tpu.memref_slice %arg2[%add3A_519, %dma_wait3A_695] : memref<4096x1024xf32, #tpu.memory_space<hbm>> -> memref<16x1024xf32, #tpu.memory_space<hbm>>
    tpu.wait_dma2 semaphore(%arg10 : memref<!tpu.dma_semaphore, #tpu.memory_space<semaphore_mem>>) src(%dma_wait3A_696 : memref<16x1024xf32, #tpu.memory_space<hbm>>) dst(%dma_wait3A_694 : memref<16x1024xf32, #tpu.memory_space<vmem>>)
    %dma_wait3A_697 = arith.constant 1 : i32
    %dma_wait3A_698 = arith.constant 0 : i32
    %dma_wait3A_699 = arith.constant 0 : i32
    %dma_wait3A_700 = tpu.memref_slice %arg9[%dma_wait3A_697, %dma_wait3A_698, %dma_wait3A_699] : memref<2x16x128xf32, #tpu.memory_space<vmem>> -> memref<1x16x128xf32, #tpu.memory_space<vmem>>
    %dma_wait3A_701 = tpu.memref_squeeze %dma_wait3A_700 : memref<1x16x128xf32, #tpu.memory_space<vmem>> -> memref<16x128xf32, #tpu.memory_space<vmem>>
    %dma_wait3A_702 = arith.constant 0 : i32
    %dma_wait3A_703 = tpu.memref_slice %arg3[%add3A_519, %dma_wait3A_702] : memref<4096x128xf32, #tpu.memory_space<hbm>> -> memref<16x128xf32, #tpu.memory_space<hbm>>
    %dma_wait3A_704 = arith.constant 0 : i32
    %dma_wait3A_705 = arith.constant 0 : i32
    %dma_wait3A_706 = tpu.memref_slice %arg9[%dma_wait3A_697, %dma_wait3A_704, %dma_wait3A_705] : memref<2x16x128xf32, #tpu.memory_space<vmem>> -> memref<1x16x128xf32, #tpu.memory_space<vmem>>
    %dma_wait3A_707 = tpu.memref_squeeze %dma_wait3A_706 : memref<1x16x128xf32, #tpu.memory_space<vmem>> -> memref<16x128xf32, #tpu.memory_space<vmem>>
    %dma_wait3A_708 = arith.constant 0 : i32
    %dma_wait3A_709 = tpu.memref_slice %arg3[%add3A_519, %dma_wait3A_708] : memref<4096x128xf32, #tpu.memory_space<hbm>> -> memref<16x128xf32, #tpu.memory_space<hbm>>
    tpu.wait_dma2 semaphore(%arg10 : memref<!tpu.dma_semaphore, #tpu.memory_space<semaphore_mem>>) src(%dma_wait3A_709 : memref<16x128xf32, #tpu.memory_space<hbm>>) dst(%dma_wait3A_707 : memref<16x128xf32, #tpu.memory_space<vmem>>)
    %dma_start3A_710 = arith.constant 1 : i32
    %dma_start3A_711 = arith.constant 1 : i32
    %dma_start3A_712 = arith.constant 0 : i32
    %dma_start3A_713 = arith.constant 0 : i32
    %dma_start3A_714 = tpu.memref_slice %arg8[%dma_start3A_710, %dma_start3A_712, %dma_start3A_713] : memref<2x16x1024xf32, #tpu.memory_space<vmem>> -> memref<1x16x1024xf32, #tpu.memory_space<vmem>>
    %dma_start3A_715 = tpu.memref_squeeze %dma_start3A_714 : memref<1x16x1024xf32, #tpu.memory_space<vmem>> -> memref<16x1024xf32, #tpu.memory_space<vmem>>
    %dma_start3A_716 = arith.constant 0 : i32
    %dma_start3A_717 = tpu.memref_slice %arg7[%dma_start3A_711, %dma_start3A_716] : memref<2x16xi32, #tpu.memory_space<vmem>> -> memref<1x16xi32, #tpu.memory_space<vmem>>
    %dma_start3A_718 = tpu.memref_squeeze %dma_start3A_717 : memref<1x16xi32, #tpu.memory_space<vmem>> -> memref<16xi32, #tpu.memory_space<vmem>>
    %dma_start3A_719 = arith.constant 0 : i32
    %dma_start3A_720 = arith.constant 0 : i32
    %dma_start3A_721 = tpu.memref_slice %arg5[%dma_start3A_719, %dma_start3A_720] : memref<4096x1024xf32, #tpu.memory_space<hbm>> -> memref<4096x1024xf32, #tpu.memory_space<hbm>>
    tpu.enqueue_indirect_dma source(%dma_start3A_715 : memref<16x1024xf32, #tpu.memory_space<vmem>>) target(%dma_start3A_721 : memref<4096x1024xf32, #tpu.memory_space<hbm>>) offsets(%dma_start3A_718 : memref<16xi32, #tpu.memory_space<vmem>>) semaphore(%arg11 : memref<!tpu.dma_semaphore, #tpu.memory_space<semaphore_mem>>)
    %dma_start3A_722 = arith.constant 1 : i32
    %dma_start3A_723 = arith.constant 1 : i32
    %dma_start3A_724 = arith.constant 0 : i32
    %dma_start3A_725 = arith.constant 0 : i32
    %dma_start3A_726 = tpu.memref_slice %arg9[%dma_start3A_722, %dma_start3A_724, %dma_start3A_725] : memref<2x16x128xf32, #tpu.memory_space<vmem>> -> memref<1x16x128xf32, #tpu.memory_space<vmem>>
    %dma_start3A_727 = tpu.memref_squeeze %dma_start3A_726 : memref<1x16x128xf32, #tpu.memory_space<vmem>> -> memref<16x128xf32, #tpu.memory_space<vmem>>
    %dma_start3A_728 = arith.constant 0 : i32
    %dma_start3A_729 = tpu.memref_slice %arg7[%dma_start3A_723, %dma_start3A_728] : memref<2x16xi32, #tpu.memory_space<vmem>> -> memref<1x16xi32, #tpu.memory_space<vmem>>
    %dma_start3A_730 = tpu.memref_squeeze %dma_start3A_729 : memref<1x16xi32, #tpu.memory_space<vmem>> -> memref<16xi32, #tpu.memory_space<vmem>>
    %dma_start3A_731 = arith.constant 0 : i32
    %dma_start3A_732 = arith.constant 0 : i32
    %dma_start3A_733 = tpu.memref_slice %arg6[%dma_start3A_731, %dma_start3A_732] : memref<4096x128xf32, #tpu.memory_space<hbm>> -> memref<4096x128xf32, #tpu.memory_space<hbm>>
    tpu.enqueue_indirect_dma source(%dma_start3A_727 : memref<16x128xf32, #tpu.memory_space<vmem>>) target(%dma_start3A_733 : memref<4096x128xf32, #tpu.memory_space<hbm>>) offsets(%dma_start3A_730 : memref<16xi32, #tpu.memory_space<vmem>>) semaphore(%arg11 : memref<!tpu.dma_semaphore, #tpu.memory_space<semaphore_mem>>)
    %dma_wait3A_734 = arith.constant 1 : i32
    %dma_wait3A_735 = arith.constant 1 : i32
    %dma_wait3A_736 = arith.constant 0 : i32
    %dma_wait3A_737 = arith.constant 0 : i32
    %dma_wait3A_738 = tpu.memref_slice %arg8[%dma_wait3A_734, %dma_wait3A_736, %dma_wait3A_737] : memref<2x16x1024xf32, #tpu.memory_space<vmem>> -> memref<1x16x1024xf32, #tpu.memory_space<vmem>>
    %dma_wait3A_739 = tpu.memref_squeeze %dma_wait3A_738 : memref<1x16x1024xf32, #tpu.memory_space<vmem>> -> memref<16x1024xf32, #tpu.memory_space<vmem>>
    %dma_wait3A_740 = arith.constant 0 : i32
    %dma_wait3A_741 = tpu.memref_slice %arg7[%dma_wait3A_735, %dma_wait3A_740] : memref<2x16xi32, #tpu.memory_space<vmem>> -> memref<1x16xi32, #tpu.memory_space<vmem>>
    %dma_wait3A_742 = tpu.memref_squeeze %dma_wait3A_741 : memref<1x16xi32, #tpu.memory_space<vmem>> -> memref<16xi32, #tpu.memory_space<vmem>>
    %dma_wait3A_743 = arith.constant 0 : i32
    %dma_wait3A_744 = arith.constant 0 : i32
    %dma_wait3A_745 = tpu.memref_slice %arg5[%dma_wait3A_743, %dma_wait3A_744] : memref<4096x1024xf32, #tpu.memory_space<hbm>> -> memref<4096x1024xf32, #tpu.memory_space<hbm>>
    tpu.wait_indirect_dma semaphore(%arg11 : memref<!tpu.dma_semaphore, #tpu.memory_space<semaphore_mem>>) src(%dma_wait3A_739 : memref<16x1024xf32, #tpu.memory_space<vmem>>) dst(%dma_wait3A_745 : memref<4096x1024xf32, #tpu.memory_space<hbm>>)
    %dma_wait3A_746 = arith.constant 1 : i32
    %dma_wait3A_747 = arith.constant 1 : i32
    %dma_wait3A_748 = arith.constant 0 : i32
    %dma_wait3A_749 = arith.constant 0 : i32
    %dma_wait3A_750 = tpu.memref_slice %arg9[%dma_wait3A_746, %dma_wait3A_748, %dma_wait3A_749] : memref<2x16x128xf32, #tpu.memory_space<vmem>> -> memref<1x16x128xf32, #tpu.memory_space<vmem>>
    %dma_wait3A_751 = tpu.memref_squeeze %dma_wait3A_750 : memref<1x16x128xf32, #tpu.memory_space<vmem>> -> memref<16x128xf32, #tpu.memory_space<vmem>>
    %dma_wait3A_752 = arith.constant 0 : i32
    %dma_wait3A_753 = tpu.memref_slice %arg7[%dma_wait3A_747, %dma_wait3A_752] : memref<2x16xi32, #tpu.memory_space<vmem>> -> memref<1x16xi32, #tpu.memory_space<vmem>>
    %dma_wait3A_754 = tpu.memref_squeeze %dma_wait3A_753 : memref<1x16xi32, #tpu.memory_space<vmem>> -> memref<16xi32, #tpu.memory_space<vmem>>
    %dma_wait3A_755 = arith.constant 0 : i32
    %dma_wait3A_756 = arith.constant 0 : i32
    %dma_wait3A_757 = tpu.memref_slice %arg6[%dma_wait3A_755, %dma_wait3A_756] : memref<4096x128xf32, #tpu.memory_space<hbm>> -> memref<4096x128xf32, #tpu.memory_space<hbm>>
    tpu.wait_indirect_dma semaphore(%arg11 : memref<!tpu.dma_semaphore, #tpu.memory_space<semaphore_mem>>) src(%dma_wait3A_751 : memref<16x128xf32, #tpu.memory_space<vmem>>) dst(%dma_wait3A_757 : memref<4096x128xf32, #tpu.memory_space<hbm>>)
    %add3A_758 = arith.constant 112 : i32
    %add3A_759 = arith.addi %mul3A_2, %add3A_758 : i32
    %dma_start3A_760 = arith.constant 1 : i32
    %dma_start3A_761 = arith.constant 0 : i32
    %dma_start3A_762 = tpu.memref_slice %arg7[%dma_start3A_760, %dma_start3A_761] : memref<2x16xi32, #tpu.memory_space<vmem>> -> memref<1x16xi32, #tpu.memory_space<vmem>>
    %dma_start3A_763 = tpu.memref_squeeze %dma_start3A_762 : memref<1x16xi32, #tpu.memory_space<vmem>> -> memref<16xi32, #tpu.memory_space<vmem>>
    %dma_start3A_764 = tpu.memref_slice %arg4[%add3A_759] : memref<4096xi32, #tpu.memory_space<hbm>> -> memref<16xi32, #tpu.memory_space<hbm>>
    %dma_start3A_765 = arith.constant 0 : i32
    %dma_start3A_766 = tpu.memref_slice %arg7[%dma_start3A_760, %dma_start3A_765] : memref<2x16xi32, #tpu.memory_space<vmem>> -> memref<1x16xi32, #tpu.memory_space<vmem>>
    %dma_start3A_767 = tpu.memref_squeeze %dma_start3A_766 : memref<1x16xi32, #tpu.memory_space<vmem>> -> memref<16xi32, #tpu.memory_space<vmem>>
    %dma_start3A_768 = tpu.memref_slice %arg4[%add3A_759] : memref<4096xi32, #tpu.memory_space<hbm>> -> memref<16xi32, #tpu.memory_space<hbm>>
    tpu.enqueue_dma source(%dma_start3A_768 : memref<16xi32, #tpu.memory_space<hbm>>) target(%dma_start3A_767 : memref<16xi32, #tpu.memory_space<vmem>>) target_semaphore(%arg10 : memref<!tpu.dma_semaphore, #tpu.memory_space<semaphore_mem>>)
    %dma_start3A_769 = arith.constant 1 : i32
    %dma_start3A_770 = arith.constant 0 : i32
    %dma_start3A_771 = arith.constant 0 : i32
    %dma_start3A_772 = tpu.memref_slice %arg8[%dma_start3A_769, %dma_start3A_770, %dma_start3A_771] : memref<2x16x1024xf32, #tpu.memory_space<vmem>> -> memref<1x16x1024xf32, #tpu.memory_space<vmem>>
    %dma_start3A_773 = tpu.memref_squeeze %dma_start3A_772 : memref<1x16x1024xf32, #tpu.memory_space<vmem>> -> memref<16x1024xf32, #tpu.memory_space<vmem>>
    %dma_start3A_774 = arith.constant 0 : i32
    %dma_start3A_775 = tpu.memref_slice %arg2[%add3A_759, %dma_start3A_774] : memref<4096x1024xf32, #tpu.memory_space<hbm>> -> memref<16x1024xf32, #tpu.memory_space<hbm>>
    %dma_start3A_776 = arith.constant 0 : i32
    %dma_start3A_777 = arith.constant 0 : i32
    %dma_start3A_778 = tpu.memref_slice %arg8[%dma_start3A_769, %dma_start3A_776, %dma_start3A_777] : memref<2x16x1024xf32, #tpu.memory_space<vmem>> -> memref<1x16x1024xf32, #tpu.memory_space<vmem>>
    %dma_start3A_779 = tpu.memref_squeeze %dma_start3A_778 : memref<1x16x1024xf32, #tpu.memory_space<vmem>> -> memref<16x1024xf32, #tpu.memory_space<vmem>>
    %dma_start3A_780 = arith.constant 0 : i32
    %dma_start3A_781 = tpu.memref_slice %arg2[%add3A_759, %dma_start3A_780] : memref<4096x1024xf32, #tpu.memory_space<hbm>> -> memref<16x1024xf32, #tpu.memory_space<hbm>>
    tpu.enqueue_dma source(%dma_start3A_781 : memref<16x1024xf32, #tpu.memory_space<hbm>>) target(%dma_start3A_779 : memref<16x1024xf32, #tpu.memory_space<vmem>>) target_semaphore(%arg10 : memref<!tpu.dma_semaphore, #tpu.memory_space<semaphore_mem>>)
    %dma_start3A_782 = arith.constant 1 : i32
    %dma_start3A_783 = arith.constant 0 : i32
    %dma_start3A_784 = arith.constant 0 : i32
    %dma_start3A_785 = tpu.memref_slice %arg9[%dma_start3A_782, %dma_start3A_783, %dma_start3A_784] : memref<2x16x128xf32, #tpu.memory_space<vmem>> -> memref<1x16x128xf32, #tpu.memory_space<vmem>>
    %dma_start3A_786 = tpu.memref_squeeze %dma_start3A_785 : memref<1x16x128xf32, #tpu.memory_space<vmem>> -> memref<16x128xf32, #tpu.memory_space<vmem>>
    %dma_start3A_787 = arith.constant 0 : i32
    %dma_start3A_788 = tpu.memref_slice %arg3[%add3A_759, %dma_start3A_787] : memref<4096x128xf32, #tpu.memory_space<hbm>> -> memref<16x128xf32, #tpu.memory_space<hbm>>
    %dma_start3A_789 = arith.constant 0 : i32
    %dma_start3A_790 = arith.constant 0 : i32
    %dma_start3A_791 = tpu.memref_slice %arg9[%dma_start3A_782, %dma_start3A_789, %dma_start3A_790] : memref<2x16x128xf32, #tpu.memory_space<vmem>> -> memref<1x16x128xf32, #tpu.memory_space<vmem>>
    %dma_start3A_792 = tpu.memref_squeeze %dma_start3A_791 : memref<1x16x128xf32, #tpu.memory_space<vmem>> -> memref<16x128xf32, #tpu.memory_space<vmem>>
    %dma_start3A_793 = arith.constant 0 : i32
    %dma_start3A_794 = tpu.memref_slice %arg3[%add3A_759, %dma_start3A_793] : memref<4096x128xf32, #tpu.memory_space<hbm>> -> memref<16x128xf32, #tpu.memory_space<hbm>>
    tpu.enqueue_dma source(%dma_start3A_794 : memref<16x128xf32, #tpu.memory_space<hbm>>) target(%dma_start3A_792 : memref<16x128xf32, #tpu.memory_space<vmem>>) target_semaphore(%arg10 : memref<!tpu.dma_semaphore, #tpu.memory_space<semaphore_mem>>)
    %dma_wait3A_795 = arith.constant 0 : i32
    %dma_wait3A_796 = arith.constant 0 : i32
    %dma_wait3A_797 = tpu.memref_slice %arg7[%dma_wait3A_795, %dma_wait3A_796] : memref<2x16xi32, #tpu.memory_space<vmem>> -> memref<1x16xi32, #tpu.memory_space<vmem>>
    %dma_wait3A_798 = tpu.memref_squeeze %dma_wait3A_797 : memref<1x16xi32, #tpu.memory_space<vmem>> -> memref<16xi32, #tpu.memory_space<vmem>>
    %dma_wait3A_799 = tpu.memref_slice %arg4[%add3A_639] : memref<4096xi32, #tpu.memory_space<hbm>> -> memref<16xi32, #tpu.memory_space<hbm>>
    %dma_wait3A_800 = arith.constant 0 : i32
    %dma_wait3A_801 = tpu.memref_slice %arg7[%dma_wait3A_795, %dma_wait3A_800] : memref<2x16xi32, #tpu.memory_space<vmem>> -> memref<1x16xi32, #tpu.memory_space<vmem>>
    %dma_wait3A_802 = tpu.memref_squeeze %dma_wait3A_801 : memref<1x16xi32, #tpu.memory_space<vmem>> -> memref<16xi32, #tpu.memory_space<vmem>>
    %dma_wait3A_803 = tpu.memref_slice %arg4[%add3A_639] : memref<4096xi32, #tpu.memory_space<hbm>> -> memref<16xi32, #tpu.memory_space<hbm>>
    tpu.wait_dma2 semaphore(%arg10 : memref<!tpu.dma_semaphore, #tpu.memory_space<semaphore_mem>>) src(%dma_wait3A_803 : memref<16xi32, #tpu.memory_space<hbm>>) dst(%dma_wait3A_802 : memref<16xi32, #tpu.memory_space<vmem>>)
    %dma_wait3A_804 = arith.constant 0 : i32
    %dma_wait3A_805 = arith.constant 0 : i32
    %dma_wait3A_806 = arith.constant 0 : i32
    %dma_wait3A_807 = tpu.memref_slice %arg8[%dma_wait3A_804, %dma_wait3A_805, %dma_wait3A_806] : memref<2x16x1024xf32, #tpu.memory_space<vmem>> -> memref<1x16x1024xf32, #tpu.memory_space<vmem>>
    %dma_wait3A_808 = tpu.memref_squeeze %dma_wait3A_807 : memref<1x16x1024xf32, #tpu.memory_space<vmem>> -> memref<16x1024xf32, #tpu.memory_space<vmem>>
    %dma_wait3A_809 = arith.constant 0 : i32
    %dma_wait3A_810 = tpu.memref_slice %arg2[%add3A_639, %dma_wait3A_809] : memref<4096x1024xf32, #tpu.memory_space<hbm>> -> memref<16x1024xf32, #tpu.memory_space<hbm>>
    %dma_wait3A_811 = arith.constant 0 : i32
    %dma_wait3A_812 = arith.constant 0 : i32
    %dma_wait3A_813 = tpu.memref_slice %arg8[%dma_wait3A_804, %dma_wait3A_811, %dma_wait3A_812] : memref<2x16x1024xf32, #tpu.memory_space<vmem>> -> memref<1x16x1024xf32, #tpu.memory_space<vmem>>
    %dma_wait3A_814 = tpu.memref_squeeze %dma_wait3A_813 : memref<1x16x1024xf32, #tpu.memory_space<vmem>> -> memref<16x1024xf32, #tpu.memory_space<vmem>>
    %dma_wait3A_815 = arith.constant 0 : i32
    %dma_wait3A_816 = tpu.memref_slice %arg2[%add3A_639, %dma_wait3A_815] : memref<4096x1024xf32, #tpu.memory_space<hbm>> -> memref<16x1024xf32, #tpu.memory_space<hbm>>
    tpu.wait_dma2 semaphore(%arg10 : memref<!tpu.dma_semaphore, #tpu.memory_space<semaphore_mem>>) src(%dma_wait3A_816 : memref<16x1024xf32, #tpu.memory_space<hbm>>) dst(%dma_wait3A_814 : memref<16x1024xf32, #tpu.memory_space<vmem>>)
    %dma_wait3A_817 = arith.constant 0 : i32
    %dma_wait3A_818 = arith.constant 0 : i32
    %dma_wait3A_819 = arith.constant 0 : i32
    %dma_wait3A_820 = tpu.memref_slice %arg9[%dma_wait3A_817, %dma_wait3A_818, %dma_wait3A_819] : memref<2x16x128xf32, #tpu.memory_space<vmem>> -> memref<1x16x128xf32, #tpu.memory_space<vmem>>
    %dma_wait3A_821 = tpu.memref_squeeze %dma_wait3A_820 : memref<1x16x128xf32, #tpu.memory_space<vmem>> -> memref<16x128xf32, #tpu.memory_space<vmem>>
    %dma_wait3A_822 = arith.constant 0 : i32
    %dma_wait3A_823 = tpu.memref_slice %arg3[%add3A_639, %dma_wait3A_822] : memref<4096x128xf32, #tpu.memory_space<hbm>> -> memref<16x128xf32, #tpu.memory_space<hbm>>
    %dma_wait3A_824 = arith.constant 0 : i32
    %dma_wait3A_825 = arith.constant 0 : i32
    %dma_wait3A_826 = tpu.memref_slice %arg9[%dma_wait3A_817, %dma_wait3A_824, %dma_wait3A_825] : memref<2x16x128xf32, #tpu.memory_space<vmem>> -> memref<1x16x128xf32, #tpu.memory_space<vmem>>
    %dma_wait3A_827 = tpu.memref_squeeze %dma_wait3A_826 : memref<1x16x128xf32, #tpu.memory_space<vmem>> -> memref<16x128xf32, #tpu.memory_space<vmem>>
    %dma_wait3A_828 = arith.constant 0 : i32
    %dma_wait3A_829 = tpu.memref_slice %arg3[%add3A_639, %dma_wait3A_828] : memref<4096x128xf32, #tpu.memory_space<hbm>> -> memref<16x128xf32, #tpu.memory_space<hbm>>
    tpu.wait_dma2 semaphore(%arg10 : memref<!tpu.dma_semaphore, #tpu.memory_space<semaphore_mem>>) src(%dma_wait3A_829 : memref<16x128xf32, #tpu.memory_space<hbm>>) dst(%dma_wait3A_827 : memref<16x128xf32, #tpu.memory_space<vmem>>)
    %dma_start3A_830 = arith.constant 0 : i32
    %dma_start3A_831 = arith.constant 0 : i32
    %dma_start3A_832 = arith.constant 0 : i32
    %dma_start3A_833 = arith.constant 0 : i32
    %dma_start3A_834 = tpu.memref_slice %arg8[%dma_start3A_830, %dma_start3A_832, %dma_start3A_833] : memref<2x16x1024xf32, #tpu.memory_space<vmem>> -> memref<1x16x1024xf32, #tpu.memory_space<vmem>>
    %dma_start3A_835 = tpu.memref_squeeze %dma_start3A_834 : memref<1x16x1024xf32, #tpu.memory_space<vmem>> -> memref<16x1024xf32, #tpu.memory_space<vmem>>
    %dma_start3A_836 = arith.constant 0 : i32
    %dma_start3A_837 = tpu.memref_slice %arg7[%dma_start3A_831, %dma_start3A_836] : memref<2x16xi32, #tpu.memory_space<vmem>> -> memref<1x16xi32, #tpu.memory_space<vmem>>
    %dma_start3A_838 = tpu.memref_squeeze %dma_start3A_837 : memref<1x16xi32, #tpu.memory_space<vmem>> -> memref<16xi32, #tpu.memory_space<vmem>>
    %dma_start3A_839 = arith.constant 0 : i32
    %dma_start3A_840 = arith.constant 0 : i32
    %dma_start3A_841 = tpu.memref_slice %arg5[%dma_start3A_839, %dma_start3A_840] : memref<4096x1024xf32, #tpu.memory_space<hbm>> -> memref<4096x1024xf32, #tpu.memory_space<hbm>>
    tpu.enqueue_indirect_dma source(%dma_start3A_835 : memref<16x1024xf32, #tpu.memory_space<vmem>>) target(%dma_start3A_841 : memref<4096x1024xf32, #tpu.memory_space<hbm>>) offsets(%dma_start3A_838 : memref<16xi32, #tpu.memory_space<vmem>>) semaphore(%arg11 : memref<!tpu.dma_semaphore, #tpu.memory_space<semaphore_mem>>)
    %dma_start3A_842 = arith.constant 0 : i32
    %dma_start3A_843 = arith.constant 0 : i32
    %dma_start3A_844 = arith.constant 0 : i32
    %dma_start3A_845 = arith.constant 0 : i32
    %dma_start3A_846 = tpu.memref_slice %arg9[%dma_start3A_842, %dma_start3A_844, %dma_start3A_845] : memref<2x16x128xf32, #tpu.memory_space<vmem>> -> memref<1x16x128xf32, #tpu.memory_space<vmem>>
    %dma_start3A_847 = tpu.memref_squeeze %dma_start3A_846 : memref<1x16x128xf32, #tpu.memory_space<vmem>> -> memref<16x128xf32, #tpu.memory_space<vmem>>
    %dma_start3A_848 = arith.constant 0 : i32
    %dma_start3A_849 = tpu.memref_slice %arg7[%dma_start3A_843, %dma_start3A_848] : memref<2x16xi32, #tpu.memory_space<vmem>> -> memref<1x16xi32, #tpu.memory_space<vmem>>
    %dma_start3A_850 = tpu.memref_squeeze %dma_start3A_849 : memref<1x16xi32, #tpu.memory_space<vmem>> -> memref<16xi32, #tpu.memory_space<vmem>>
    %dma_start3A_851 = arith.constant 0 : i32
    %dma_start3A_852 = arith.constant 0 : i32
    %dma_start3A_853 = tpu.memref_slice %arg6[%dma_start3A_851, %dma_start3A_852] : memref<4096x128xf32, #tpu.memory_space<hbm>> -> memref<4096x128xf32, #tpu.memory_space<hbm>>
    tpu.enqueue_indirect_dma source(%dma_start3A_847 : memref<16x128xf32, #tpu.memory_space<vmem>>) target(%dma_start3A_853 : memref<4096x128xf32, #tpu.memory_space<hbm>>) offsets(%dma_start3A_850 : memref<16xi32, #tpu.memory_space<vmem>>) semaphore(%arg11 : memref<!tpu.dma_semaphore, #tpu.memory_space<semaphore_mem>>)
    %dma_wait3A_854 = arith.constant 0 : i32
    %dma_wait3A_855 = arith.constant 0 : i32
    %dma_wait3A_856 = arith.constant 0 : i32
    %dma_wait3A_857 = arith.constant 0 : i32
    %dma_wait3A_858 = tpu.memref_slice %arg8[%dma_wait3A_854, %dma_wait3A_856, %dma_wait3A_857] : memref<2x16x1024xf32, #tpu.memory_space<vmem>> -> memref<1x16x1024xf32, #tpu.memory_space<vmem>>
    %dma_wait3A_859 = tpu.memref_squeeze %dma_wait3A_858 : memref<1x16x1024xf32, #tpu.memory_space<vmem>> -> memref<16x1024xf32, #tpu.memory_space<vmem>>
    %dma_wait3A_860 = arith.constant 0 : i32
    %dma_wait3A_861 = tpu.memref_slice %arg7[%dma_wait3A_855, %dma_wait3A_860] : memref<2x16xi32, #tpu.memory_space<vmem>> -> memref<1x16xi32, #tpu.memory_space<vmem>>
    %dma_wait3A_862 = tpu.memref_squeeze %dma_wait3A_861 : memref<1x16xi32, #tpu.memory_space<vmem>> -> memref<16xi32, #tpu.memory_space<vmem>>
    %dma_wait3A_863 = arith.constant 0 : i32
    %dma_wait3A_864 = arith.constant 0 : i32
    %dma_wait3A_865 = tpu.memref_slice %arg5[%dma_wait3A_863, %dma_wait3A_864] : memref<4096x1024xf32, #tpu.memory_space<hbm>> -> memref<4096x1024xf32, #tpu.memory_space<hbm>>
    tpu.wait_indirect_dma semaphore(%arg11 : memref<!tpu.dma_semaphore, #tpu.memory_space<semaphore_mem>>) src(%dma_wait3A_859 : memref<16x1024xf32, #tpu.memory_space<vmem>>) dst(%dma_wait3A_865 : memref<4096x1024xf32, #tpu.memory_space<hbm>>)
    %dma_wait3A_866 = arith.constant 0 : i32
    %dma_wait3A_867 = arith.constant 0 : i32
    %dma_wait3A_868 = arith.constant 0 : i32
    %dma_wait3A_869 = arith.constant 0 : i32
    %dma_wait3A_870 = tpu.memref_slice %arg9[%dma_wait3A_866, %dma_wait3A_868, %dma_wait3A_869] : memref<2x16x128xf32, #tpu.memory_space<vmem>> -> memref<1x16x128xf32, #tpu.memory_space<vmem>>
    %dma_wait3A_871 = tpu.memref_squeeze %dma_wait3A_870 : memref<1x16x128xf32, #tpu.memory_space<vmem>> -> memref<16x128xf32, #tpu.memory_space<vmem>>
    %dma_wait3A_872 = arith.constant 0 : i32
    %dma_wait3A_873 = tpu.memref_slice %arg7[%dma_wait3A_867, %dma_wait3A_872] : memref<2x16xi32, #tpu.memory_space<vmem>> -> memref<1x16xi32, #tpu.memory_space<vmem>>
    %dma_wait3A_874 = tpu.memref_squeeze %dma_wait3A_873 : memref<1x16xi32, #tpu.memory_space<vmem>> -> memref<16xi32, #tpu.memory_space<vmem>>
    %dma_wait3A_875 = arith.constant 0 : i32
    %dma_wait3A_876 = arith.constant 0 : i32
    %dma_wait3A_877 = tpu.memref_slice %arg6[%dma_wait3A_875, %dma_wait3A_876] : memref<4096x128xf32, #tpu.memory_space<hbm>> -> memref<4096x128xf32, #tpu.memory_space<hbm>>
    tpu.wait_indirect_dma semaphore(%arg11 : memref<!tpu.dma_semaphore, #tpu.memory_space<semaphore_mem>>) src(%dma_wait3A_871 : memref<16x128xf32, #tpu.memory_space<vmem>>) dst(%dma_wait3A_877 : memref<4096x128xf32, #tpu.memory_space<hbm>>)
    %dma_wait3A_878 = arith.constant 1 : i32
    %dma_wait3A_879 = arith.constant 0 : i32
    %dma_wait3A_880 = tpu.memref_slice %arg7[%dma_wait3A_878, %dma_wait3A_879] : memref<2x16xi32, #tpu.memory_space<vmem>> -> memref<1x16xi32, #tpu.memory_space<vmem>>
    %dma_wait3A_881 = tpu.memref_squeeze %dma_wait3A_880 : memref<1x16xi32, #tpu.memory_space<vmem>> -> memref<16xi32, #tpu.memory_space<vmem>>
    %dma_wait3A_882 = tpu.memref_slice %arg4[%add3A_759] : memref<4096xi32, #tpu.memory_space<hbm>> -> memref<16xi32, #tpu.memory_space<hbm>>
    %dma_wait3A_883 = arith.constant 0 : i32
    %dma_wait3A_884 = tpu.memref_slice %arg7[%dma_wait3A_878, %dma_wait3A_883] : memref<2x16xi32, #tpu.memory_space<vmem>> -> memref<1x16xi32, #tpu.memory_space<vmem>>
    %dma_wait3A_885 = tpu.memref_squeeze %dma_wait3A_884 : memref<1x16xi32, #tpu.memory_space<vmem>> -> memref<16xi32, #tpu.memory_space<vmem>>
    %dma_wait3A_886 = tpu.memref_slice %arg4[%add3A_759] : memref<4096xi32, #tpu.memory_space<hbm>> -> memref<16xi32, #tpu.memory_space<hbm>>
    tpu.wait_dma2 semaphore(%arg10 : memref<!tpu.dma_semaphore, #tpu.memory_space<semaphore_mem>>) src(%dma_wait3A_886 : memref<16xi32, #tpu.memory_space<hbm>>) dst(%dma_wait3A_885 : memref<16xi32, #tpu.memory_space<vmem>>)
    %dma_wait3A_887 = arith.constant 1 : i32
    %dma_wait3A_888 = arith.constant 0 : i32
    %dma_wait3A_889 = arith.constant 0 : i32
    %dma_wait3A_890 = tpu.memref_slice %arg8[%dma_wait3A_887, %dma_wait3A_888, %dma_wait3A_889] : memref<2x16x1024xf32, #tpu.memory_space<vmem>> -> memref<1x16x1024xf32, #tpu.memory_space<vmem>>
    %dma_wait3A_891 = tpu.memref_squeeze %dma_wait3A_890 : memref<1x16x1024xf32, #tpu.memory_space<vmem>> -> memref<16x1024xf32, #tpu.memory_space<vmem>>
    %dma_wait3A_892 = arith.constant 0 : i32
    %dma_wait3A_893 = tpu.memref_slice %arg2[%add3A_759, %dma_wait3A_892] : memref<4096x1024xf32, #tpu.memory_space<hbm>> -> memref<16x1024xf32, #tpu.memory_space<hbm>>
    %dma_wait3A_894 = arith.constant 0 : i32
    %dma_wait3A_895 = arith.constant 0 : i32
    %dma_wait3A_896 = tpu.memref_slice %arg8[%dma_wait3A_887, %dma_wait3A_894, %dma_wait3A_895] : memref<2x16x1024xf32, #tpu.memory_space<vmem>> -> memref<1x16x1024xf32, #tpu.memory_space<vmem>>
    %dma_wait3A_897 = tpu.memref_squeeze %dma_wait3A_896 : memref<1x16x1024xf32, #tpu.memory_space<vmem>> -> memref<16x1024xf32, #tpu.memory_space<vmem>>
    %dma_wait3A_898 = arith.constant 0 : i32
    %dma_wait3A_899 = tpu.memref_slice %arg2[%add3A_759, %dma_wait3A_898] : memref<4096x1024xf32, #tpu.memory_space<hbm>> -> memref<16x1024xf32, #tpu.memory_space<hbm>>
    tpu.wait_dma2 semaphore(%arg10 : memref<!tpu.dma_semaphore, #tpu.memory_space<semaphore_mem>>) src(%dma_wait3A_899 : memref<16x1024xf32, #tpu.memory_space<hbm>>) dst(%dma_wait3A_897 : memref<16x1024xf32, #tpu.memory_space<vmem>>)
    %dma_wait3A_900 = arith.constant 1 : i32
    %dma_wait3A_901 = arith.constant 0 : i32
    %dma_wait3A_902 = arith.constant 0 : i32
    %dma_wait3A_903 = tpu.memref_slice %arg9[%dma_wait3A_900, %dma_wait3A_901, %dma_wait3A_902] : memref<2x16x128xf32, #tpu.memory_space<vmem>> -> memref<1x16x128xf32, #tpu.memory_space<vmem>>
    %dma_wait3A_904 = tpu.memref_squeeze %dma_wait3A_903 : memref<1x16x128xf32, #tpu.memory_space<vmem>> -> memref<16x128xf32, #tpu.memory_space<vmem>>
    %dma_wait3A_905 = arith.constant 0 : i32
    %dma_wait3A_906 = tpu.memref_slice %arg3[%add3A_759, %dma_wait3A_905] : memref<4096x128xf32, #tpu.memory_space<hbm>> -> memref<16x128xf32, #tpu.memory_space<hbm>>
    %dma_wait3A_907 = arith.constant 0 : i32
    %dma_wait3A_908 = arith.constant 0 : i32
    %dma_wait3A_909 = tpu.memref_slice %arg9[%dma_wait3A_900, %dma_wait3A_907, %dma_wait3A_908] : memref<2x16x128xf32, #tpu.memory_space<vmem>> -> memref<1x16x128xf32, #tpu.memory_space<vmem>>
    %dma_wait3A_910 = tpu.memref_squeeze %dma_wait3A_909 : memref<1x16x128xf32, #tpu.memory_space<vmem>> -> memref<16x128xf32, #tpu.memory_space<vmem>>
    %dma_wait3A_911 = arith.constant 0 : i32
    %dma_wait3A_912 = tpu.memref_slice %arg3[%add3A_759, %dma_wait3A_911] : memref<4096x128xf32, #tpu.memory_space<hbm>> -> memref<16x128xf32, #tpu.memory_space<hbm>>
    tpu.wait_dma2 semaphore(%arg10 : memref<!tpu.dma_semaphore, #tpu.memory_space<semaphore_mem>>) src(%dma_wait3A_912 : memref<16x128xf32, #tpu.memory_space<hbm>>) dst(%dma_wait3A_910 : memref<16x128xf32, #tpu.memory_space<vmem>>)
    %dma_start3A_913 = arith.constant 1 : i32
    %dma_start3A_914 = arith.constant 1 : i32
    %dma_start3A_915 = arith.constant 0 : i32
    %dma_start3A_916 = arith.constant 0 : i32
    %dma_start3A_917 = tpu.memref_slice %arg8[%dma_start3A_913, %dma_start3A_915, %dma_start3A_916] : memref<2x16x1024xf32, #tpu.memory_space<vmem>> -> memref<1x16x1024xf32, #tpu.memory_space<vmem>>
    %dma_start3A_918 = tpu.memref_squeeze %dma_start3A_917 : memref<1x16x1024xf32, #tpu.memory_space<vmem>> -> memref<16x1024xf32, #tpu.memory_space<vmem>>
    %dma_start3A_919 = arith.constant 0 : i32
    %dma_start3A_920 = tpu.memref_slice %arg7[%dma_start3A_914, %dma_start3A_919] : memref<2x16xi32, #tpu.memory_space<vmem>> -> memref<1x16xi32, #tpu.memory_space<vmem>>
    %dma_start3A_921 = tpu.memref_squeeze %dma_start3A_920 : memref<1x16xi32, #tpu.memory_space<vmem>> -> memref<16xi32, #tpu.memory_space<vmem>>
    %dma_start3A_922 = arith.constant 0 : i32
    %dma_start3A_923 = arith.constant 0 : i32
    %dma_start3A_924 = tpu.memref_slice %arg5[%dma_start3A_922, %dma_start3A_923] : memref<4096x1024xf32, #tpu.memory_space<hbm>> -> memref<4096x1024xf32, #tpu.memory_space<hbm>>
    tpu.enqueue_indirect_dma source(%dma_start3A_918 : memref<16x1024xf32, #tpu.memory_space<vmem>>) target(%dma_start3A_924 : memref<4096x1024xf32, #tpu.memory_space<hbm>>) offsets(%dma_start3A_921 : memref<16xi32, #tpu.memory_space<vmem>>) semaphore(%arg11 : memref<!tpu.dma_semaphore, #tpu.memory_space<semaphore_mem>>)
    %dma_start3A_925 = arith.constant 1 : i32
    %dma_start3A_926 = arith.constant 1 : i32
    %dma_start3A_927 = arith.constant 0 : i32
    %dma_start3A_928 = arith.constant 0 : i32
    %dma_start3A_929 = tpu.memref_slice %arg9[%dma_start3A_925, %dma_start3A_927, %dma_start3A_928] : memref<2x16x128xf32, #tpu.memory_space<vmem>> -> memref<1x16x128xf32, #tpu.memory_space<vmem>>
    %dma_start3A_930 = tpu.memref_squeeze %dma_start3A_929 : memref<1x16x128xf32, #tpu.memory_space<vmem>> -> memref<16x128xf32, #tpu.memory_space<vmem>>
    %dma_start3A_931 = arith.constant 0 : i32
    %dma_start3A_932 = tpu.memref_slice %arg7[%dma_start3A_926, %dma_start3A_931] : memref<2x16xi32, #tpu.memory_space<vmem>> -> memref<1x16xi32, #tpu.memory_space<vmem>>
    %dma_start3A_933 = tpu.memref_squeeze %dma_start3A_932 : memref<1x16xi32, #tpu.memory_space<vmem>> -> memref<16xi32, #tpu.memory_space<vmem>>
    %dma_start3A_934 = arith.constant 0 : i32
    %dma_start3A_935 = arith.constant 0 : i32
    %dma_start3A_936 = tpu.memref_slice %arg6[%dma_start3A_934, %dma_start3A_935] : memref<4096x128xf32, #tpu.memory_space<hbm>> -> memref<4096x128xf32, #tpu.memory_space<hbm>>
    tpu.enqueue_indirect_dma source(%dma_start3A_930 : memref<16x128xf32, #tpu.memory_space<vmem>>) target(%dma_start3A_936 : memref<4096x128xf32, #tpu.memory_space<hbm>>) offsets(%dma_start3A_933 : memref<16xi32, #tpu.memory_space<vmem>>) semaphore(%arg11 : memref<!tpu.dma_semaphore, #tpu.memory_space<semaphore_mem>>)
    %dma_wait3A_937 = arith.constant 1 : i32
    %dma_wait3A_938 = arith.constant 1 : i32
    %dma_wait3A_939 = arith.constant 0 : i32
    %dma_wait3A_940 = arith.constant 0 : i32
    %dma_wait3A_941 = tpu.memref_slice %arg8[%dma_wait3A_937, %dma_wait3A_939, %dma_wait3A_940] : memref<2x16x1024xf32, #tpu.memory_space<vmem>> -> memref<1x16x1024xf32, #tpu.memory_space<vmem>>
    %dma_wait3A_942 = tpu.memref_squeeze %dma_wait3A_941 : memref<1x16x1024xf32, #tpu.memory_space<vmem>> -> memref<16x1024xf32, #tpu.memory_space<vmem>>
    %dma_wait3A_943 = arith.constant 0 : i32
    %dma_wait3A_944 = tpu.memref_slice %arg7[%dma_wait3A_938, %dma_wait3A_943] : memref<2x16xi32, #tpu.memory_space<vmem>> -> memref<1x16xi32, #tpu.memory_space<vmem>>
    %dma_wait3A_945 = tpu.memref_squeeze %dma_wait3A_944 : memref<1x16xi32, #tpu.memory_space<vmem>> -> memref<16xi32, #tpu.memory_space<vmem>>
    %dma_wait3A_946 = arith.constant 0 : i32
    %dma_wait3A_947 = arith.constant 0 : i32
    %dma_wait3A_948 = tpu.memref_slice %arg5[%dma_wait3A_946, %dma_wait3A_947] : memref<4096x1024xf32, #tpu.memory_space<hbm>> -> memref<4096x1024xf32, #tpu.memory_space<hbm>>
    tpu.wait_indirect_dma semaphore(%arg11 : memref<!tpu.dma_semaphore, #tpu.memory_space<semaphore_mem>>) src(%dma_wait3A_942 : memref<16x1024xf32, #tpu.memory_space<vmem>>) dst(%dma_wait3A_948 : memref<4096x1024xf32, #tpu.memory_space<hbm>>)
    %dma_wait3A_949 = arith.constant 1 : i32
    %dma_wait3A_950 = arith.constant 1 : i32
    %dma_wait3A_951 = arith.constant 0 : i32
    %dma_wait3A_952 = arith.constant 0 : i32
    %dma_wait3A_953 = tpu.memref_slice %arg9[%dma_wait3A_949, %dma_wait3A_951, %dma_wait3A_952] : memref<2x16x128xf32, #tpu.memory_space<vmem>> -> memref<1x16x128xf32, #tpu.memory_space<vmem>>
    %dma_wait3A_954 = tpu.memref_squeeze %dma_wait3A_953 : memref<1x16x128xf32, #tpu.memory_space<vmem>> -> memref<16x128xf32, #tpu.memory_space<vmem>>
    %dma_wait3A_955 = arith.constant 0 : i32
    %dma_wait3A_956 = tpu.memref_slice %arg7[%dma_wait3A_950, %dma_wait3A_955] : memref<2x16xi32, #tpu.memory_space<vmem>> -> memref<1x16xi32, #tpu.memory_space<vmem>>
    %dma_wait3A_957 = tpu.memref_squeeze %dma_wait3A_956 : memref<1x16xi32, #tpu.memory_space<vmem>> -> memref<16xi32, #tpu.memory_space<vmem>>
    %dma_wait3A_958 = arith.constant 0 : i32
    %dma_wait3A_959 = arith.constant 0 : i32
    %dma_wait3A_960 = tpu.memref_slice %arg6[%dma_wait3A_958, %dma_wait3A_959] : memref<4096x128xf32, #tpu.memory_space<hbm>> -> memref<4096x128xf32, #tpu.memory_space<hbm>>
    tpu.wait_indirect_dma semaphore(%arg11 : memref<!tpu.dma_semaphore, #tpu.memory_space<semaphore_mem>>) src(%dma_wait3A_954 : memref<16x128xf32, #tpu.memory_space<vmem>>) dst(%dma_wait3A_960 : memref<4096x128xf32, #tpu.memory_space<hbm>>)
    return
  }
}

#map = affine_map<(d0, d1) -> (0, 0)>
#map1 = affine_map<(d0, d1) -> (0)>
module attributes {stable_mosaic.version = 14 : i64} {
  func.func @k(%arg0: i32, %arg1: i32, %arg2: memref<4096x1024xf32, #tpu.memory_space<hbm>>, %arg3: memref<4096xi32, #tpu.memory_space<hbm>>, %arg4: memref<4096x1024xf32, #tpu.memory_space<hbm>>, %arg5: memref<2x32xi32, #tpu.memory_space<vmem>>, %arg6: memref<2x32x1024xf32, #tpu.memory_space<vmem>>, %arg7: memref<!tpu.dma_semaphore, #tpu.memory_space<semaphore_mem>>, %arg8: memref<!tpu.dma_semaphore, #tpu.memory_space<semaphore_mem>>) attributes {dimension_semantics = [#tpu.dimension_semantics<core_parallel>, #tpu.dimension_semantics<subcore_parallel>], iteration_bounds = array<i64: 2, 16>, scalar_prefetch = 0 : i64, scratch_operands = 4 : i64, tpu.core_type = #tpu.core_type<sc_vector_subcore>, window_params = [{transform_indices = #map}, {transform_indices = #map1}, {transform_indices = #map}]} {
    %mul3A = arith.constant 2 : i32
    %mul3A_0 = arith.muli %arg1, %mul3A : i32
    %add3A = arith.addi %mul3A_0, %arg0 : i32
    %mul3A_1 = arith.constant 128 : i32
    %mul3A_2 = arith.muli %add3A, %mul3A_1 : i32
    %add3A_3 = arith.constant 0 : i32
    %add3A_4 = arith.addi %mul3A_2, %add3A_3 : i32
    %dma_start3A = arith.constant 0 : i32
    %dma_start3A_5 = arith.constant 0 : i32
    %dma_start3A_6 = tpu.memref_slice %arg5[%dma_start3A, %dma_start3A_5] : memref<2x32xi32, #tpu.memory_space<vmem>> -> memref<1x32xi32, #tpu.memory_space<vmem>>
    %dma_start3A_7 = tpu.memref_squeeze %dma_start3A_6 : memref<1x32xi32, #tpu.memory_space<vmem>> -> memref<32xi32, #tpu.memory_space<vmem>>
    %dma_start3A_8 = tpu.memref_slice %arg3[%add3A_4] : memref<4096xi32, #tpu.memory_space<hbm>> -> memref<32xi32, #tpu.memory_space<hbm>>
    %dma_start3A_9 = arith.constant 0 : i32
    %dma_start3A_10 = tpu.memref_slice %arg5[%dma_start3A, %dma_start3A_9] : memref<2x32xi32, #tpu.memory_space<vmem>> -> memref<1x32xi32, #tpu.memory_space<vmem>>
    %dma_start3A_11 = tpu.memref_squeeze %dma_start3A_10 : memref<1x32xi32, #tpu.memory_space<vmem>> -> memref<32xi32, #tpu.memory_space<vmem>>
    %dma_start3A_12 = tpu.memref_slice %arg3[%add3A_4] : memref<4096xi32, #tpu.memory_space<hbm>> -> memref<32xi32, #tpu.memory_space<hbm>>
    tpu.enqueue_dma source(%dma_start3A_12 : memref<32xi32, #tpu.memory_space<hbm>>) target(%dma_start3A_11 : memref<32xi32, #tpu.memory_space<vmem>>) target_semaphore(%arg7 : memref<!tpu.dma_semaphore, #tpu.memory_space<semaphore_mem>>)
    %add3A_13 = arith.constant 32 : i32
    %add3A_14 = arith.addi %mul3A_2, %add3A_13 : i32
    %dma_start3A_15 = arith.constant 1 : i32
    %dma_start3A_16 = arith.constant 0 : i32
    %dma_start3A_17 = tpu.memref_slice %arg5[%dma_start3A_15, %dma_start3A_16] : memref<2x32xi32, #tpu.memory_space<vmem>> -> memref<1x32xi32, #tpu.memory_space<vmem>>
    %dma_start3A_18 = tpu.memref_squeeze %dma_start3A_17 : memref<1x32xi32, #tpu.memory_space<vmem>> -> memref<32xi32, #tpu.memory_space<vmem>>
    %dma_start3A_19 = tpu.memref_slice %arg3[%add3A_14] : memref<4096xi32, #tpu.memory_space<hbm>> -> memref<32xi32, #tpu.memory_space<hbm>>
    %dma_start3A_20 = arith.constant 0 : i32
    %dma_start3A_21 = tpu.memref_slice %arg5[%dma_start3A_15, %dma_start3A_20] : memref<2x32xi32, #tpu.memory_space<vmem>> -> memref<1x32xi32, #tpu.memory_space<vmem>>
    %dma_start3A_22 = tpu.memref_squeeze %dma_start3A_21 : memref<1x32xi32, #tpu.memory_space<vmem>> -> memref<32xi32, #tpu.memory_space<vmem>>
    %dma_start3A_23 = tpu.memref_slice %arg3[%add3A_14] : memref<4096xi32, #tpu.memory_space<hbm>> -> memref<32xi32, #tpu.memory_space<hbm>>
    tpu.enqueue_dma source(%dma_start3A_23 : memref<32xi32, #tpu.memory_space<hbm>>) target(%dma_start3A_22 : memref<32xi32, #tpu.memory_space<vmem>>) target_semaphore(%arg7 : memref<!tpu.dma_semaphore, #tpu.memory_space<semaphore_mem>>)
    %dma_wait3A = arith.constant 0 : i32
    %dma_wait3A_24 = arith.constant 0 : i32
    %dma_wait3A_25 = tpu.memref_slice %arg5[%dma_wait3A, %dma_wait3A_24] : memref<2x32xi32, #tpu.memory_space<vmem>> -> memref<1x32xi32, #tpu.memory_space<vmem>>
    %dma_wait3A_26 = tpu.memref_squeeze %dma_wait3A_25 : memref<1x32xi32, #tpu.memory_space<vmem>> -> memref<32xi32, #tpu.memory_space<vmem>>
    %dma_wait3A_27 = tpu.memref_slice %arg3[%add3A_4] : memref<4096xi32, #tpu.memory_space<hbm>> -> memref<32xi32, #tpu.memory_space<hbm>>
    %dma_wait3A_28 = arith.constant 0 : i32
    %dma_wait3A_29 = tpu.memref_slice %arg5[%dma_wait3A, %dma_wait3A_28] : memref<2x32xi32, #tpu.memory_space<vmem>> -> memref<1x32xi32, #tpu.memory_space<vmem>>
    %dma_wait3A_30 = tpu.memref_squeeze %dma_wait3A_29 : memref<1x32xi32, #tpu.memory_space<vmem>> -> memref<32xi32, #tpu.memory_space<vmem>>
    %dma_wait3A_31 = tpu.memref_slice %arg3[%add3A_4] : memref<4096xi32, #tpu.memory_space<hbm>> -> memref<32xi32, #tpu.memory_space<hbm>>
    tpu.wait_dma2 semaphore(%arg7 : memref<!tpu.dma_semaphore, #tpu.memory_space<semaphore_mem>>) src(%dma_wait3A_31 : memref<32xi32, #tpu.memory_space<hbm>>) dst(%dma_wait3A_30 : memref<32xi32, #tpu.memory_space<vmem>>)
    %dma_start3A_32 = arith.constant 0 : i32
    %dma_start3A_33 = arith.constant 0 : i32
    %dma_start3A_34 = arith.constant 0 : i32
    %dma_start3A_35 = arith.constant 0 : i32
    %dma_start3A_36 = tpu.memref_slice %arg6[%dma_start3A_33, %dma_start3A_34, %dma_start3A_35] : memref<2x32x1024xf32, #tpu.memory_space<vmem>> -> memref<1x32x1024xf32, #tpu.memory_space<vmem>>
    %dma_start3A_37 = tpu.memref_squeeze %dma_start3A_36 : memref<1x32x1024xf32, #tpu.memory_space<vmem>> -> memref<32x1024xf32, #tpu.memory_space<vmem>>
    %dma_start3A_38 = arith.constant 0 : i32
    %dma_start3A_39 = tpu.memref_slice %arg5[%dma_start3A_32, %dma_start3A_38] : memref<2x32xi32, #tpu.memory_space<vmem>> -> memref<1x32xi32, #tpu.memory_space<vmem>>
    %dma_start3A_40 = tpu.memref_squeeze %dma_start3A_39 : memref<1x32xi32, #tpu.memory_space<vmem>> -> memref<32xi32, #tpu.memory_space<vmem>>
    %dma_start3A_41 = arith.constant 0 : i32
    %dma_start3A_42 = arith.constant 0 : i32
    %dma_start3A_43 = tpu.memref_slice %arg2[%dma_start3A_41, %dma_start3A_42] : memref<4096x1024xf32, #tpu.memory_space<hbm>> -> memref<4096x1024xf32, #tpu.memory_space<hbm>>
    tpu.enqueue_indirect_dma source(%dma_start3A_43 : memref<4096x1024xf32, #tpu.memory_space<hbm>>) target(%dma_start3A_37 : memref<32x1024xf32, #tpu.memory_space<vmem>>) offsets(%dma_start3A_40 : memref<32xi32, #tpu.memory_space<vmem>>) semaphore(%arg7 : memref<!tpu.dma_semaphore, #tpu.memory_space<semaphore_mem>>)
    %dma_wait3A_44 = arith.constant 0 : i32
    %dma_wait3A_45 = arith.constant 0 : i32
    %dma_wait3A_46 = arith.constant 0 : i32
    %dma_wait3A_47 = arith.constant 0 : i32
    %dma_wait3A_48 = tpu.memref_slice %arg6[%dma_wait3A_45, %dma_wait3A_46, %dma_wait3A_47] : memref<2x32x1024xf32, #tpu.memory_space<vmem>> -> memref<1x32x1024xf32, #tpu.memory_space<vmem>>
    %dma_wait3A_49 = tpu.memref_squeeze %dma_wait3A_48 : memref<1x32x1024xf32, #tpu.memory_space<vmem>> -> memref<32x1024xf32, #tpu.memory_space<vmem>>
    %dma_wait3A_50 = arith.constant 0 : i32
    %dma_wait3A_51 = tpu.memref_slice %arg5[%dma_wait3A_44, %dma_wait3A_50] : memref<2x32xi32, #tpu.memory_space<vmem>> -> memref<1x32xi32, #tpu.memory_space<vmem>>
    %dma_wait3A_52 = tpu.memref_squeeze %dma_wait3A_51 : memref<1x32xi32, #tpu.memory_space<vmem>> -> memref<32xi32, #tpu.memory_space<vmem>>
    %dma_wait3A_53 = arith.constant 0 : i32
    %dma_wait3A_54 = arith.constant 0 : i32
    %dma_wait3A_55 = tpu.memref_slice %arg2[%dma_wait3A_53, %dma_wait3A_54] : memref<4096x1024xf32, #tpu.memory_space<hbm>> -> memref<4096x1024xf32, #tpu.memory_space<hbm>>
    tpu.wait_indirect_dma semaphore(%arg7 : memref<!tpu.dma_semaphore, #tpu.memory_space<semaphore_mem>>) src(%dma_wait3A_55 : memref<4096x1024xf32, #tpu.memory_space<hbm>>) dst(%dma_wait3A_49 : memref<32x1024xf32, #tpu.memory_space<vmem>>)
    %add3A_56 = arith.constant 0 : i32
    %add3A_57 = arith.addi %mul3A_2, %add3A_56 : i32
    %dma_start3A_58 = arith.constant 0 : i32
    %dma_start3A_59 = arith.constant 0 : i32
    %dma_start3A_60 = arith.constant 0 : i32
    %dma_start3A_61 = tpu.memref_slice %arg6[%dma_start3A_58, %dma_start3A_59, %dma_start3A_60] : memref<2x32x1024xf32, #tpu.memory_space<vmem>> -> memref<1x32x1024xf32, #tpu.memory_space<vmem>>
    %dma_start3A_62 = tpu.memref_squeeze %dma_start3A_61 : memref<1x32x1024xf32, #tpu.memory_space<vmem>> -> memref<32x1024xf32, #tpu.memory_space<vmem>>
    %dma_start3A_63 = arith.constant 0 : i32
    %dma_start3A_64 = tpu.memref_slice %arg4[%add3A_57, %dma_start3A_63] : memref<4096x1024xf32, #tpu.memory_space<hbm>> -> memref<32x1024xf32, #tpu.memory_space<hbm>>
    %dma_start3A_65 = arith.constant 0 : i32
    %dma_start3A_66 = tpu.memref_slice %arg4[%add3A_57, %dma_start3A_65] : memref<4096x1024xf32, #tpu.memory_space<hbm>> -> memref<32x1024xf32, #tpu.memory_space<hbm>>
    %dma_start3A_67 = arith.constant 0 : i32
    %dma_start3A_68 = arith.constant 0 : i32
    %dma_start3A_69 = tpu.memref_slice %arg6[%dma_start3A_58, %dma_start3A_67, %dma_start3A_68] : memref<2x32x1024xf32, #tpu.memory_space<vmem>> -> memref<1x32x1024xf32, #tpu.memory_space<vmem>>
    %dma_start3A_70 = tpu.memref_squeeze %dma_start3A_69 : memref<1x32x1024xf32, #tpu.memory_space<vmem>> -> memref<32x1024xf32, #tpu.memory_space<vmem>>
    tpu.enqueue_dma source(%dma_start3A_70 : memref<32x1024xf32, #tpu.memory_space<vmem>>) target(%dma_start3A_66 : memref<32x1024xf32, #tpu.memory_space<hbm>>) target_semaphore(%arg8 : memref<!tpu.dma_semaphore, #tpu.memory_space<semaphore_mem>>)
    %add3A_71 = arith.constant 64 : i32
    %add3A_72 = arith.addi %mul3A_2, %add3A_71 : i32
    %dma_start3A_73 = arith.constant 0 : i32
    %dma_start3A_74 = arith.constant 0 : i32
    %dma_start3A_75 = tpu.memref_slice %arg5[%dma_start3A_73, %dma_start3A_74] : memref<2x32xi32, #tpu.memory_space<vmem>> -> memref<1x32xi32, #tpu.memory_space<vmem>>
    %dma_start3A_76 = tpu.memref_squeeze %dma_start3A_75 : memref<1x32xi32, #tpu.memory_space<vmem>> -> memref<32xi32, #tpu.memory_space<vmem>>
    %dma_start3A_77 = tpu.memref_slice %arg3[%add3A_72] : memref<4096xi32, #tpu.memory_space<hbm>> -> memref<32xi32, #tpu.memory_space<hbm>>
    %dma_start3A_78 = arith.constant 0 : i32
    %dma_start3A_79 = tpu.memref_slice %arg5[%dma_start3A_73, %dma_start3A_78] : memref<2x32xi32, #tpu.memory_space<vmem>> -> memref<1x32xi32, #tpu.memory_space<vmem>>
    %dma_start3A_80 = tpu.memref_squeeze %dma_start3A_79 : memref<1x32xi32, #tpu.memory_space<vmem>> -> memref<32xi32, #tpu.memory_space<vmem>>
    %dma_start3A_81 = tpu.memref_slice %arg3[%add3A_72] : memref<4096xi32, #tpu.memory_space<hbm>> -> memref<32xi32, #tpu.memory_space<hbm>>
    tpu.enqueue_dma source(%dma_start3A_81 : memref<32xi32, #tpu.memory_space<hbm>>) target(%dma_start3A_80 : memref<32xi32, #tpu.memory_space<vmem>>) target_semaphore(%arg7 : memref<!tpu.dma_semaphore, #tpu.memory_space<semaphore_mem>>)
    %dma_wait3A_82 = arith.constant 1 : i32
    %dma_wait3A_83 = arith.constant 0 : i32
    %dma_wait3A_84 = tpu.memref_slice %arg5[%dma_wait3A_82, %dma_wait3A_83] : memref<2x32xi32, #tpu.memory_space<vmem>> -> memref<1x32xi32, #tpu.memory_space<vmem>>
    %dma_wait3A_85 = tpu.memref_squeeze %dma_wait3A_84 : memref<1x32xi32, #tpu.memory_space<vmem>> -> memref<32xi32, #tpu.memory_space<vmem>>
    %dma_wait3A_86 = tpu.memref_slice %arg3[%add3A_14] : memref<4096xi32, #tpu.memory_space<hbm>> -> memref<32xi32, #tpu.memory_space<hbm>>
    %dma_wait3A_87 = arith.constant 0 : i32
    %dma_wait3A_88 = tpu.memref_slice %arg5[%dma_wait3A_82, %dma_wait3A_87] : memref<2x32xi32, #tpu.memory_space<vmem>> -> memref<1x32xi32, #tpu.memory_space<vmem>>
    %dma_wait3A_89 = tpu.memref_squeeze %dma_wait3A_88 : memref<1x32xi32, #tpu.memory_space<vmem>> -> memref<32xi32, #tpu.memory_space<vmem>>
    %dma_wait3A_90 = tpu.memref_slice %arg3[%add3A_14] : memref<4096xi32, #tpu.memory_space<hbm>> -> memref<32xi32, #tpu.memory_space<hbm>>
    tpu.wait_dma2 semaphore(%arg7 : memref<!tpu.dma_semaphore, #tpu.memory_space<semaphore_mem>>) src(%dma_wait3A_90 : memref<32xi32, #tpu.memory_space<hbm>>) dst(%dma_wait3A_89 : memref<32xi32, #tpu.memory_space<vmem>>)
    %dma_start3A_91 = arith.constant 1 : i32
    %dma_start3A_92 = arith.constant 1 : i32
    %dma_start3A_93 = arith.constant 0 : i32
    %dma_start3A_94 = arith.constant 0 : i32
    %dma_start3A_95 = tpu.memref_slice %arg6[%dma_start3A_92, %dma_start3A_93, %dma_start3A_94] : memref<2x32x1024xf32, #tpu.memory_space<vmem>> -> memref<1x32x1024xf32, #tpu.memory_space<vmem>>
    %dma_start3A_96 = tpu.memref_squeeze %dma_start3A_95 : memref<1x32x1024xf32, #tpu.memory_space<vmem>> -> memref<32x1024xf32, #tpu.memory_space<vmem>>
    %dma_start3A_97 = arith.constant 0 : i32
    %dma_start3A_98 = tpu.memref_slice %arg5[%dma_start3A_91, %dma_start3A_97] : memref<2x32xi32, #tpu.memory_space<vmem>> -> memref<1x32xi32, #tpu.memory_space<vmem>>
    %dma_start3A_99 = tpu.memref_squeeze %dma_start3A_98 : memref<1x32xi32, #tpu.memory_space<vmem>> -> memref<32xi32, #tpu.memory_space<vmem>>
    %dma_start3A_100 = arith.constant 0 : i32
    %dma_start3A_101 = arith.constant 0 : i32
    %dma_start3A_102 = tpu.memref_slice %arg2[%dma_start3A_100, %dma_start3A_101] : memref<4096x1024xf32, #tpu.memory_space<hbm>> -> memref<4096x1024xf32, #tpu.memory_space<hbm>>
    tpu.enqueue_indirect_dma source(%dma_start3A_102 : memref<4096x1024xf32, #tpu.memory_space<hbm>>) target(%dma_start3A_96 : memref<32x1024xf32, #tpu.memory_space<vmem>>) offsets(%dma_start3A_99 : memref<32xi32, #tpu.memory_space<vmem>>) semaphore(%arg7 : memref<!tpu.dma_semaphore, #tpu.memory_space<semaphore_mem>>)
    %dma_wait3A_103 = arith.constant 1 : i32
    %dma_wait3A_104 = arith.constant 1 : i32
    %dma_wait3A_105 = arith.constant 0 : i32
    %dma_wait3A_106 = arith.constant 0 : i32
    %dma_wait3A_107 = tpu.memref_slice %arg6[%dma_wait3A_104, %dma_wait3A_105, %dma_wait3A_106] : memref<2x32x1024xf32, #tpu.memory_space<vmem>> -> memref<1x32x1024xf32, #tpu.memory_space<vmem>>
    %dma_wait3A_108 = tpu.memref_squeeze %dma_wait3A_107 : memref<1x32x1024xf32, #tpu.memory_space<vmem>> -> memref<32x1024xf32, #tpu.memory_space<vmem>>
    %dma_wait3A_109 = arith.constant 0 : i32
    %dma_wait3A_110 = tpu.memref_slice %arg5[%dma_wait3A_103, %dma_wait3A_109] : memref<2x32xi32, #tpu.memory_space<vmem>> -> memref<1x32xi32, #tpu.memory_space<vmem>>
    %dma_wait3A_111 = tpu.memref_squeeze %dma_wait3A_110 : memref<1x32xi32, #tpu.memory_space<vmem>> -> memref<32xi32, #tpu.memory_space<vmem>>
    %dma_wait3A_112 = arith.constant 0 : i32
    %dma_wait3A_113 = arith.constant 0 : i32
    %dma_wait3A_114 = tpu.memref_slice %arg2[%dma_wait3A_112, %dma_wait3A_113] : memref<4096x1024xf32, #tpu.memory_space<hbm>> -> memref<4096x1024xf32, #tpu.memory_space<hbm>>
    tpu.wait_indirect_dma semaphore(%arg7 : memref<!tpu.dma_semaphore, #tpu.memory_space<semaphore_mem>>) src(%dma_wait3A_114 : memref<4096x1024xf32, #tpu.memory_space<hbm>>) dst(%dma_wait3A_108 : memref<32x1024xf32, #tpu.memory_space<vmem>>)
    %add3A_115 = arith.constant 32 : i32
    %add3A_116 = arith.addi %mul3A_2, %add3A_115 : i32
    %dma_start3A_117 = arith.constant 1 : i32
    %dma_start3A_118 = arith.constant 0 : i32
    %dma_start3A_119 = arith.constant 0 : i32
    %dma_start3A_120 = tpu.memref_slice %arg6[%dma_start3A_117, %dma_start3A_118, %dma_start3A_119] : memref<2x32x1024xf32, #tpu.memory_space<vmem>> -> memref<1x32x1024xf32, #tpu.memory_space<vmem>>
    %dma_start3A_121 = tpu.memref_squeeze %dma_start3A_120 : memref<1x32x1024xf32, #tpu.memory_space<vmem>> -> memref<32x1024xf32, #tpu.memory_space<vmem>>
    %dma_start3A_122 = arith.constant 0 : i32
    %dma_start3A_123 = tpu.memref_slice %arg4[%add3A_116, %dma_start3A_122] : memref<4096x1024xf32, #tpu.memory_space<hbm>> -> memref<32x1024xf32, #tpu.memory_space<hbm>>
    %dma_start3A_124 = arith.constant 0 : i32
    %dma_start3A_125 = tpu.memref_slice %arg4[%add3A_116, %dma_start3A_124] : memref<4096x1024xf32, #tpu.memory_space<hbm>> -> memref<32x1024xf32, #tpu.memory_space<hbm>>
    %dma_start3A_126 = arith.constant 0 : i32
    %dma_start3A_127 = arith.constant 0 : i32
    %dma_start3A_128 = tpu.memref_slice %arg6[%dma_start3A_117, %dma_start3A_126, %dma_start3A_127] : memref<2x32x1024xf32, #tpu.memory_space<vmem>> -> memref<1x32x1024xf32, #tpu.memory_space<vmem>>
    %dma_start3A_129 = tpu.memref_squeeze %dma_start3A_128 : memref<1x32x1024xf32, #tpu.memory_space<vmem>> -> memref<32x1024xf32, #tpu.memory_space<vmem>>
    tpu.enqueue_dma source(%dma_start3A_129 : memref<32x1024xf32, #tpu.memory_space<vmem>>) target(%dma_start3A_125 : memref<32x1024xf32, #tpu.memory_space<hbm>>) target_semaphore(%arg8 : memref<!tpu.dma_semaphore, #tpu.memory_space<semaphore_mem>>)
    %add3A_130 = arith.constant 96 : i32
    %add3A_131 = arith.addi %mul3A_2, %add3A_130 : i32
    %dma_start3A_132 = arith.constant 1 : i32
    %dma_start3A_133 = arith.constant 0 : i32
    %dma_start3A_134 = tpu.memref_slice %arg5[%dma_start3A_132, %dma_start3A_133] : memref<2x32xi32, #tpu.memory_space<vmem>> -> memref<1x32xi32, #tpu.memory_space<vmem>>
    %dma_start3A_135 = tpu.memref_squeeze %dma_start3A_134 : memref<1x32xi32, #tpu.memory_space<vmem>> -> memref<32xi32, #tpu.memory_space<vmem>>
    %dma_start3A_136 = tpu.memref_slice %arg3[%add3A_131] : memref<4096xi32, #tpu.memory_space<hbm>> -> memref<32xi32, #tpu.memory_space<hbm>>
    %dma_start3A_137 = arith.constant 0 : i32
    %dma_start3A_138 = tpu.memref_slice %arg5[%dma_start3A_132, %dma_start3A_137] : memref<2x32xi32, #tpu.memory_space<vmem>> -> memref<1x32xi32, #tpu.memory_space<vmem>>
    %dma_start3A_139 = tpu.memref_squeeze %dma_start3A_138 : memref<1x32xi32, #tpu.memory_space<vmem>> -> memref<32xi32, #tpu.memory_space<vmem>>
    %dma_start3A_140 = tpu.memref_slice %arg3[%add3A_131] : memref<4096xi32, #tpu.memory_space<hbm>> -> memref<32xi32, #tpu.memory_space<hbm>>
    tpu.enqueue_dma source(%dma_start3A_140 : memref<32xi32, #tpu.memory_space<hbm>>) target(%dma_start3A_139 : memref<32xi32, #tpu.memory_space<vmem>>) target_semaphore(%arg7 : memref<!tpu.dma_semaphore, #tpu.memory_space<semaphore_mem>>)
    %dma_wait3A_141 = arith.constant 0 : i32
    %dma_wait3A_142 = arith.constant 0 : i32
    %dma_wait3A_143 = tpu.memref_slice %arg5[%dma_wait3A_141, %dma_wait3A_142] : memref<2x32xi32, #tpu.memory_space<vmem>> -> memref<1x32xi32, #tpu.memory_space<vmem>>
    %dma_wait3A_144 = tpu.memref_squeeze %dma_wait3A_143 : memref<1x32xi32, #tpu.memory_space<vmem>> -> memref<32xi32, #tpu.memory_space<vmem>>
    %dma_wait3A_145 = tpu.memref_slice %arg3[%add3A_72] : memref<4096xi32, #tpu.memory_space<hbm>> -> memref<32xi32, #tpu.memory_space<hbm>>
    %dma_wait3A_146 = arith.constant 0 : i32
    %dma_wait3A_147 = tpu.memref_slice %arg5[%dma_wait3A_141, %dma_wait3A_146] : memref<2x32xi32, #tpu.memory_space<vmem>> -> memref<1x32xi32, #tpu.memory_space<vmem>>
    %dma_wait3A_148 = tpu.memref_squeeze %dma_wait3A_147 : memref<1x32xi32, #tpu.memory_space<vmem>> -> memref<32xi32, #tpu.memory_space<vmem>>
    %dma_wait3A_149 = tpu.memref_slice %arg3[%add3A_72] : memref<4096xi32, #tpu.memory_space<hbm>> -> memref<32xi32, #tpu.memory_space<hbm>>
    tpu.wait_dma2 semaphore(%arg7 : memref<!tpu.dma_semaphore, #tpu.memory_space<semaphore_mem>>) src(%dma_wait3A_149 : memref<32xi32, #tpu.memory_space<hbm>>) dst(%dma_wait3A_148 : memref<32xi32, #tpu.memory_space<vmem>>)
    %dma_wait3A_150 = arith.constant 0 : i32
    %dma_wait3A_151 = arith.constant 0 : i32
    %dma_wait3A_152 = arith.constant 0 : i32
    %dma_wait3A_153 = tpu.memref_slice %arg6[%dma_wait3A_150, %dma_wait3A_151, %dma_wait3A_152] : memref<2x32x1024xf32, #tpu.memory_space<vmem>> -> memref<1x32x1024xf32, #tpu.memory_space<vmem>>
    %dma_wait3A_154 = tpu.memref_squeeze %dma_wait3A_153 : memref<1x32x1024xf32, #tpu.memory_space<vmem>> -> memref<32x1024xf32, #tpu.memory_space<vmem>>
    %dma_wait3A_155 = arith.constant 0 : i32
    %dma_wait3A_156 = tpu.memref_slice %arg4[%add3A_57, %dma_wait3A_155] : memref<4096x1024xf32, #tpu.memory_space<hbm>> -> memref<32x1024xf32, #tpu.memory_space<hbm>>
    %dma_wait3A_157 = arith.constant 0 : i32
    %dma_wait3A_158 = tpu.memref_slice %arg4[%add3A_57, %dma_wait3A_157] : memref<4096x1024xf32, #tpu.memory_space<hbm>> -> memref<32x1024xf32, #tpu.memory_space<hbm>>
    %dma_wait3A_159 = arith.constant 0 : i32
    %dma_wait3A_160 = arith.constant 0 : i32
    %dma_wait3A_161 = tpu.memref_slice %arg6[%dma_wait3A_150, %dma_wait3A_159, %dma_wait3A_160] : memref<2x32x1024xf32, #tpu.memory_space<vmem>> -> memref<1x32x1024xf32, #tpu.memory_space<vmem>>
    %dma_wait3A_162 = tpu.memref_squeeze %dma_wait3A_161 : memref<1x32x1024xf32, #tpu.memory_space<vmem>> -> memref<32x1024xf32, #tpu.memory_space<vmem>>
    tpu.wait_dma2 semaphore(%arg8 : memref<!tpu.dma_semaphore, #tpu.memory_space<semaphore_mem>>) src(%dma_wait3A_162 : memref<32x1024xf32, #tpu.memory_space<vmem>>) dst(%dma_wait3A_158 : memref<32x1024xf32, #tpu.memory_space<hbm>>)
    %dma_start3A_163 = arith.constant 0 : i32
    %dma_start3A_164 = arith.constant 0 : i32
    %dma_start3A_165 = arith.constant 0 : i32
    %dma_start3A_166 = arith.constant 0 : i32
    %dma_start3A_167 = tpu.memref_slice %arg6[%dma_start3A_164, %dma_start3A_165, %dma_start3A_166] : memref<2x32x1024xf32, #tpu.memory_space<vmem>> -> memref<1x32x1024xf32, #tpu.memory_space<vmem>>
    %dma_start3A_168 = tpu.memref_squeeze %dma_start3A_167 : memref<1x32x1024xf32, #tpu.memory_space<vmem>> -> memref<32x1024xf32, #tpu.memory_space<vmem>>
    %dma_start3A_169 = arith.constant 0 : i32
    %dma_start3A_170 = tpu.memref_slice %arg5[%dma_start3A_163, %dma_start3A_169] : memref<2x32xi32, #tpu.memory_space<vmem>> -> memref<1x32xi32, #tpu.memory_space<vmem>>
    %dma_start3A_171 = tpu.memref_squeeze %dma_start3A_170 : memref<1x32xi32, #tpu.memory_space<vmem>> -> memref<32xi32, #tpu.memory_space<vmem>>
    %dma_start3A_172 = arith.constant 0 : i32
    %dma_start3A_173 = arith.constant 0 : i32
    %dma_start3A_174 = tpu.memref_slice %arg2[%dma_start3A_172, %dma_start3A_173] : memref<4096x1024xf32, #tpu.memory_space<hbm>> -> memref<4096x1024xf32, #tpu.memory_space<hbm>>
    tpu.enqueue_indirect_dma source(%dma_start3A_174 : memref<4096x1024xf32, #tpu.memory_space<hbm>>) target(%dma_start3A_168 : memref<32x1024xf32, #tpu.memory_space<vmem>>) offsets(%dma_start3A_171 : memref<32xi32, #tpu.memory_space<vmem>>) semaphore(%arg7 : memref<!tpu.dma_semaphore, #tpu.memory_space<semaphore_mem>>)
    %dma_wait3A_175 = arith.constant 0 : i32
    %dma_wait3A_176 = arith.constant 0 : i32
    %dma_wait3A_177 = arith.constant 0 : i32
    %dma_wait3A_178 = arith.constant 0 : i32
    %dma_wait3A_179 = tpu.memref_slice %arg6[%dma_wait3A_176, %dma_wait3A_177, %dma_wait3A_178] : memref<2x32x1024xf32, #tpu.memory_space<vmem>> -> memref<1x32x1024xf32, #tpu.memory_space<vmem>>
    %dma_wait3A_180 = tpu.memref_squeeze %dma_wait3A_179 : memref<1x32x1024xf32, #tpu.memory_space<vmem>> -> memref<32x1024xf32, #tpu.memory_space<vmem>>
    %dma_wait3A_181 = arith.constant 0 : i32
    %dma_wait3A_182 = tpu.memref_slice %arg5[%dma_wait3A_175, %dma_wait3A_181] : memref<2x32xi32, #tpu.memory_space<vmem>> -> memref<1x32xi32, #tpu.memory_space<vmem>>
    %dma_wait3A_183 = tpu.memref_squeeze %dma_wait3A_182 : memref<1x32xi32, #tpu.memory_space<vmem>> -> memref<32xi32, #tpu.memory_space<vmem>>
    %dma_wait3A_184 = arith.constant 0 : i32
    %dma_wait3A_185 = arith.constant 0 : i32
    %dma_wait3A_186 = tpu.memref_slice %arg2[%dma_wait3A_184, %dma_wait3A_185] : memref<4096x1024xf32, #tpu.memory_space<hbm>> -> memref<4096x1024xf32, #tpu.memory_space<hbm>>
    tpu.wait_indirect_dma semaphore(%arg7 : memref<!tpu.dma_semaphore, #tpu.memory_space<semaphore_mem>>) src(%dma_wait3A_186 : memref<4096x1024xf32, #tpu.memory_space<hbm>>) dst(%dma_wait3A_180 : memref<32x1024xf32, #tpu.memory_space<vmem>>)
    %add3A_187 = arith.constant 64 : i32
    %add3A_188 = arith.addi %mul3A_2, %add3A_187 : i32
    %dma_start3A_189 = arith.constant 0 : i32
    %dma_start3A_190 = arith.constant 0 : i32
    %dma_start3A_191 = arith.constant 0 : i32
    %dma_start3A_192 = tpu.memref_slice %arg6[%dma_start3A_189, %dma_start3A_190, %dma_start3A_191] : memref<2x32x1024xf32, #tpu.memory_space<vmem>> -> memref<1x32x1024xf32, #tpu.memory_space<vmem>>
    %dma_start3A_193 = tpu.memref_squeeze %dma_start3A_192 : memref<1x32x1024xf32, #tpu.memory_space<vmem>> -> memref<32x1024xf32, #tpu.memory_space<vmem>>
    %dma_start3A_194 = arith.constant 0 : i32
    %dma_start3A_195 = tpu.memref_slice %arg4[%add3A_188, %dma_start3A_194] : memref<4096x1024xf32, #tpu.memory_space<hbm>> -> memref<32x1024xf32, #tpu.memory_space<hbm>>
    %dma_start3A_196 = arith.constant 0 : i32
    %dma_start3A_197 = tpu.memref_slice %arg4[%add3A_188, %dma_start3A_196] : memref<4096x1024xf32, #tpu.memory_space<hbm>> -> memref<32x1024xf32, #tpu.memory_space<hbm>>
    %dma_start3A_198 = arith.constant 0 : i32
    %dma_start3A_199 = arith.constant 0 : i32
    %dma_start3A_200 = tpu.memref_slice %arg6[%dma_start3A_189, %dma_start3A_198, %dma_start3A_199] : memref<2x32x1024xf32, #tpu.memory_space<vmem>> -> memref<1x32x1024xf32, #tpu.memory_space<vmem>>
    %dma_start3A_201 = tpu.memref_squeeze %dma_start3A_200 : memref<1x32x1024xf32, #tpu.memory_space<vmem>> -> memref<32x1024xf32, #tpu.memory_space<vmem>>
    tpu.enqueue_dma source(%dma_start3A_201 : memref<32x1024xf32, #tpu.memory_space<vmem>>) target(%dma_start3A_197 : memref<32x1024xf32, #tpu.memory_space<hbm>>) target_semaphore(%arg8 : memref<!tpu.dma_semaphore, #tpu.memory_space<semaphore_mem>>)
    %dma_wait3A_202 = arith.constant 1 : i32
    %dma_wait3A_203 = arith.constant 0 : i32
    %dma_wait3A_204 = tpu.memref_slice %arg5[%dma_wait3A_202, %dma_wait3A_203] : memref<2x32xi32, #tpu.memory_space<vmem>> -> memref<1x32xi32, #tpu.memory_space<vmem>>
    %dma_wait3A_205 = tpu.memref_squeeze %dma_wait3A_204 : memref<1x32xi32, #tpu.memory_space<vmem>> -> memref<32xi32, #tpu.memory_space<vmem>>
    %dma_wait3A_206 = tpu.memref_slice %arg3[%add3A_131] : memref<4096xi32, #tpu.memory_space<hbm>> -> memref<32xi32, #tpu.memory_space<hbm>>
    %dma_wait3A_207 = arith.constant 0 : i32
    %dma_wait3A_208 = tpu.memref_slice %arg5[%dma_wait3A_202, %dma_wait3A_207] : memref<2x32xi32, #tpu.memory_space<vmem>> -> memref<1x32xi32, #tpu.memory_space<vmem>>
    %dma_wait3A_209 = tpu.memref_squeeze %dma_wait3A_208 : memref<1x32xi32, #tpu.memory_space<vmem>> -> memref<32xi32, #tpu.memory_space<vmem>>
    %dma_wait3A_210 = tpu.memref_slice %arg3[%add3A_131] : memref<4096xi32, #tpu.memory_space<hbm>> -> memref<32xi32, #tpu.memory_space<hbm>>
    tpu.wait_dma2 semaphore(%arg7 : memref<!tpu.dma_semaphore, #tpu.memory_space<semaphore_mem>>) src(%dma_wait3A_210 : memref<32xi32, #tpu.memory_space<hbm>>) dst(%dma_wait3A_209 : memref<32xi32, #tpu.memory_space<vmem>>)
    %dma_wait3A_211 = arith.constant 1 : i32
    %dma_wait3A_212 = arith.constant 0 : i32
    %dma_wait3A_213 = arith.constant 0 : i32
    %dma_wait3A_214 = tpu.memref_slice %arg6[%dma_wait3A_211, %dma_wait3A_212, %dma_wait3A_213] : memref<2x32x1024xf32, #tpu.memory_space<vmem>> -> memref<1x32x1024xf32, #tpu.memory_space<vmem>>
    %dma_wait3A_215 = tpu.memref_squeeze %dma_wait3A_214 : memref<1x32x1024xf32, #tpu.memory_space<vmem>> -> memref<32x1024xf32, #tpu.memory_space<vmem>>
    %dma_wait3A_216 = arith.constant 0 : i32
    %dma_wait3A_217 = tpu.memref_slice %arg4[%add3A_116, %dma_wait3A_216] : memref<4096x1024xf32, #tpu.memory_space<hbm>> -> memref<32x1024xf32, #tpu.memory_space<hbm>>
    %dma_wait3A_218 = arith.constant 0 : i32
    %dma_wait3A_219 = tpu.memref_slice %arg4[%add3A_116, %dma_wait3A_218] : memref<4096x1024xf32, #tpu.memory_space<hbm>> -> memref<32x1024xf32, #tpu.memory_space<hbm>>
    %dma_wait3A_220 = arith.constant 0 : i32
    %dma_wait3A_221 = arith.constant 0 : i32
    %dma_wait3A_222 = tpu.memref_slice %arg6[%dma_wait3A_211, %dma_wait3A_220, %dma_wait3A_221] : memref<2x32x1024xf32, #tpu.memory_space<vmem>> -> memref<1x32x1024xf32, #tpu.memory_space<vmem>>
    %dma_wait3A_223 = tpu.memref_squeeze %dma_wait3A_222 : memref<1x32x1024xf32, #tpu.memory_space<vmem>> -> memref<32x1024xf32, #tpu.memory_space<vmem>>
    tpu.wait_dma2 semaphore(%arg8 : memref<!tpu.dma_semaphore, #tpu.memory_space<semaphore_mem>>) src(%dma_wait3A_223 : memref<32x1024xf32, #tpu.memory_space<vmem>>) dst(%dma_wait3A_219 : memref<32x1024xf32, #tpu.memory_space<hbm>>)
    %dma_start3A_224 = arith.constant 1 : i32
    %dma_start3A_225 = arith.constant 1 : i32
    %dma_start3A_226 = arith.constant 0 : i32
    %dma_start3A_227 = arith.constant 0 : i32
    %dma_start3A_228 = tpu.memref_slice %arg6[%dma_start3A_225, %dma_start3A_226, %dma_start3A_227] : memref<2x32x1024xf32, #tpu.memory_space<vmem>> -> memref<1x32x1024xf32, #tpu.memory_space<vmem>>
    %dma_start3A_229 = tpu.memref_squeeze %dma_start3A_228 : memref<1x32x1024xf32, #tpu.memory_space<vmem>> -> memref<32x1024xf32, #tpu.memory_space<vmem>>
    %dma_start3A_230 = arith.constant 0 : i32
    %dma_start3A_231 = tpu.memref_slice %arg5[%dma_start3A_224, %dma_start3A_230] : memref<2x32xi32, #tpu.memory_space<vmem>> -> memref<1x32xi32, #tpu.memory_space<vmem>>
    %dma_start3A_232 = tpu.memref_squeeze %dma_start3A_231 : memref<1x32xi32, #tpu.memory_space<vmem>> -> memref<32xi32, #tpu.memory_space<vmem>>
    %dma_start3A_233 = arith.constant 0 : i32
    %dma_start3A_234 = arith.constant 0 : i32
    %dma_start3A_235 = tpu.memref_slice %arg2[%dma_start3A_233, %dma_start3A_234] : memref<4096x1024xf32, #tpu.memory_space<hbm>> -> memref<4096x1024xf32, #tpu.memory_space<hbm>>
    tpu.enqueue_indirect_dma source(%dma_start3A_235 : memref<4096x1024xf32, #tpu.memory_space<hbm>>) target(%dma_start3A_229 : memref<32x1024xf32, #tpu.memory_space<vmem>>) offsets(%dma_start3A_232 : memref<32xi32, #tpu.memory_space<vmem>>) semaphore(%arg7 : memref<!tpu.dma_semaphore, #tpu.memory_space<semaphore_mem>>)
    %dma_wait3A_236 = arith.constant 1 : i32
    %dma_wait3A_237 = arith.constant 1 : i32
    %dma_wait3A_238 = arith.constant 0 : i32
    %dma_wait3A_239 = arith.constant 0 : i32
    %dma_wait3A_240 = tpu.memref_slice %arg6[%dma_wait3A_237, %dma_wait3A_238, %dma_wait3A_239] : memref<2x32x1024xf32, #tpu.memory_space<vmem>> -> memref<1x32x1024xf32, #tpu.memory_space<vmem>>
    %dma_wait3A_241 = tpu.memref_squeeze %dma_wait3A_240 : memref<1x32x1024xf32, #tpu.memory_space<vmem>> -> memref<32x1024xf32, #tpu.memory_space<vmem>>
    %dma_wait3A_242 = arith.constant 0 : i32
    %dma_wait3A_243 = tpu.memref_slice %arg5[%dma_wait3A_236, %dma_wait3A_242] : memref<2x32xi32, #tpu.memory_space<vmem>> -> memref<1x32xi32, #tpu.memory_space<vmem>>
    %dma_wait3A_244 = tpu.memref_squeeze %dma_wait3A_243 : memref<1x32xi32, #tpu.memory_space<vmem>> -> memref<32xi32, #tpu.memory_space<vmem>>
    %dma_wait3A_245 = arith.constant 0 : i32
    %dma_wait3A_246 = arith.constant 0 : i32
    %dma_wait3A_247 = tpu.memref_slice %arg2[%dma_wait3A_245, %dma_wait3A_246] : memref<4096x1024xf32, #tpu.memory_space<hbm>> -> memref<4096x1024xf32, #tpu.memory_space<hbm>>
    tpu.wait_indirect_dma semaphore(%arg7 : memref<!tpu.dma_semaphore, #tpu.memory_space<semaphore_mem>>) src(%dma_wait3A_247 : memref<4096x1024xf32, #tpu.memory_space<hbm>>) dst(%dma_wait3A_241 : memref<32x1024xf32, #tpu.memory_space<vmem>>)
    %add3A_248 = arith.constant 96 : i32
    %add3A_249 = arith.addi %mul3A_2, %add3A_248 : i32
    %dma_start3A_250 = arith.constant 1 : i32
    %dma_start3A_251 = arith.constant 0 : i32
    %dma_start3A_252 = arith.constant 0 : i32
    %dma_start3A_253 = tpu.memref_slice %arg6[%dma_start3A_250, %dma_start3A_251, %dma_start3A_252] : memref<2x32x1024xf32, #tpu.memory_space<vmem>> -> memref<1x32x1024xf32, #tpu.memory_space<vmem>>
    %dma_start3A_254 = tpu.memref_squeeze %dma_start3A_253 : memref<1x32x1024xf32, #tpu.memory_space<vmem>> -> memref<32x1024xf32, #tpu.memory_space<vmem>>
    %dma_start3A_255 = arith.constant 0 : i32
    %dma_start3A_256 = tpu.memref_slice %arg4[%add3A_249, %dma_start3A_255] : memref<4096x1024xf32, #tpu.memory_space<hbm>> -> memref<32x1024xf32, #tpu.memory_space<hbm>>
    %dma_start3A_257 = arith.constant 0 : i32
    %dma_start3A_258 = tpu.memref_slice %arg4[%add3A_249, %dma_start3A_257] : memref<4096x1024xf32, #tpu.memory_space<hbm>> -> memref<32x1024xf32, #tpu.memory_space<hbm>>
    %dma_start3A_259 = arith.constant 0 : i32
    %dma_start3A_260 = arith.constant 0 : i32
    %dma_start3A_261 = tpu.memref_slice %arg6[%dma_start3A_250, %dma_start3A_259, %dma_start3A_260] : memref<2x32x1024xf32, #tpu.memory_space<vmem>> -> memref<1x32x1024xf32, #tpu.memory_space<vmem>>
    %dma_start3A_262 = tpu.memref_squeeze %dma_start3A_261 : memref<1x32x1024xf32, #tpu.memory_space<vmem>> -> memref<32x1024xf32, #tpu.memory_space<vmem>>
    tpu.enqueue_dma source(%dma_start3A_262 : memref<32x1024xf32, #tpu.memory_space<vmem>>) target(%dma_start3A_258 : memref<32x1024xf32, #tpu.memory_space<hbm>>) target_semaphore(%arg8 : memref<!tpu.dma_semaphore, #tpu.memory_space<semaphore_mem>>)
    %dma_wait3A_263 = arith.constant 0 : i32
    %dma_wait3A_264 = arith.constant 0 : i32
    %dma_wait3A_265 = arith.constant 0 : i32
    %dma_wait3A_266 = tpu.memref_slice %arg6[%dma_wait3A_263, %dma_wait3A_264, %dma_wait3A_265] : memref<2x32x1024xf32, #tpu.memory_space<vmem>> -> memref<1x32x1024xf32, #tpu.memory_space<vmem>>
    %dma_wait3A_267 = tpu.memref_squeeze %dma_wait3A_266 : memref<1x32x1024xf32, #tpu.memory_space<vmem>> -> memref<32x1024xf32, #tpu.memory_space<vmem>>
    %dma_wait3A_268 = arith.constant 0 : i32
    %dma_wait3A_269 = tpu.memref_slice %arg4[%add3A_188, %dma_wait3A_268] : memref<4096x1024xf32, #tpu.memory_space<hbm>> -> memref<32x1024xf32, #tpu.memory_space<hbm>>
    %dma_wait3A_270 = arith.constant 0 : i32
    %dma_wait3A_271 = tpu.memref_slice %arg4[%add3A_188, %dma_wait3A_270] : memref<4096x1024xf32, #tpu.memory_space<hbm>> -> memref<32x1024xf32, #tpu.memory_space<hbm>>
    %dma_wait3A_272 = arith.constant 0 : i32
    %dma_wait3A_273 = arith.constant 0 : i32
    %dma_wait3A_274 = tpu.memref_slice %arg6[%dma_wait3A_263, %dma_wait3A_272, %dma_wait3A_273] : memref<2x32x1024xf32, #tpu.memory_space<vmem>> -> memref<1x32x1024xf32, #tpu.memory_space<vmem>>
    %dma_wait3A_275 = tpu.memref_squeeze %dma_wait3A_274 : memref<1x32x1024xf32, #tpu.memory_space<vmem>> -> memref<32x1024xf32, #tpu.memory_space<vmem>>
    tpu.wait_dma2 semaphore(%arg8 : memref<!tpu.dma_semaphore, #tpu.memory_space<semaphore_mem>>) src(%dma_wait3A_275 : memref<32x1024xf32, #tpu.memory_space<vmem>>) dst(%dma_wait3A_271 : memref<32x1024xf32, #tpu.memory_space<hbm>>)
    %dma_wait3A_276 = arith.constant 1 : i32
    %dma_wait3A_277 = arith.constant 0 : i32
    %dma_wait3A_278 = arith.constant 0 : i32
    %dma_wait3A_279 = tpu.memref_slice %arg6[%dma_wait3A_276, %dma_wait3A_277, %dma_wait3A_278] : memref<2x32x1024xf32, #tpu.memory_space<vmem>> -> memref<1x32x1024xf32, #tpu.memory_space<vmem>>
    %dma_wait3A_280 = tpu.memref_squeeze %dma_wait3A_279 : memref<1x32x1024xf32, #tpu.memory_space<vmem>> -> memref<32x1024xf32, #tpu.memory_space<vmem>>
    %dma_wait3A_281 = arith.constant 0 : i32
    %dma_wait3A_282 = tpu.memref_slice %arg4[%add3A_249, %dma_wait3A_281] : memref<4096x1024xf32, #tpu.memory_space<hbm>> -> memref<32x1024xf32, #tpu.memory_space<hbm>>
    %dma_wait3A_283 = arith.constant 0 : i32
    %dma_wait3A_284 = tpu.memref_slice %arg4[%add3A_249, %dma_wait3A_283] : memref<4096x1024xf32, #tpu.memory_space<hbm>> -> memref<32x1024xf32, #tpu.memory_space<hbm>>
    %dma_wait3A_285 = arith.constant 0 : i32
    %dma_wait3A_286 = arith.constant 0 : i32
    %dma_wait3A_287 = tpu.memref_slice %arg6[%dma_wait3A_276, %dma_wait3A_285, %dma_wait3A_286] : memref<2x32x1024xf32, #tpu.memory_space<vmem>> -> memref<1x32x1024xf32, #tpu.memory_space<vmem>>
    %dma_wait3A_288 = tpu.memref_squeeze %dma_wait3A_287 : memref<1x32x1024xf32, #tpu.memory_space<vmem>> -> memref<32x1024xf32, #tpu.memory_space<vmem>>
    tpu.wait_dma2 semaphore(%arg8 : memref<!tpu.dma_semaphore, #tpu.memory_space<semaphore_mem>>) src(%dma_wait3A_288 : memref<32x1024xf32, #tpu.memory_space<vmem>>) dst(%dma_wait3A_284 : memref<32x1024xf32, #tpu.memory_space<hbm>>)
    return
  }
}

module attributes {stable_mosaic.version = 14 : i64} {
  func.func @_grouped_body(%arg0: i32, %arg1: memref<128x4xi32, #tpu.memory_space<smem>>, %arg2: memref<512x1024xf32, #tpu.memory_space<vmem>>, %arg3: memref<512x128xf32, #tpu.memory_space<vmem>>, %arg4: memref<1x1024x512xf32, #tpu.memory_space<vmem>>, %arg5: memref<1x1024x512xf32, #tpu.memory_space<vmem>>, %arg6: memref<1x512x1024xf32, #tpu.memory_space<vmem>>, %arg7: memref<1024x512xf32, #tpu.memory_space<vmem>>, %arg8: memref<1024x512xf32, #tpu.memory_space<vmem>>, %arg9: memref<512x1024xf32, #tpu.memory_space<vmem>>, %arg10: memref<512x1024xf32, #tpu.memory_space<vmem>>) attributes {dimension_semantics = [#tpu.dimension_semantics<arbitrary>], iteration_bounds = array<i64: 72>, scalar_prefetch = 1 : i64, scratch_operands = 0 : i64, tpu.core_type = #tpu.core_type<tc>, window_params = [{transform_indices = @transform_0, window_bounds = array<i64: 512, 1024>}, {transform_indices = @transform_1, window_bounds = array<i64: 512, 128>}, {transform_indices = @transform_2, window_bounds = array<i64: 1, 1024, 512>}, {transform_indices = @transform_3, window_bounds = array<i64: 1, 1024, 512>}, {transform_indices = @transform_4, window_bounds = array<i64: 1, 512, 1024>}, {pipeline_mode = #tpu.pipeline_mode<synchronous>, transform_indices = @transform_5, window_bounds = array<i64: 1024, 512>}, {pipeline_mode = #tpu.pipeline_mode<synchronous>, transform_indices = @transform_6, window_bounds = array<i64: 1024, 512>}, {pipeline_mode = #tpu.pipeline_mode<synchronous>, transform_indices = @transform_7, window_bounds = array<i64: 512, 1024>}, {transform_indices = @transform_8, window_bounds = array<i64: 512, 1024>}]} {
    %get3A = arith.index_cast %arg0 : i32 to index
    %get3A_0 = arith.constant 0 : index
    %get3A_1 = memref.load %arg1[%get3A, %get3A_0] : memref<128x4xi32, #tpu.memory_space<smem>>
    %sub3A = arith.constant 1 : i32
    %sub3A_2 = arith.subi %arg0, %sub3A : i32
    %max3A = arith.constant 0 : i32
    %max3A_3 = arith.maxsi %sub3A_2, %max3A : i32
    %get3A_4 = arith.index_cast %max3A_3 : i32 to index
    %get3A_5 = arith.constant 0 : index
    %get3A_6 = memref.load %arg1[%get3A_4, %get3A_5] : memref<128x4xi32, #tpu.memory_space<smem>>
    %eq3A = arith.constant 0 : i32
    %eq3A_7 = arith.cmpi eq, %arg0, %eq3A : i32
    %ne3A = arith.cmpi ne, %get3A_1, %get3A_6 : i32
    %or3A = arith.ori %eq3A_7, %ne3A : i1
    %get3A_8 = arith.index_cast %arg0 : i32 to index
    %get3A_9 = arith.constant 2 : index
    %get3A_10 = memref.load %arg1[%get3A_8, %get3A_9] : memref<128x4xi32, #tpu.memory_space<smem>>
    %get3A_11 = arith.index_cast %arg0 : i32 to index
    %get3A_12 = arith.constant 3 : index
    %get3A_13 = memref.load %arg1[%get3A_11, %get3A_12] : memref<128x4xi32, #tpu.memory_space<smem>>
    %get3A_14 = arith.constant 0 : index
    %get3A_15 = arith.constant 0 : index
    %get3A_16 = vector.load %arg2[%get3A_14, %get3A_15] : memref<512x1024xf32, #tpu.memory_space<vmem>>, vector<512x1024xf32>
    %get3A_17 = arith.constant 0 : index
    %get3A_18 = arith.constant 0 : index
    %get3A_19 = vector.load %arg3[%get3A_17, %get3A_18] : memref<512x128xf32, #tpu.memory_space<vmem>>, vector<512x128xf32>
    %slice3A = vector.extract_strided_slice %get3A_19 {offsets = [0, 0], sizes = [512, 1], strides = [1, 1]} : vector<512x128xf32> to vector<512x1xf32>
    %mul3A = vector.broadcast %slice3A : vector<512x1xf32> to vector<512x1024xf32>
    %mul3A_20 = arith.mulf %get3A_16, %mul3A : vector<512x1024xf32>
    %iota3A = tpu.iota {dimensions = array<i32: 0>} : vector<512x1xi32>
    %ge3A = vector.broadcast %get3A_10 : i32 to vector<512x1xi32>
    %ge3A_21 = arith.cmpi sge, %iota3A, %ge3A : vector<512x1xi32>
    %lt3A = vector.broadcast %get3A_13 : i32 to vector<512x1xi32>
    %lt3A_22 = arith.cmpi slt, %iota3A, %lt3A : vector<512x1xi32>
    %and3A = arith.andi %ge3A_21, %lt3A_22 : vector<512x1xi1>
    %jit3A = arith.constant 0.000000e+00 : f32
    %broadcast_in_dim3A = vector.shape_cast %and3A : vector<512x1xi1> to vector<512x1xi1>
    %broadcast_in_dim3A_23 = vector.broadcast %broadcast_in_dim3A : vector<512x1xi1> to vector<512x1024xi1>
    %broadcast_in_dim3A_24 = vector.broadcast %jit3A : f32 to vector<512x1024xf32>
    %select_n3A = arith.select %broadcast_in_dim3A_23, %mul3A_20, %broadcast_in_dim3A_24 : vector<512x1024xi1>, vector<512x1024xf32>
    %convert_element_type3A = arith.truncf %select_n3A : vector<512x1024xf32> to vector<512x1024xbf16>
    %get3A_25 = arith.constant 0 : index
    %get3A_26 = arith.constant 0 : index
    %get3A_27 = arith.constant 0 : index
    %get3A_28 = vector.load %arg4[%get3A_25, %get3A_26, %get3A_27] : memref<1x1024x512xf32, #tpu.memory_space<vmem>>, vector<1x1024x512xf32>
    %get3A_29 = vector.shape_cast %get3A_28 : vector<1x1024x512xf32> to vector<1024x512xf32>
    %convert_element_type3A_30 = arith.truncf %get3A_29 : vector<1024x512xf32> to vector<1024x512xbf16>
    %dot_general3A = arith.constant dense<0.000000e+00> : vector<512x512xf32>
    %dot_general3A_31 = tpu.matmul %convert_element_type3A, %convert_element_type3A_30, %dot_general3A {dimension_numbers = #tpu.dot_dimension_numbers<[1], [0], [0], [1], [0, 0, 1, 1], [], []>, transpose_lhs_hint = false} : vector<512x1024xbf16>, vector<1024x512xbf16>, vector<512x512xf32> -> vector<512x512xf32>
    %get3A_32 = arith.constant 0 : index
    %get3A_33 = arith.constant 0 : index
    %get3A_34 = arith.constant 0 : index
    %get3A_35 = vector.load %arg5[%get3A_32, %get3A_33, %get3A_34] : memref<1x1024x512xf32, #tpu.memory_space<vmem>>, vector<1x1024x512xf32>
    %get3A_36 = vector.shape_cast %get3A_35 : vector<1x1024x512xf32> to vector<1024x512xf32>
    %convert_element_type3A_37 = arith.truncf %get3A_36 : vector<1024x512xf32> to vector<1024x512xbf16>
    %dot_general3A_38 = arith.constant dense<0.000000e+00> : vector<512x512xf32>
    %dot_general3A_39 = tpu.matmul %convert_element_type3A, %convert_element_type3A_37, %dot_general3A_38 {dimension_numbers = #tpu.dot_dimension_numbers<[1], [0], [0], [1], [0, 0, 1, 1], [], []>, transpose_lhs_hint = false} : vector<512x1024xbf16>, vector<1024x512xbf16>, vector<512x512xf32> -> vector<512x512xf32>
    %logistic3A = arith.negf %dot_general3A_31 : vector<512x512xf32>
    %logistic3A_40 = math.exp %logistic3A : vector<512x512xf32>
    %logistic3A_41 = arith.constant 1.000000e+00 : f32
    %logistic3A_42 = vector.broadcast %logistic3A_41 : f32 to vector<512x512xf32>
    %logistic3A_43 = arith.addf %logistic3A_42, %logistic3A_40 : vector<512x512xf32>
    %logistic3A_44 = arith.divf %logistic3A_42, %logistic3A_43 : vector<512x512xf32>
    %mul3A_45 = arith.mulf %dot_general3A_31, %logistic3A_44 : vector<512x512xf32>
    %mul3A_46 = arith.mulf %mul3A_45, %dot_general3A_39 : vector<512x512xf32>
    %convert_element_type3A_47 = arith.truncf %mul3A_46 : vector<512x512xf32> to vector<512x512xbf16>
    %get3A_48 = arith.constant 0 : index
    %get3A_49 = arith.constant 0 : index
    %get3A_50 = arith.constant 0 : index
    %get3A_51 = vector.load %arg6[%get3A_48, %get3A_49, %get3A_50] : memref<1x512x1024xf32, #tpu.memory_space<vmem>>, vector<1x512x1024xf32>
    %get3A_52 = vector.shape_cast %get3A_51 : vector<1x512x1024xf32> to vector<512x1024xf32>
    %convert_element_type3A_53 = arith.truncf %get3A_52 : vector<512x1024xf32> to vector<512x1024xbf16>
    %dot_general3A_54 = arith.constant dense<0.000000e+00> : vector<512x1024xf32>
    %dot_general3A_55 = tpu.matmul %convert_element_type3A_47, %convert_element_type3A_53, %dot_general3A_54 {dimension_numbers = #tpu.dot_dimension_numbers<[1], [0], [0], [1], [0, 0, 1, 1], [], []>, transpose_lhs_hint = false} : vector<512x512xbf16>, vector<512x1024xbf16>, vector<512x1024xf32> -> vector<512x1024xf32>
    %convert_element_type3A_56 = arith.extui %or3A : i1 to i32
    %cond3A = arith.constant 0 : i32
    %cond3A_57 = arith.cmpi ne, %convert_element_type3A_56, %cond3A : i32
    scf.if %cond3A_57 {
      %convert_element_type3A_62 = arith.truncf %get3A_16 : vector<512x1024xf32> to vector<512x1024xbf16>
      %get3A_63 = arith.constant 0 : index
      %get3A_64 = arith.constant 0 : index
      %get3A_65 = vector.load %arg7[%get3A_63, %get3A_64] : memref<1024x512xf32, #tpu.memory_space<vmem>>, vector<1024x512xf32>
      %convert_element_type3A_66 = arith.truncf %get3A_65 : vector<1024x512xf32> to vector<1024x512xbf16>
      %dot_general3A_67 = arith.constant dense<0.000000e+00> : vector<512x512xf32>
      %dot_general3A_68 = tpu.matmul %convert_element_type3A_62, %convert_element_type3A_66, %dot_general3A_67 {dimension_numbers = #tpu.dot_dimension_numbers<[1], [0], [0], [1], [0, 0, 1, 1], [], []>, transpose_lhs_hint = false} : vector<512x1024xbf16>, vector<1024x512xbf16>, vector<512x512xf32> -> vector<512x512xf32>
      %logistic3A_69 = arith.negf %dot_general3A_68 : vector<512x512xf32>
      %logistic3A_70 = math.exp %logistic3A_69 : vector<512x512xf32>
      %logistic3A_71 = arith.constant 1.000000e+00 : f32
      %logistic3A_72 = vector.broadcast %logistic3A_71 : f32 to vector<512x512xf32>
      %logistic3A_73 = arith.addf %logistic3A_72, %logistic3A_70 : vector<512x512xf32>
      %logistic3A_74 = arith.divf %logistic3A_72, %logistic3A_73 : vector<512x512xf32>
      %mul3A_75 = arith.mulf %dot_general3A_68, %logistic3A_74 : vector<512x512xf32>
      %get3A_76 = arith.constant 0 : index
      %get3A_77 = arith.constant 0 : index
      %get3A_78 = vector.load %arg8[%get3A_76, %get3A_77] : memref<1024x512xf32, #tpu.memory_space<vmem>>, vector<1024x512xf32>
      %convert_element_type3A_79 = arith.truncf %get3A_78 : vector<1024x512xf32> to vector<1024x512xbf16>
      %dot_general3A_80 = arith.constant dense<0.000000e+00> : vector<512x512xf32>
      %dot_general3A_81 = tpu.matmul %convert_element_type3A_62, %convert_element_type3A_79, %dot_general3A_80 {dimension_numbers = #tpu.dot_dimension_numbers<[1], [0], [0], [1], [0, 0, 1, 1], [], []>, transpose_lhs_hint = false} : vector<512x1024xbf16>, vector<1024x512xbf16>, vector<512x512xf32> -> vector<512x512xf32>
      %mul3A_82 = arith.mulf %mul3A_75, %dot_general3A_81 : vector<512x512xf32>
      %convert_element_type3A_83 = arith.truncf %mul3A_82 : vector<512x512xf32> to vector<512x512xbf16>
      %get3A_84 = arith.constant 0 : index
      %get3A_85 = arith.constant 0 : index
      %get3A_86 = vector.load %arg9[%get3A_84, %get3A_85] : memref<512x1024xf32, #tpu.memory_space<vmem>>, vector<512x1024xf32>
      %convert_element_type3A_87 = arith.truncf %get3A_86 : vector<512x1024xf32> to vector<512x1024xbf16>
      %dot_general3A_88 = arith.constant dense<0.000000e+00> : vector<512x1024xf32>
      %dot_general3A_89 = tpu.matmul %convert_element_type3A_83, %convert_element_type3A_87, %dot_general3A_88 {dimension_numbers = #tpu.dot_dimension_numbers<[1], [0], [0], [1], [0, 0, 1, 1], [], []>, transpose_lhs_hint = false} : vector<512x512xbf16>, vector<512x1024xbf16>, vector<512x1024xf32> -> vector<512x1024xf32>
      %add3A = arith.addf %dot_general3A_89, %dot_general3A_55 : vector<512x1024xf32>
      %swap3A = arith.constant 0 : index
      %swap3A_90 = arith.constant 0 : index
      %swap3A_91 = vector.load %arg10[%swap3A, %swap3A_90] : memref<512x1024xf32, #tpu.memory_space<vmem>>, vector<512x1024xf32>
      tpu.vector_store %arg10[%swap3A, %swap3A_90], %add3A {strides = array<i32>} : memref<512x1024xf32, #tpu.memory_space<vmem>>, vector<512x1024xf32>,
    } else {
    }
    %not3A = arith.constant true
    %not3A_58 = arith.xori %or3A, %not3A : i1
    %convert_element_type3A_59 = arith.extui %not3A_58 : i1 to i32
    %cond3A_60 = arith.constant 0 : i32
    %cond3A_61 = arith.cmpi ne, %convert_element_type3A_59, %cond3A_60 : i32
    scf.if %cond3A_61 {
      %get3A_62 = arith.constant 0 : index
      %get3A_63 = arith.constant 0 : index
      %get3A_64 = vector.load %arg10[%get3A_62, %get3A_63] : memref<512x1024xf32, #tpu.memory_space<vmem>>, vector<512x1024xf32>
      %add3A = arith.addf %get3A_64, %dot_general3A_55 : vector<512x1024xf32>
      %swap3A = arith.constant 0 : index
      %swap3A_65 = arith.constant 0 : index
      %swap3A_66 = vector.load %arg10[%swap3A, %swap3A_65] : memref<512x1024xf32, #tpu.memory_space<vmem>>, vector<512x1024xf32>
      tpu.vector_store %arg10[%swap3A, %swap3A_65], %add3A {strides = array<i32>} : memref<512x1024xf32, #tpu.memory_space<vmem>>, vector<512x1024xf32>,
    } else {
    }
    return
  }
  func.func @transform_0(%arg0: i32, %arg1: memref<128x4xi32, #tpu.memory_space<smem>>) -> (i32, i32) {
    %get3A = arith.index_cast %arg0 : i32 to index
    %get3A_0 = arith.constant 0 : index
    %get3A_1 = memref.load %arg1[%get3A, %get3A_0] : memref<128x4xi32, #tpu.memory_space<smem>>
    %c0_i32 = arith.constant 0 : i32
    %c0_i32_2 = arith.constant 0 : i32
    return %get3A_1, %c0_i32 : i32, i32
  }
  func.func @transform_1(%arg0: i32, %arg1: memref<128x4xi32, #tpu.memory_space<smem>>) -> (i32, i32) {
    %get3A = arith.index_cast %arg0 : i32 to index
    %get3A_0 = arith.constant 0 : index
    %get3A_1 = memref.load %arg1[%get3A, %get3A_0] : memref<128x4xi32, #tpu.memory_space<smem>>
    %c0_i32 = arith.constant 0 : i32
    %c0_i32_2 = arith.constant 0 : i32
    return %get3A_1, %c0_i32 : i32, i32
  }
  func.func @transform_2(%arg0: i32, %arg1: memref<128x4xi32, #tpu.memory_space<smem>>) -> (i32, i32, i32) {
    %get3A = arith.index_cast %arg0 : i32 to index
    %get3A_0 = arith.constant 1 : index
    %get3A_1 = memref.load %arg1[%get3A, %get3A_0] : memref<128x4xi32, #tpu.memory_space<smem>>
    %c0_i32 = arith.constant 0 : i32
    %c0_i32_2 = arith.constant 0 : i32
    %c0_i32_3 = arith.constant 0 : i32
    return %get3A_1, %c0_i32, %c0_i32_2 : i32, i32, i32
  }
  func.func @transform_3(%arg0: i32, %arg1: memref<128x4xi32, #tpu.memory_space<smem>>) -> (i32, i32, i32) {
    %get3A = arith.index_cast %arg0 : i32 to index
    %get3A_0 = arith.constant 1 : index
    %get3A_1 = memref.load %arg1[%get3A, %get3A_0] : memref<128x4xi32, #tpu.memory_space<smem>>
    %c0_i32 = arith.constant 0 : i32
    %c0_i32_2 = arith.constant 0 : i32
    %c0_i32_3 = arith.constant 0 : i32
    return %get3A_1, %c0_i32, %c0_i32_2 : i32, i32, i32
  }
  func.func @transform_4(%arg0: i32, %arg1: memref<128x4xi32, #tpu.memory_space<smem>>) -> (i32, i32, i32) {
    %get3A = arith.index_cast %arg0 : i32 to index
    %get3A_0 = arith.constant 1 : index
    %get3A_1 = memref.load %arg1[%get3A, %get3A_0] : memref<128x4xi32, #tpu.memory_space<smem>>
    %c0_i32 = arith.constant 0 : i32
    %c0_i32_2 = arith.constant 0 : i32
    %c0_i32_3 = arith.constant 0 : i32
    return %get3A_1, %c0_i32, %c0_i32_2 : i32, i32, i32
  }
  func.func @transform_5(%arg0: i32, %arg1: memref<128x4xi32, #tpu.memory_space<smem>>) -> (i32, i32) {
    %c0_i32 = arith.constant 0 : i32
    %c0_i32_0 = arith.constant 0 : i32
    %c0_i32_1 = arith.constant 0 : i32
    return %c0_i32, %c0_i32_0 : i32, i32
  }
  func.func @transform_6(%arg0: i32, %arg1: memref<128x4xi32, #tpu.memory_space<smem>>) -> (i32, i32) {
    %c0_i32 = arith.constant 0 : i32
    %c0_i32_0 = arith.constant 0 : i32
    %c0_i32_1 = arith.constant 0 : i32
    return %c0_i32, %c0_i32_0 : i32, i32
  }
  func.func @transform_7(%arg0: i32, %arg1: memref<128x4xi32, #tpu.memory_space<smem>>) -> (i32, i32) {
    %c0_i32 = arith.constant 0 : i32
    %c0_i32_0 = arith.constant 0 : i32
    %c0_i32_1 = arith.constant 0 : i32
    return %c0_i32, %c0_i32_0 : i32, i32
  }
  func.func @transform_8(%arg0: i32, %arg1: memref<128x4xi32, #tpu.memory_space<smem>>) -> (i32, i32) {
    %get3A = arith.index_cast %arg0 : i32 to index
    %get3A_0 = arith.constant 0 : index
    %get3A_1 = memref.load %arg1[%get3A, %get3A_0] : memref<128x4xi32, #tpu.memory_space<smem>>
    %c0_i32 = arith.constant 0 : i32
    %c0_i32_2 = arith.constant 0 : i32
    return %get3A_1, %c0_i32 : i32, i32
  }
}

module attributes {stable_mosaic.version = 14 : i64} {
  func.func @_router_body(%arg0: i32, %arg1: memref<512x1024xf32, #tpu.memory_space<vmem>>, %arg2: memref<1024x64xf32, #tpu.memory_space<vmem>>, %arg3: memref<512x128xf32, #tpu.memory_space<vmem>>, %arg4: memref<4096x1xi32, #tpu.memory_space<vmem>>, %arg5: memref<128x4xi32, #tpu.memory_space<vmem>>, %arg6: memref<4096x64xf32, #tpu.memory_space<vmem>>, %arg7: memref<4096x1xf32, #tpu.memory_space<vmem>>, %arg8: memref<1x64xf32, #tpu.memory_space<vmem>>) attributes {dimension_semantics = [#tpu.dimension_semantics<arbitrary>], iteration_bounds = array<i64: 8>, scalar_prefetch = 0 : i64, scratch_operands = 3 : i64, tpu.core_type = #tpu.core_type<tc>, window_params = [{transform_indices = @transform_0, window_bounds = array<i64: 512, 1024>}, {pipeline_mode = #tpu.pipeline_mode<synchronous>, transform_indices = @transform_1, window_bounds = array<i64: 1024, 64>}, {transform_indices = @transform_2, window_bounds = array<i64: 512, 128>}, {pipeline_mode = #tpu.pipeline_mode<synchronous>, transform_indices = @transform_3, window_bounds = array<i64: 4096, 1>}, {pipeline_mode = #tpu.pipeline_mode<synchronous>, transform_indices = @transform_4, window_bounds = array<i64: 128, 4>}]} {
    %eq3A = arith.constant 0 : i32
    %eq3A_0 = arith.cmpi eq, %arg0, %eq3A : i32
    %convert_element_type3A = arith.extui %eq3A_0 : i1 to i32
    %cond3A = arith.constant 0 : i32
    %cond3A_1 = arith.cmpi ne, %convert_element_type3A, %cond3A : i32
    scf.if %cond3A_1 {
      %broadcast_in_dim3A_63 = arith.constant 0.000000e+00 : f32
      %broadcast_in_dim3A_64 = vector.broadcast %broadcast_in_dim3A_63 : f32 to vector<1x64xf32>
      %swap3A_65 = arith.constant 0 : index
      %swap3A_66 = arith.constant 0 : index
      %swap3A_67 = vector.load %arg8[%swap3A_65, %swap3A_66] : memref<1x64xf32, #tpu.memory_space<vmem>>, vector<1x64xf32>
      tpu.vector_store %arg8[%swap3A_65, %swap3A_66], %broadcast_in_dim3A_64 {strides = array<i32>} : memref<1x64xf32, #tpu.memory_space<vmem>>, vector<1x64xf32>,
    } else {
    }
    %get3A = arith.constant 0 : index
    %get3A_2 = arith.constant 0 : index
    %get3A_3 = vector.load %arg1[%get3A, %get3A_2] : memref<512x1024xf32, #tpu.memory_space<vmem>>, vector<512x1024xf32>
    %get3A_4 = arith.constant 0 : index
    %get3A_5 = arith.constant 0 : index
    %get3A_6 = vector.load %arg2[%get3A_4, %get3A_5] : memref<1024x64xf32, #tpu.memory_space<vmem>>, vector<1024x64xf32>
    %dot_general3A = arith.constant dense<0.000000e+00> : vector<512x64xf32>
    %dot_general3A_7 = tpu.matmul %get3A_3, %get3A_6, %dot_general3A {dimension_numbers = #tpu.dot_dimension_numbers<[1], [0], [0], [1], [0, 0, 1, 1], [], []>, transpose_lhs_hint = false} : vector<512x1024xf32>, vector<1024x64xf32>, vector<512x64xf32> -> vector<512x64xf32>
    %reduce_max3A = arith.constant dense<0xFF800000> : vector<512xf32>
    %reduce_max3A_8 = vector.multi_reduction <maximumf>, %dot_general3A_7, %reduce_max3A [1] : vector<512x64xf32> to vector<512xf32>
    %broadcast_in_dim3A = vector.shape_cast %reduce_max3A_8 : vector<512xf32> to vector<512x1xf32>
    %iota3A = tpu.iota {dimensions = array<i32: 1>} : vector<512x64xi32>
    %eq3A_9 = vector.broadcast %broadcast_in_dim3A : vector<512x1xf32> to vector<512x64xf32>
    %eq3A_10 = arith.cmpf oeq, %dot_general3A_7, %eq3A_9 : vector<512x64xf32>
    %jit3A = arith.constant 64 : i32
    %broadcast_in_dim3A_11 = vector.broadcast %jit3A : i32 to vector<512x64xi32>
    %select_n3A = arith.select %eq3A_10, %iota3A, %broadcast_in_dim3A_11 : vector<512x64xi1>, vector<512x64xi32>
    %reduce_min3A = arith.constant dense<2147483647> : vector<512xi32>
    %reduce_min3A_12 = vector.multi_reduction <minsi>, %select_n3A, %reduce_min3A [1] : vector<512x64xi32> to vector<512xi32>
    %broadcast_in_dim3A_13 = vector.shape_cast %reduce_min3A_12 : vector<512xi32> to vector<512x1xi32>
    %logistic3A = arith.negf %broadcast_in_dim3A : vector<512x1xf32>
    %logistic3A_14 = math.exp %logistic3A : vector<512x1xf32>
    %logistic3A_15 = arith.constant 1.000000e+00 : f32
    %logistic3A_16 = vector.broadcast %logistic3A_15 : f32 to vector<512x1xf32>
    %logistic3A_17 = arith.addf %logistic3A_16, %logistic3A_14 : vector<512x1xf32>
    %logistic3A_18 = arith.divf %logistic3A_16, %logistic3A_17 : vector<512x1xf32>
    %broadcast_in_dim3A_19 = vector.shape_cast %logistic3A_18 : vector<512x1xf32> to vector<512x1xf32>
    %broadcast_in_dim3A_20 = vector.broadcast %broadcast_in_dim3A_19 : vector<512x1xf32> to vector<512x128xf32>
    %swap3A = arith.constant 0 : index
    %swap3A_21 = arith.constant 0 : index
    %swap3A_22 = vector.load %arg3[%swap3A, %swap3A_21] : memref<512x128xf32, #tpu.memory_space<vmem>>, vector<512x128xf32>
    tpu.vector_store %arg3[%swap3A, %swap3A_21], %broadcast_in_dim3A_20 {strides = array<i32>} : memref<512x128xf32, #tpu.memory_space<vmem>>, vector<512x128xf32>,
    %eq3A_23 = vector.broadcast %broadcast_in_dim3A_13 : vector<512x1xi32> to vector<512x64xi32>
    %eq3A_24 = arith.cmpi eq, %eq3A_23, %iota3A : vector<512x64xi32>
    %convert_element_type3A_25 = arith.extui %eq3A_24 : vector<512x64xi1> to vector<512x64xi32>
    %convert_element_type3A_26 = arith.sitofp %convert_element_type3A_25 : vector<512x64xi32> to vector<512x64xf32>
    %iota3A_27 = tpu.iota {dimensions = array<i32: 0>} : vector<512x512xi32>
    %iota3A_28 = tpu.iota {dimensions = array<i32: 1>} : vector<512x512xi32>
    %lt3A = arith.cmpi slt, %iota3A_28, %iota3A_27 : vector<512x512xi32>
    %convert_element_type3A_29 = arith.extui %lt3A : vector<512x512xi1> to vector<512x512xi32>
    %convert_element_type3A_30 = arith.sitofp %convert_element_type3A_29 : vector<512x512xi32> to vector<512x512xf32>
    %convert_element_type3A_31 = arith.truncf %convert_element_type3A_30 : vector<512x512xf32> to vector<512x512xbf16>
    %convert_element_type3A_32 = arith.truncf %convert_element_type3A_26 : vector<512x64xf32> to vector<512x64xbf16>
    %dot_general3A_33 = arith.constant dense<0.000000e+00> : vector<512x64xf32>
    %dot_general3A_34 = tpu.matmul %convert_element_type3A_31, %convert_element_type3A_32, %dot_general3A_33 {dimension_numbers = #tpu.dot_dimension_numbers<[1], [0], [0], [1], [0, 0, 1, 1], [], []>, transpose_lhs_hint = false} : vector<512x512xbf16>, vector<512x64xbf16>, vector<512x64xf32> -> vector<512x64xf32>
    %get3A_35 = arith.constant 0 : index
    %get3A_36 = arith.constant 0 : index
    %get3A_37 = vector.load %arg8[%get3A_35, %get3A_36] : memref<1x64xf32, #tpu.memory_space<vmem>>, vector<1x64xf32>
    %add3A = vector.broadcast %get3A_37 : vector<1x64xf32> to vector<512x64xf32>
    %add3A_38 = arith.addf %dot_general3A_34, %add3A : vector<512x64xf32>
    %mul3A = arith.mulf %convert_element_type3A_26, %add3A_38 : vector<512x64xf32>
    %reduce_sum3A = arith.constant dense<0.000000e+00> : vector<512xf32>
    %reduce_sum3A_39 = vector.multi_reduction <add>, %mul3A, %reduce_sum3A [1] : vector<512x64xf32> to vector<512xf32>
    %broadcast_in_dim3A_40 = vector.shape_cast %reduce_sum3A_39 : vector<512xf32> to vector<512x1xf32>
    %reduce_sum3A_41 = arith.constant dense<0.000000e+00> : vector<64xf32>
    %reduce_sum3A_42 = vector.multi_reduction <add>, %convert_element_type3A_26, %reduce_sum3A_41 [0] : vector<512x64xf32> to vector<64xf32>
    %broadcast_in_dim3A_43 = vector.shape_cast %reduce_sum3A_42 : vector<64xf32> to vector<1x64xf32>
    %add3A_44 = arith.addf %get3A_37, %broadcast_in_dim3A_43 : vector<1x64xf32>
    %swap3A_45 = arith.constant 0 : index
    %swap3A_46 = arith.constant 0 : index
    %swap3A_47 = vector.load %arg8[%swap3A_45, %swap3A_46] : memref<1x64xf32, #tpu.memory_space<vmem>>, vector<1x64xf32>
    tpu.vector_store %arg8[%swap3A_45, %swap3A_46], %add3A_44 {strides = array<i32>} : memref<1x64xf32, #tpu.memory_space<vmem>>, vector<1x64xf32>,
    %mul3A_48 = arith.constant 512 : i32
    %mul3A_49 = arith.muli %arg0, %mul3A_48 : i32
    %swap3A_50 = arith.index_cast %mul3A_49 : i32 to index
    %swap3A_51 = arith.constant 0 : index
    %swap3A_52 = vector.load %arg6[%swap3A_50, %swap3A_51] : memref<4096x64xf32, #tpu.memory_space<vmem>>, vector<512x64xf32>
    tpu.vector_store %arg6[%swap3A_50, %swap3A_51], %convert_element_type3A_26 {strides = array<i32>} : memref<4096x64xf32, #tpu.memory_space<vmem>>, vector<512x64xf32>,
    %mul3A_53 = arith.constant 512 : i32
    %mul3A_54 = arith.muli %arg0, %mul3A_53 : i32
    %swap3A_55 = arith.index_cast %mul3A_54 : i32 to index
    %swap3A_56 = arith.constant 0 : index
    %swap3A_57 = vector.load %arg7[%swap3A_55, %swap3A_56] : memref<4096x1xf32, #tpu.memory_space<vmem>>, vector<512x1xf32>
    tpu.vector_store %arg7[%swap3A_55, %swap3A_56], %broadcast_in_dim3A_40 {strides = array<i32>} : memref<4096x1xf32, #tpu.memory_space<vmem>>, vector<512x1xf32>,
    %eq3A_58 = arith.constant 7 : i32
    %eq3A_59 = arith.cmpi eq, %arg0, %eq3A_58 : i32
    %convert_element_type3A_60 = arith.extui %eq3A_59 : i1 to i32
    %cond3A_61 = arith.constant 0 : i32
    %cond3A_62 = arith.cmpi ne, %convert_element_type3A_60, %cond3A_61 : i32
    scf.if %cond3A_62 {
      %get3A_63 = arith.constant 0 : index
      %get3A_64 = arith.constant 0 : index
      %get3A_65 = vector.load %arg6[%get3A_63, %get3A_64] : memref<4096x64xf32, #tpu.memory_space<vmem>>, vector<4096x64xf32>
      %get3A_66 = arith.constant 0 : index
      %get3A_67 = arith.constant 0 : index
      %get3A_68 = vector.load %arg8[%get3A_66, %get3A_67] : memref<1x64xf32, #tpu.memory_space<vmem>>, vector<1x64xf32>
      %mul3A_69 = arith.constant 3.906250e-03 : f32
      %mul3A_70 = vector.broadcast %mul3A_69 : f32 to vector<1x64xf32>
      %mul3A_71 = arith.mulf %get3A_68, %mul3A_70 : vector<1x64xf32>
      %floor3A = math.floor %mul3A_71 : vector<1x64xf32>
      %mul3A_72 = arith.constant 2.560000e+02 : f32
      %mul3A_73 = vector.broadcast %mul3A_72 : f32 to vector<1x64xf32>
      %mul3A_74 = arith.mulf %mul3A_73, %floor3A : vector<1x64xf32>
      %sub3A = arith.subf %get3A_68, %mul3A_74 : vector<1x64xf32>
      %iota3A_75 = tpu.iota {dimensions = array<i32: 0>} : vector<64x64xi32>
      %iota3A_76 = tpu.iota {dimensions = array<i32: 1>} : vector<64x64xi32>
      %lt3A_77 = arith.cmpi slt, %iota3A_75, %iota3A_76 : vector<64x64xi32>
      %convert_element_type3A_78 = arith.extui %lt3A_77 : vector<64x64xi1> to vector<64x64xi32>
      %convert_element_type3A_79 = arith.sitofp %convert_element_type3A_78 : vector<64x64xi32> to vector<64x64xf32>
      %dot_general3A_80 = arith.constant dense<0.000000e+00> : vector<1x64xf32>
      %dot_general3A_81 = tpu.matmul %floor3A, %convert_element_type3A_79, %dot_general3A_80 {dimension_numbers = #tpu.dot_dimension_numbers<[1], [0], [0], [1], [0, 0, 1, 1], [], []>, transpose_lhs_hint = false} : vector<1x64xf32>, vector<64x64xf32>, vector<1x64xf32> -> vector<1x64xf32>
      %mul3A_82 = arith.constant 2.560000e+02 : f32
      %mul3A_83 = vector.broadcast %mul3A_82 : f32 to vector<1x64xf32>
      %mul3A_84 = arith.mulf %dot_general3A_81, %mul3A_83 : vector<1x64xf32>
      %dot_general3A_85 = arith.constant dense<0.000000e+00> : vector<1x64xf32>
      %dot_general3A_86 = tpu.matmul %sub3A, %convert_element_type3A_79, %dot_general3A_85 {dimension_numbers = #tpu.dot_dimension_numbers<[1], [0], [0], [1], [0, 0, 1, 1], [], []>, transpose_lhs_hint = false} : vector<1x64xf32>, vector<64x64xf32>, vector<1x64xf32> -> vector<1x64xf32>
      %add3A_87 = arith.addf %mul3A_84, %dot_general3A_86 : vector<1x64xf32>
      %get3A_88 = arith.constant 0 : index
      %get3A_89 = arith.constant 0 : index
      %get3A_90 = vector.load %arg7[%get3A_88, %get3A_89] : memref<4096x1xf32, #tpu.memory_space<vmem>>, vector<4096x1xf32>
      %broadcast_in_dim3A_91 = vector.shape_cast %add3A_87 : vector<1x64xf32> to vector<1x64xf32>
      %broadcast_in_dim3A_92 = vector.broadcast %broadcast_in_dim3A_91 : vector<1x64xf32> to vector<4096x64xf32>
      %mul3A_93 = arith.mulf %get3A_65, %broadcast_in_dim3A_92 : vector<4096x64xf32>
      %reduce_sum3A_94 = arith.constant dense<0.000000e+00> : vector<4096xf32>
      %reduce_sum3A_95 = vector.multi_reduction <add>, %mul3A_93, %reduce_sum3A_94 [1] : vector<4096x64xf32> to vector<4096xf32>
      %broadcast_in_dim3A_96 = vector.shape_cast %reduce_sum3A_95 : vector<4096xf32> to vector<4096x1xf32>
      %add3A_97 = arith.addf %get3A_90, %broadcast_in_dim3A_96 : vector<4096x1xf32>
      %convert_element_type3A_98 = arith.fptosi %add3A_97 : vector<4096x1xf32> to vector<4096x1xi32>
      %swap3A_99 = arith.constant 0 : index
      %swap3A_100 = arith.constant 0 : index
      %swap3A_101 = vector.load %arg4[%swap3A_99, %swap3A_100] : memref<4096x1xi32, #tpu.memory_space<vmem>>, vector<4096x1xi32>
      tpu.vector_store %arg4[%swap3A_99, %swap3A_100], %convert_element_type3A_98 {strides = array<i32>} : memref<4096x1xi32, #tpu.memory_space<vmem>>, vector<4096x1xi32>,
      %iota3A_102 = tpu.iota {dimensions = array<i32: 0>} : vector<8x1xi32>
      %mul3A_103 = arith.constant 512 : i32
      %mul3A_104 = vector.broadcast %mul3A_103 : i32 to vector<8x1xi32>
      %mul3A_105 = arith.muli %iota3A_102, %mul3A_104 : vector<8x1xi32>
      %broadcast_in_dim3A_106 = vector.shape_cast %add3A_87 : vector<1x64xf32> to vector<1x64xf32>
      %broadcast_in_dim3A_107 = vector.broadcast %broadcast_in_dim3A_106 : vector<1x64xf32> to vector<8x64xf32>
      %convert_element_type3A_108 = arith.sitofp %mul3A_105 : vector<8x1xi32> to vector<8x1xf32>
      %le3A = vector.broadcast %convert_element_type3A_108 : vector<8x1xf32> to vector<8x64xf32>
      %le3A_109 = arith.cmpf ole, %broadcast_in_dim3A_107, %le3A : vector<8x64xf32>
      %convert_element_type3A_110 = arith.extui %le3A_109 : vector<8x64xi1> to vector<8x64xi32>
      %reduce_sum3A_111 = arith.constant dense<0> : vector<8xi32>
      %reduce_sum3A_112 = vector.multi_reduction <add>, %convert_element_type3A_110, %reduce_sum3A_111 [1] : vector<8x64xi32> to vector<8xi32>
      %broadcast_in_dim3A_113 = vector.shape_cast %reduce_sum3A_112 : vector<8xi32> to vector<8x1xi32>
      %sub3A_114 = arith.constant 1 : i32
      %sub3A_115 = vector.broadcast %sub3A_114 : i32 to vector<8x1xi32>
      %sub3A_116 = arith.subi %broadcast_in_dim3A_113, %sub3A_115 : vector<8x1xi32>
      %add3A_117 = arith.constant 511 : i32
      %add3A_118 = vector.broadcast %add3A_117 : i32 to vector<8x1xi32>
      %add3A_119 = arith.addi %mul3A_105, %add3A_118 : vector<8x1xi32>
      %convert_element_type3A_120 = arith.sitofp %add3A_119 : vector<8x1xi32> to vector<8x1xf32>
      %le3A_121 = vector.broadcast %convert_element_type3A_120 : vector<8x1xf32> to vector<8x64xf32>
      %le3A_122 = arith.cmpf ole, %broadcast_in_dim3A_107, %le3A_121 : vector<8x64xf32>
      %convert_element_type3A_123 = arith.extui %le3A_122 : vector<8x64xi1> to vector<8x64xi32>
      %reduce_sum3A_124 = arith.constant dense<0> : vector<8xi32>
      %reduce_sum3A_125 = vector.multi_reduction <add>, %convert_element_type3A_123, %reduce_sum3A_124 [1] : vector<8x64xi32> to vector<8xi32>
      %broadcast_in_dim3A_126 = vector.shape_cast %reduce_sum3A_125 : vector<8xi32> to vector<8x1xi32>
      %sub3A_127 = arith.constant 1 : i32
      %sub3A_128 = vector.broadcast %sub3A_127 : i32 to vector<8x1xi32>
      %sub3A_129 = arith.subi %broadcast_in_dim3A_126, %sub3A_128 : vector<8x1xi32>
      %sub3A_130 = arith.subi %sub3A_129, %sub3A_116 : vector<8x1xi32>
      %add3A_131 = arith.constant 1 : i32
      %add3A_132 = vector.broadcast %add3A_131 : i32 to vector<8x1xi32>
      %add3A_133 = arith.addi %sub3A_130, %add3A_132 : vector<8x1xi32>
      %convert_element_type3A_134 = arith.sitofp %add3A_133 : vector<8x1xi32> to vector<8x1xf32>
      %iota3A_135 = tpu.iota {dimensions = array<i32: 0>} : vector<8x8xi32>
      %iota3A_136 = tpu.iota {dimensions = array<i32: 1>} : vector<8x8xi32>
      %lt3A_137 = arith.cmpi slt, %iota3A_136, %iota3A_135 : vector<8x8xi32>
      %convert_element_type3A_138 = arith.extui %lt3A_137 : vector<8x8xi1> to vector<8x8xi32>
      %convert_element_type3A_139 = arith.sitofp %convert_element_type3A_138 : vector<8x8xi32> to vector<8x8xf32>
      %dot_general3A_140 = arith.constant dense<0.000000e+00> : vector<8x1xf32>
      %dot_general3A_141 = tpu.matmul %convert_element_type3A_139, %convert_element_type3A_134, %dot_general3A_140 {dimension_numbers = #tpu.dot_dimension_numbers<[1], [0], [0], [1], [0, 0, 1, 1], [], []>, transpose_lhs_hint = false} : vector<8x8xf32>, vector<8x1xf32>, vector<8x1xf32> -> vector<8x1xf32>
      %reduce_sum3A_142 = vector.shape_cast %convert_element_type3A_134 : vector<8x1xf32> to vector<1x8x1xf32>
      %reduce_sum3A_143 = arith.constant dense<0.000000e+00> : vector<1xf32>
      %reduce_sum3A_144 = vector.multi_reduction <add>, %reduce_sum3A_142, %reduce_sum3A_143 [1, 2] : vector<1x8x1xf32> to vector<1xf32>
      %reduce_sum3A_145 = vector.shape_cast %reduce_sum3A_144 : vector<1xf32> to vector<1x1x1xf32>
      %reduce_sum3A_146 = vector.extract %reduce_sum3A_145[0, 0, 0] : f32 from vector<1x1x1xf32>
      %iota3A_147 = tpu.iota {dimensions = array<i32: 0>} : vector<128x1xi32>
      %dot_general3A_148 = arith.constant dense<0.000000e+00> : vector<1x8xf32>
      %dot_general3A_149 = tpu.matmul %convert_element_type3A_134, %convert_element_type3A_139, %dot_general3A_148 {dimension_numbers = #tpu.dot_dimension_numbers<[0], [1], [1], [0], [0, 1, 1, 0], [], []>, transpose_lhs_hint = false} : vector<8x1xf32>, vector<8x8xf32>, vector<1x8xf32> -> vector<1x8xf32>
      %broadcast_in_dim3A_150 = vector.shape_cast %dot_general3A_149 : vector<1x8xf32> to vector<1x8xf32>
      %broadcast_in_dim3A_151 = vector.broadcast %broadcast_in_dim3A_150 : vector<1x8xf32> to vector<128x8xf32>
      %convert_element_type3A_152 = arith.sitofp %iota3A_147 : vector<128x1xi32> to vector<128x1xf32>
      %le3A_153 = vector.broadcast %convert_element_type3A_152 : vector<128x1xf32> to vector<128x8xf32>
      %le3A_154 = arith.cmpf ole, %broadcast_in_dim3A_151, %le3A_153 : vector<128x8xf32>
      %convert_element_type3A_155 = arith.extui %le3A_154 : vector<128x8xi1> to vector<128x8xi32>
      %reduce_sum3A_156 = arith.constant dense<0> : vector<128xi32>
      %reduce_sum3A_157 = vector.multi_reduction <add>, %convert_element_type3A_155, %reduce_sum3A_156 [1] : vector<128x8xi32> to vector<128xi32>
      %broadcast_in_dim3A_158 = vector.shape_cast %reduce_sum3A_157 : vector<128xi32> to vector<128x1xi32>
      %sub3A_159 = arith.constant 1 : i32
      %sub3A_160 = vector.broadcast %sub3A_159 : i32 to vector<128x1xi32>
      %sub3A_161 = arith.subi %broadcast_in_dim3A_158, %sub3A_160 : vector<128x1xi32>
      %iota3A_162 = tpu.iota {dimensions = array<i32: 1>} : vector<128x8xi32>
      %eq3A_163 = vector.broadcast %sub3A_161 : vector<128x1xi32> to vector<128x8xi32>
      %eq3A_164 = arith.cmpi eq, %eq3A_163, %iota3A_162 : vector<128x8xi32>
      %convert_element_type3A_165 = arith.extui %eq3A_164 : vector<128x8xi1> to vector<128x8xi32>
      %convert_element_type3A_166 = arith.sitofp %convert_element_type3A_165 : vector<128x8xi32> to vector<128x8xf32>
      %convert_element_type3A_167 = arith.sitofp %sub3A_116 : vector<8x1xi32> to vector<8x1xf32>
      %dot_general3A_168 = arith.constant dense<0.000000e+00> : vector<128x1xf32>
      %dot_general3A_169 = tpu.matmul %convert_element_type3A_166, %convert_element_type3A_167, %dot_general3A_168 {dimension_numbers = #tpu.dot_dimension_numbers<[1], [0], [0], [1], [0, 0, 1, 1], [], []>, transpose_lhs_hint = false} : vector<128x8xf32>, vector<8x1xf32>, vector<128x1xf32> -> vector<128x1xf32>
      %convert_element_type3A_170 = arith.sitofp %sub3A_129 : vector<8x1xi32> to vector<8x1xf32>
      %dot_general3A_171 = arith.constant dense<0.000000e+00> : vector<128x1xf32>
      %dot_general3A_172 = tpu.matmul %convert_element_type3A_166, %convert_element_type3A_170, %dot_general3A_171 {dimension_numbers = #tpu.dot_dimension_numbers<[1], [0], [0], [1], [0, 0, 1, 1], [], []>, transpose_lhs_hint = false} : vector<128x8xf32>, vector<8x1xf32>, vector<128x1xf32> -> vector<128x1xf32>
      %dot_general3A_173 = arith.constant dense<0.000000e+00> : vector<128x1xf32>
      %dot_general3A_174 = tpu.matmul %convert_element_type3A_166, %dot_general3A_141, %dot_general3A_173 {dimension_numbers = #tpu.dot_dimension_numbers<[1], [0], [0], [1], [0, 0, 1, 1], [], []>, transpose_lhs_hint = false} : vector<128x8xf32>, vector<8x1xf32>, vector<128x1xf32> -> vector<128x1xf32>
      %add3A_175 = arith.addf %dot_general3A_169, %convert_element_type3A_152 : vector<128x1xf32>
      %sub3A_176 = arith.subf %add3A_175, %dot_general3A_174 : vector<128x1xf32>
      %min3A = arith.minimumf %sub3A_176, %dot_general3A_172 : vector<128x1xf32>
      %iota3A_177 = tpu.iota {dimensions = array<i32: 1>} : vector<128x64xi32>
      %convert_element_type3A_178 = arith.fptosi %min3A : vector<128x1xf32> to vector<128x1xi32>
      %eq3A_179 = vector.broadcast %convert_element_type3A_178 : vector<128x1xi32> to vector<128x64xi32>
      %eq3A_180 = arith.cmpi eq, %eq3A_179, %iota3A_177 : vector<128x64xi32>
      %convert_element_type3A_181 = arith.extui %eq3A_180 : vector<128x64xi1> to vector<128x64xi32>
      %convert_element_type3A_182 = arith.sitofp %convert_element_type3A_181 : vector<128x64xi32> to vector<128x64xf32>
      %broadcast_in_dim3A_183 = vector.shape_cast %add3A_87 : vector<1x64xf32> to vector<1x64xf32>
      %broadcast_in_dim3A_184 = vector.broadcast %broadcast_in_dim3A_183 : vector<1x64xf32> to vector<128x64xf32>
      %broadcast_in_dim3A_185 = vector.shape_cast %get3A_68 : vector<1x64xf32> to vector<1x64xf32>
      %broadcast_in_dim3A_186 = vector.broadcast %broadcast_in_dim3A_185 : vector<1x64xf32> to vector<128x64xf32>
      %mul3A_187 = arith.mulf %convert_element_type3A_182, %broadcast_in_dim3A_184 : vector<128x64xf32>
      %reduce_sum3A_188 = arith.constant dense<0.000000e+00> : vector<128xf32>
      %reduce_sum3A_189 = vector.multi_reduction <add>, %mul3A_187, %reduce_sum3A_188 [1] : vector<128x64xf32> to vector<128xf32>
      %broadcast_in_dim3A_190 = vector.shape_cast %reduce_sum3A_189 : vector<128xf32> to vector<128x1xf32>
      %mul3A_191 = arith.mulf %convert_element_type3A_182, %broadcast_in_dim3A_186 : vector<128x64xf32>
      %reduce_sum3A_192 = arith.constant dense<0.000000e+00> : vector<128xf32>
      %reduce_sum3A_193 = vector.multi_reduction <add>, %mul3A_191, %reduce_sum3A_192 [1] : vector<128x64xf32> to vector<128xf32>
      %broadcast_in_dim3A_194 = vector.shape_cast %reduce_sum3A_193 : vector<128xf32> to vector<128x1xf32>
      %convert_element_type3A_195 = arith.sitofp %sub3A_161 : vector<128x1xi32> to vector<128x1xf32>
      %mul3A_196 = arith.constant 5.120000e+02 : f32
      %mul3A_197 = vector.broadcast %mul3A_196 : f32 to vector<128x1xf32>
      %mul3A_198 = arith.mulf %convert_element_type3A_195, %mul3A_197 : vector<128x1xf32>
      %lt3A_199 = vector.broadcast %reduce_sum3A_146 : f32 to vector<128x1xf32>
      %lt3A_200 = arith.cmpf olt, %convert_element_type3A_152, %lt3A_199 : vector<128x1xf32>
      %sub3A_201 = arith.subf %broadcast_in_dim3A_190, %mul3A_198 : vector<128x1xf32>
      %jit3A_202 = arith.constant 0.000000e+00 : f32
      %jit3A_203 = arith.constant 5.120000e+02 : f32
      %max3A = vector.broadcast %jit3A_202 : f32 to vector<128x1xf32>
      %max3A_204 = arith.maximumf %max3A, %sub3A_201 : vector<128x1xf32>
      %min3A_205 = vector.broadcast %jit3A_203 : f32 to vector<128x1xf32>
      %min3A_206 = arith.minimumf %min3A_205, %max3A_204 : vector<128x1xf32>
      %add3A_207 = arith.addf %broadcast_in_dim3A_190, %broadcast_in_dim3A_194 : vector<128x1xf32>
      %sub3A_208 = arith.subf %add3A_207, %mul3A_198 : vector<128x1xf32>
      %jit3A_209 = arith.constant 0.000000e+00 : f32
      %jit3A_210 = arith.constant 5.120000e+02 : f32
      %max3A_211 = vector.broadcast %jit3A_209 : f32 to vector<128x1xf32>
      %max3A_212 = arith.maximumf %max3A_211, %sub3A_208 : vector<128x1xf32>
      %min3A_213 = vector.broadcast %jit3A_210 : f32 to vector<128x1xf32>
      %min3A_214 = arith.minimumf %min3A_213, %max3A_212 : vector<128x1xf32>
      %jit3A_215 = arith.constant 0.000000e+00 : f32
      %broadcast_in_dim3A_216 = vector.broadcast %jit3A_215 : f32 to vector<128x1xf32>
      %select_n3A_217 = arith.select %lt3A_200, %min3A_206, %broadcast_in_dim3A_216 : vector<128x1xi1>, vector<128x1xf32>
      %jit3A_218 = arith.constant 0.000000e+00 : f32
      %broadcast_in_dim3A_219 = vector.broadcast %jit3A_218 : f32 to vector<128x1xf32>
      %select_n3A_220 = arith.select %lt3A_200, %min3A_214, %broadcast_in_dim3A_219 : vector<128x1xi1>, vector<128x1xf32>
      %convert_element_type3A_221 = arith.fptosi %min3A : vector<128x1xf32> to vector<128x1xi32>
      %convert_element_type3A_222 = arith.fptosi %select_n3A_217 : vector<128x1xf32> to vector<128x1xi32>
      %convert_element_type3A_223 = arith.fptosi %select_n3A_220 : vector<128x1xf32> to vector<128x1xi32>
      %concatenate3A = tpu.concatenate %sub3A_161, %convert_element_type3A_221, %convert_element_type3A_222, %convert_element_type3A_223 in 1 : vector<128x1xi32>, vector<128x1xi32>, vector<128x1xi32>, vector<128x1xi32> -> vector<128x4xi32>
      %swap3A_224 = arith.constant 0 : index
      %swap3A_225 = arith.constant 0 : index
      %swap3A_226 = vector.load %arg5[%swap3A_224, %swap3A_225] : memref<128x4xi32, #tpu.memory_space<vmem>>, vector<128x4xi32>
      tpu.vector_store %arg5[%swap3A_224, %swap3A_225], %concatenate3A {strides = array<i32>} : memref<128x4xi32, #tpu.memory_space<vmem>>, vector<128x4xi32>,
    } else {
    }
    return
  }
  func.func @transform_0(%arg0: i32) -> (i32, i32) {
    %c0_i32 = arith.constant 0 : i32
    %c0_i32_0 = arith.constant 0 : i32
    return %arg0, %c0_i32 : i32, i32
  }
  func.func @transform_1(%arg0: i32) -> (i32, i32) {
    %c0_i32 = arith.constant 0 : i32
    %c0_i32_0 = arith.constant 0 : i32
    %c0_i32_1 = arith.constant 0 : i32
    return %c0_i32, %c0_i32_0 : i32, i32
  }
  func.func @transform_2(%arg0: i32) -> (i32, i32) {
    %c0_i32 = arith.constant 0 : i32
    %c0_i32_0 = arith.constant 0 : i32
    return %arg0, %c0_i32 : i32, i32
  }
  func.func @transform_3(%arg0: i32) -> (i32, i32) {
    %c0_i32 = arith.constant 0 : i32
    %c0_i32_0 = arith.constant 0 : i32
    %c0_i32_1 = arith.constant 0 : i32
    return %c0_i32, %c0_i32_0 : i32, i32
  }
  func.func @transform_4(%arg0: i32) -> (i32, i32) {
    %c0_i32 = arith.constant 0 : i32
    %c0_i32_0 = arith.constant 0 : i32
    %c0_i32_1 = arith.constant 0 : i32
    return %c0_i32, %c0_i32_0 : i32, i32
  }
}

</mosaic_0001>

<sc_bundles>
// kernel: kernel.6.cloned.1.call-start
scs
__scs_entry_jumppad:
0x0: {  	(pc) =	sbr.rel $0x88, $3  }
0x1: {  	(tag) =	ssettag $0x0;
	lr =	simm.s32 $0x1  }
0x2: {  	[smem:$0x3F99] =	sst lr;
	_ =	strace $0xD0000000  }
0x3: {  	_ = 	snop  }
0x4: {  	_ = 	snop  }
0x5: {  	_ = 	snop  }
0x6: {  	_ = 	snop  }
0x7: {  	_ = 	snop  }
__scs_overlays_trampoline_lowered:
0x8: {  	[smem:$0x3FA8] =	sst s0  }
0x9: {  	[smem:$0x3FA9] =	sst s1  }
0xa: {  	[smem:$0x3FAA] =	sst s2  }
0xb: {  	[smem:$0x3FAB] =	sst s3  }
0xc: {  	[smem:$0x3FAC] =	sst s4  }
0xd: {  	[smem:$0x3FAD] =	sst s5  }
0xe: {  	[smem:$0x3FAE] =	sst s6  }
0xf: {  	[smem:$0x3FAF] =	sst s7  }
0x10: {  	[smem:$0x3FB0] =	sst s8  }
0x11: {  	[smem:$0x3FB1] =	sst s9;
	s0 =	simm.s32 @!p0 $0x0  }
0x12: {  	s1 =	sld [smem:$0x3F97];
	s0 =	simm.s32 @p0 $0x1  }
0x13: {  	[smem:$0x3FB2] =	sst s0;
	s0 =	simm.s32 @!p1 $0x0  }
0x14: {  	s2 =	sld [smem:$0x3F96];
	s0 =	simm.s32 @p1 $0x1  }
0x15: {  	[smem:$0x3FB3] =	sst s0;
	s0 =	simm.s32 @!p2 $0x0  }
0x16: {  	s3 =	sld [smem:$0x3FDB];
	s0 =	simm.s32 @p2 $0x1  }
0x17: {  	s4 =	simm.s32 $0x1BF5;
	[smem:$0x3FB5] =	sst s0  }
0x18: {  	s0 =	sld [smem:$0x3F98];
	_ =	swait.ge [sflag:s4], $0x0  }
0x19: {  	s7 =	sld [smem:$0x3F99]  }
0x1a: {  	s8 =	sadd.s32 $0xFFFFE003, lr  }
0x1b: {  	s9 =	sadd.s32 $0xFFFFFEF7, lr;
	s5 =	simm.s32 $0xFFFFFFFF;
	p2 =	slt.u32 s8, $0xFFFFF086  }
0x1c: {  	p1 =	slt.u32 s9, $0xF7A;
	s5 =	simm.s32 @!p2 $0x0  }
0x1d: {  	s5 =	simm.s32 @p1 $0x1;
	p0 =	seq.s32 s7, s2  }
0x1e: {  	s7 =	smul.u32 @!p0 $0xF7A, s2;
	p2 =	seq.s32 @!p0 s5, $0x0  }
0x1f: {  	s9 =	smul.u32 $0xF7A, s1;
	s8 =	simm.s32 @!p0 $0x1BF5;
	p2 =	por !p2, p0  }
0x20: {  	[sflag:s8] =	ssyncset.s32 @!p0 $0xFFFFF086;
	s6 =	sadd.s32 @!p0 s3, s7;
	s7 =	simm.s32 @!p0 $0x108  }
0x21: {  	s3 =	sadd.s32 s3, s9;
	s6 =	sadd.s32 @!p0 $0x88, s6;
	s7 =	simm.s32 @p2 $0x1082  }
0x22: {  	[simem:s7], [sflag:s8] =	dma.local @!p0 [hbm:s6], $0xF7A  }
0x23: {  	s9 =	sor.u32 $0xD0000000, s2;
	s6 =	simm.s32 $0x108;
	_ =	swait.ge @!p0 [sflag:s8], $0x0  }
0x24: {  	s3 =	sadd.s32 $0x88, s3;
	s6 =	simm.s32 @!p1 $0x1082;
	[sflag:s4] =	ssyncset.s32 $0xFFFFF086  }
0x25: {  	[simem:s6], [sflag:s4] =	dma.local [hbm:s3], $0xF7A  }
0x26: {  	[smem:$0x3F99] =	sst s1;
	(tag) =	ssettag s2;
	_ =	strace s9  }
0x27: {  	s1 =	sld [smem:$0x3FA9]  }
0x28: {  	s2 =	sld [smem:$0x3FAA]  }
0x29: {  	s4 =	sld [smem:$0x3FAC]  }
0x2a: {  	p0 =	seq.s32 s5, $0x0;
	s5 =	sld [smem:$0x3FAD]  }
0x2b: {  	s6 =	sld [smem:$0x3FAE]  }
0x2c: {  	s7 =	sld [smem:$0x3FAF]  }
0x2d: {  	s3 =	simm.s32 $0x108;
	s8 =	sld [smem:$0x3FB0]  }
0x2e: {  	s3 =	simm.s32 @!p0 $0x1082;
	s9 =	sld [smem:$0x3FB1]  }
0x2f: {  	lr =	sadd.s32 s0, s3;
	s0 =	sld [smem:$0x3FA8]  }
0x30: {  	s3 =	sld [smem:$0x3FAB]  }
0x31: {  	[smem:$0x3FB4] =	sst s10  }
0x32: {  	s10 =	sld [smem:$0x3FB2];
	_ =	sdelay $0x3  }
0x33: {  	p0 =	seq.s32 s10, $0x1;
	s10 =	sld [smem:$0x3FB4];
	_ =	sdelay $0x3  }
0x34: {  	[smem:$0x3FB4] =	sst s10  }
0x35: {  	s10 =	sld [smem:$0x3FB3];
	_ =	sdelay $0x3  }
0x36: {  	p1 =	seq.s32 s10, $0x1;
	s10 =	sld [smem:$0x3FB4];
	_ =	sdelay $0x3  }
0x37: {  	[smem:$0x3FB4] =	sst s10  }
0x38: {  	s10 =	sld [smem:$0x3FB5]  }
0x39: {  	_ = 	snop;
	(pc) =	sbr.ind lr, $3  }
0x3a: {  	_ = 	snop  }
0x3b: {  	_ = 	snop  }
0x3c: {  	p2 =	seq.s32 s10, $0x1;
	s10 =	sld [smem:$0x3FB4]  }
0x3d: {  	_ =	shalt  }
0x3e: {  	_ =	shalt  }
0x3f: {  	_ =	shalt  }
0x40: {  	_ =	shalt  }
0x41: {  	_ =	shalt  }
0x42: {  	_ =	shalt  }
0x43: {  	_ =	shalt  }
0x44: {  	_ =	shalt  }
0x45: {  	_ =	shalt  }
0x46: {  	_ =	shalt  }
0x47: {  	_ =	shalt  }
0x48: {  	_ =	shalt  }
0x49: {  	_ =	shalt  }
0x4a: {  	_ =	shalt  }
0x4b: {  	_ =	shalt  }
0x4c: {  	_ =	shalt  }
0x4d: {  	_ =	shalt  }
0x4e: {  	_ =	shalt  }
0x4f: {  	_ =	shalt  }
0x50: {  	_ =	shalt  }
0x51: {  	_ =	shalt  }
0x52: {  	_ =	shalt  }
0x53: {  	_ =	shalt  }
0x54: {  	_ =	shalt  }
0x55: {  	_ =	shalt  }
0x56: {  	_ =	shalt  }
0x57: {  	_ =	shalt  }
0x58: {  	_ =	shalt  }
0x59: {  	_ =	shalt  }
0x5a: {  	_ =	shalt  }
0x5b: {  	_ =	shalt  }
0x5c: {  	_ =	shalt  }
0x5d: {  	_ =	shalt  }
0x5e: {  	_ =	shalt  }
0x5f: {  	_ =	shalt  }
0x60: {  	_ =	shalt  }
0x61: {  	_ =	shalt  }
0x62: {  	_ =	shalt  }
0x63: {  	_ =	shalt  }
0x64: {  	_ =	shalt  }
0x65: {  	_ =	shalt  }
0x66: {  	_ =	shalt  }
0x67: {  	_ =	shalt  }
0x68: {  	_ =	shalt  }
0x69: {  	_ =	shalt  }
0x6a: {  	_ =	shalt  }
0x6b: {  	_ =	shalt  }
0x6c: {  	_ =	shalt  }
0x6d: {  	_ =	shalt  }
0x6e: {  	_ =	shalt  }
0x6f: {  	_ =	shalt  }
0x70: {  	_ =	shalt  }
0x71: {  	_ =	shalt  }
0x72: {  	_ =	shalt  }
0x73: {  	_ =	shalt  }
0x74: {  	_ =	shalt  }
0x75: {  	_ =	shalt  }
0x76: {  	_ =	shalt  }
0x77: {  	_ =	shalt  }
0x78: {  	_ =	shalt  }
0x79: {  	_ =	shalt  }
0x7a: {  	_ =	shalt  }
0x7b: {  	_ =	shalt  }
0x7c: {  	_ =	shalt  }
0x7d: {  	_ =	shalt  }
0x7e: {  	_ =	shalt  }
0x7f: {  	_ =	shalt  }
0x80: {  	_ =	shalt  }
0x81: {  	_ =	shalt  }
0x82: {  	_ =	shalt  }
0x83: {  	_ =	shalt  }
0x84: {  	_ =	shalt  }
0x85: {  	_ =	shalt  }
0x86: {  	_ =	shalt  }
0x87: {  	_ =	shalt  }
.Lfunc_end0:
.L_simem_size_0:
called_computation_lowered:
.L_overlay_start_0:
0x88: {  	s2 =	sld [smem:$0x3FD9]  }
0x89: {  	s3 =	sld [smem:$0x3FFE];
	_ =	sdelay $0x1  }
0x8a: {  	s1 =	srdreg.scid  }
0x8b: {  	s0 =	sand.u32 $0x1, s1  }
0x8c: {  	s17 =	sshll.u32 s0, $0xA;
	s2 =	sadd.s32 s3, s2  }
0x8d: {  	s2 =	sadd.s32 s2, s17  }
0x8e: {  	[smem:$0x3FC0] =	sst s2  }
0x8f: {  	_ = 	snop  }
0x90: {  	s2 =	sld [smem:$0x3FC9]  }
0x91: {  	s18 =	sld [smem:$0x3FD0];
	(tm) =	ssettm $0x1  }
0x92: {  	s4 =	sld [smem:$0x3FFB];
	_ =	sdelay $0x3  }
0x93: {  	_ =	strace s4  }
0x94: {  	s4 =	sld [smem:$0x3FFC];
	_ =	sdelay $0x3  }
0x95: {  	_ =	strace s4  }
0x96: {  	s4 =	sld [smem:$0x3FFD];
	_ =	sdelay $0x3  }
0x97: {  	_ =	strace s4  }
0x98: {  	_ =	strace $0x8FFFFFFF  }
0x99: {  	s19 =	sld [smem:$0x3FDB];
	_ =	sdelay $0x1  }
0x9a: {  	s5 =	simm.s32 $_scs_section_size  }
0x9b: {  	s6 =	simm.s32 $_size__tile_overlayer_lowered;
	s7 =	simm.s32 $_tile_overlayer_lowered  }
0x9c: {  	s22 =	simm.s32 $0x1BFF;
	s21 =	sshll.u32 s7, $0x1;
	s4 =	sadd.s32 s5, s19  }
0x9d: {  	s8 =	simm.s32 $0x0;
	s20 =	sshll.u32 s6, $0x1;
	s6 =	sadd.s32 s21, s4  }
0x9e: {  	[timem:s8], [sflag:s22] =	dma.local [hbm:s6], s20  }
0x9f: {  	_ =	swait.ge [sflag:s22], s20  }
0xa0: {  	s5 =	ssub.s32 $0x0, s20;
	[sflag:s22] =	ssyncset.done $0x0  }
0xa1: {  	[sflag:s22] =	ssyncadd.s32 s5;
	_ =	sdelay $0x1  }
0xa2: {  	s23 =	simm.s32 $0x1B8B  }
0xa3: {  	_ =	swait.ge [sflag:s23], $0x1  }
0xa4: {  	[sflag:s23] =	ssyncset.done $0x0  }
0xa5: {  	s25 =	simm.s32 $0x1B8E;
	s24 =	sld [smem:$0x3FFE];
	[sflag:s23] =	ssyncadd.s32 $0xFFFFFFFF  }
0xa6: {  	s26 =	simm.s32 $execute0_lowered;
	[smem:$0x3FD2] =	sst s25  }
0xa7: {  	s6 =	sshll.u32 s26, $0x1;
	_ =	strace $0x80000046;
	[dreg:$0x1] =	wrdreg $0xFFFFFFFF  }
0xa8: {  	s28 =	simm.s32 $_size_execute0_lowered;
	s4 =	sadd.s32 s4, s6;
	[dreg:$0x0] =	wrdreg $0x0  }
0xa9: {  	s6 =	sshll.u32 s28, $0x1;
	[dreg:$0x2] =	wrdreg s4  }
0xaa: {  	[dreg:$0x3] =	wrdreg s6  }
0xab: {  	[dreg:$0x4] =	wrdreg $0xC0  }
0xac: {  	_ =	task [dreg:s8], $0x5FFFF  }
0xad: {  	[dreg:$0x1] =	wrdreg $0xFFFFFFFF  }
0xae: {  	[dreg:$0x0] =	wrdreg $0x60  }
0xaf: {  	[dreg:$0x2] =	wrdreg s2  }
0xb0: {  	[dreg:$0x3] =	wrdreg s24  }
0xb1: {  	[dreg:$0x4] =	wrdreg s18  }
0xb2: {  	[dreg:$0x5] =	wrdreg $0x9  }
0xb3: {  	_ =	task.clear_ibuf [dreg:s8], $0x6FFFF;
	_ =	strace $0x90000046  }
0xb4: {  	s29 =	simm.s32 $0x9;
	_ =	strace $0x80000048  }
0xb5: {  	_ =	swait.ge [sflag:s29], $0x1  }
0xb6: {  	[sflag:s29] =	ssyncadd.s32 $0xFFFFFFFF  }
0xb7: {  	_ =	strace $0x90000048  }
0xb8: {  	_ =	sfence  }
0xb9: {  	s30 =	sld [smem:$0x0];
	_ =	sdelay $0x2  }
0xba: {  	s31 =	sshll.u32 s1, $0xD;
	s1 =	sshrl.u32 s1, $0x2  }
0xbb: {  	s3 =	sand.u32 $0x4000, s31;
	s1 =	sadd.s32 s1, s30  }
0xbc: {  	s0 =	sor.u32 s3, s0;
	s1 =	sshll.u32 s1, $0x11  }
0xbd: {  	s0 =	sor.u32 s1, s0  }
0xbe: {  	s0 =	sadd.s32 $0x8F2B, s0  }
0xbf: {  	[sflag:s0] =	ssyncadd.remote.s32 $0x1  }
0xc0: {  	_ =	sfence.sel $0xFFFF  }
0xc1: {  	[dreg:$0x0] =	wrdreg $0xFFFFFFFF;
	(pc) =	sbr.abs _section_cstart, $3  }
0xc2: {  	[dreg:$0x1] =	wrdreg $0xFFFFFFFF  }
0xc3: {  	_ =	task.clear_ibuf [dreg:s8], $0x2FFFF;
	_ =	strace $0x9FFFFFFF  }
0xc4: {  	(tm) =	ssettm $0x7FFFFFFF  }
0xc5: {  	_ =	shalt  }
tec
execute0_lowered:
.L_overlay_start_1:
0x0: {  	(tag) =	ssettag $0x1  }
0x1: {  	s1 =	rddreg [dreg:$0x0]  }
0x2: {  	s2 =	srdreg.scid;
	s4 =	rddreg [dreg:$0x1]  }
0x3: {  	s0 =	stileid.u32;
	s3 =	simm.s32 $0x0;
	s28 =	simm.s32 $0x5900  }
0x4: {  	s29 =	simm.s32 $0x6100;
	s5 =	sand.u32 $0x1, s2;
	s2 =	rddreg [dreg:$0x2]  }
0x5: {  	s30 =	simm.s32 $0x6900;
	s31 =	simm.s32 $0x7100;
	[smem:$0x7FF] =	sst s3  }
0x6: {  	s6 =	sshll.u32 s0, $0x8;
	s7 =	sshll.u32 s5, $0x7;
	_ =	strace $0x80000047  }
0x7: {  	s5 =	ssub.s32 $0x2, s5;
	s7 =	sor.u32 s7, s6;
	s6 =	sadd.s32 $0x11600, s4  }
0x8: {  	s8 =	sshrl.u32 s7, $0x3;
	s18 =	sshll.u32 s7, $0x7;
	s10 =	sshll.u32 s7, $0x4  }
0x9: {  	s11 =	sor.u32 $0x10, s7;
	s24 =	sor.u32 $0x20, s7;
	s13 =	sor.u32 $0x30, s7  }
0xa: {  	s9 =	sadd.s32 s6, s8;
	s8 =	sadd.s32 $0x1600, s4;
	s20 =	sshrl.u32 s11, $0x3  }
0xb: {  	s22 =	sshll.u32 s11, $0x7;
	s23 =	sshll.u32 s11, $0x4;
	s26 =	sshrl.u32 s24, $0x3  }
0xc: {  	s12 =	sshll.u32 s24, $0x4;
	[dreg:$0x4] =	wrdreg s9;
	s9 =	sadd.s32 s1, s18  }
0xd: {  	s15 =	sshrl.u32 s13, $0x3;
	s19 =	sadd.s32 s8, s10;
	[dreg:$0x5] =	wrdreg s9  }
0xe: {  	s17 =	sshll.u32 s13, $0x7;
	s21 =	sadd.s32 s6, s20;
	[dreg:$0x6] =	wrdreg s19  }
0xf: {  	s4 =	sadd.s32 $0x11800, s4;
	s25 =	sadd.s32 s8, s23;
	[dreg:$0x7] =	wrdreg s21  }
0x10: {  	s0 =	sadd.s32 s6, s26;
	s10 =	sshll.u32 s24, $0x7;
	[dreg:$0x9] =	wrdreg s25  }
0x11: {  	s14 =	sadd.s32 s8, s12;
	s16 =	sadd.s32 s6, s15;
	[dreg:$0xa] =	wrdreg s0  }
0x12: {  	s18 =	sshll.u32 s13, $0x4;
	s13 =	sshrl.u32 s5, $0x1;
	[dreg:$0xc] =	wrdreg s14  }
0x13: {  	s9 =	sadd.s32 s1, s22;
	[dreg:$0xd] =	wrdreg s16;
	s19 =	sor.u32 $0x40, s7  }
0x14: {  	s20 =	sadd.s32 s8, s18;
	s25 =	sor.u32 $0x50, s7;
	[dreg:$0x8] =	wrdreg s9  }
0x15: {  	s9 =	sadd.s32 s1, s10;
	s21 =	sshrl.u32 s19, $0x3;
	[dreg:$0xf] =	wrdreg s20  }
0x16: {  	s23 =	sshll.u32 s19, $0x7;
	s24 =	sshll.u32 s19, $0x4;
	s0 =	sshrl.u32 s25, $0x3  }
0x17: {  	s14 =	sshll.u32 s25, $0x7;
	s11 =	sshll.u32 s25, $0x4;
	s10 =	ssub.s32 s5, s13  }
0x18: {  	s5 =	sadd.s32 $0x100, s2;
	s20 =	sor.u32 $0x70, s7;
	s13 =	simm.s32 $0x4100  }
0x19: {  	[dreg:$0xb] =	wrdreg s9;
	s9 =	sadd.s32 s1, s17;
	s22 =	sadd.s32 s6, s21  }
0x1a: {  	s26 =	sadd.s32 s8, s24;
	s12 =	sadd.s32 s6, s0;
	[dreg:$0xe] =	wrdreg s9  }
0x1b: {  	s15 =	sadd.s32 s8, s11;
	s24 =	sshll.u32 s20, $0x7;
	[dreg:$0x10] =	wrdreg s22  }
0x1c: {  	s25 =	sshll.u32 s20, $0x4;
	s11 =	simm.s32 $0x8100;
	[dreg:$0x12] =	wrdreg s26  }
0x1d: {  	s9 =	sadd.s32 s1, s23;
	[dreg:$0x13] =	wrdreg s12;
	s12 =	sor.u32 $0x60, s7  }
0x1e: {  	[dreg:$0x15] =	wrdreg s15;
	s22 =	sshrl.u32 s20, $0x3;
	s7 =	sadd.s32 $0x300, s2  }
0x1f: {  	s26 =	sadd.s32 s8, s25;
	s15 =	simm.s32 $0x1;
	s20 =	simm.s32 $0x2900  }
0x20: {  	s25 =	simm.s32 $0x4900;
	[dreg:$0x11] =	wrdreg s9;
	s9 =	sadd.s32 s1, s14  }
0x21: {  	s16 =	sshrl.u32 s12, $0x3;
	s18 =	sshll.u32 s12, $0x7;
	s19 =	sshll.u32 s12, $0x4  }
0x22: {  	s23 =	sadd.s32 s6, s22;
	[dreg:$0x1b] =	wrdreg s26;
	s12 =	simm.s32 $0x80  }
0x23: {  	s14 =	simm.s32 $0x8900;
	s22 =	simm.s32 $0x3900;
	s26 =	simm.s32 $0x5100  }
0x24: {  	[dreg:$0x14] =	wrdreg s9;
	s17 =	sadd.s32 s6, s16;
	s9 =	sadd.s32 s1, s18  }
0x25: {  	s21 =	sadd.s32 s8, s19;
	s6 =	sadd.s32 $0x200, s2;
	[dreg:$0x19] =	wrdreg s23  }
0x26: {  	s1 =	sadd.s32 s1, s24;
	s16 =	simm.s32 $0x900;
	[dreg:$0x16] =	wrdreg s17  }
0x27: {  	s18 =	simm.s32 $0x1900;
	s19 =	simm.s32 $0x2100;
	[dreg:$0x17] =	wrdreg s9  }
0x28: {  	v2 =	vlaneseq.u32;
	s23 =	simm.s32 $0x10;
	s24 =	simm.s32 $0x2;
	[dreg:$0x18] =	wrdreg s21  }
0x29: {  	vm0 =	vmmov $0xffff;
	v1 =	vshrl.u32 v2, $0x3;
	[dreg:$0x1a] =	wrdreg s1;
	s9 =	smax.u32 s10, $0x1;
	s10 =	simm.s32 $0x100  }
0x2a: {  	v0 =	vand.u32 $0x7, v2;
	v2 =	vor.u32 $0x8, v2;
	v1 =	vmul.u32 $0x8, v1;
	s17 =	simm.s32 $0x1100;
	s21 =	simm.s32 $0x3100;
	s1 =	simm.s32 $0x7900  }
.LBB2_1:
0x2b: {  	s0 =	rddreg [dreg:$0x4]  }
0x2c: {  	[tilespmem:s3], [sflag:$0x1] =	stream.linear.gather [hbm4b:s0+s3], $0x10, $0x38;
	[tilespmem:$0x9100] =	vst v63  }
0x2d: {  	s8 =	rddreg [dreg:$0x5]  }
0x2e: {  	[tilespmem:s10], [sflag:$0x1] =	stream.linear.gather [hbm4b:s8+s3], $0x4000, $0x38;
	[tilespmem:$0x9100] =	vst v63  }
0x2f: {  	s0 =	rddreg [dreg:$0x6]  }
0x30: {  	[tilespmem:s11], [sflag:$0x1] =	stream.linear.gather [hbm4b:s0+s3], $0x800, $0x38;
	[tilespmem:$0x9100] =	vst v63  }
0x31: {  	s8 =	rddreg [dreg:$0x7]  }
0x32: {  	[tilespmem:s12], [sflag:$0x1] =	stream.linear.gather [hbm4b:s8+s3], $0x10, $0x38;
	[tilespmem:$0x9100] =	vst v63  }
0x33: {  	s0 =	rddreg [dreg:$0x8]  }
0x34: {  	[tilespmem:s13], [sflag:$0x1] =	stream.linear.gather [hbm4b:s0+s3], $0x4000, $0x38;
	[tilespmem:$0x9100] =	vst v63  }
0x35: {  	s8 =	rddreg [dreg:$0x9]  }
0x36: {  	[tilespmem:s14], [sflag:$0x1] =	stream.linear.gather [hbm4b:s8+s3], $0x800, $0x38;
	[tilespmem:$0x9100] =	vst v63  }
0x37: {  	_ =	swait.ge [sflag:s15], $0x10  }
0x38: {  	[sflag:s15] =	ssyncset.done $0x0  }
0x39: {  	[sflag:s15] =	ssyncadd.s32 $0xFFFFFFF0  }
0x3a: {  	_ =	swait.ge [sflag:s15], $0x4000  }
0x3b: {  	[sflag:s15] =	ssyncset.done $0x0  }
0x3c: {  	[sflag:s15] =	ssyncadd.s32 $0xFFFFC000  }
0x3d: {  	_ =	swait.ge [sflag:s15], $0x800  }
0x3e: {  	[sflag:s15] =	ssyncset.done $0x0  }
0x3f: {  	[sflag:s15] =	ssyncadd.s32 $0xFFFFF800  }
0x40: {  	v3 =	vld [tilespmem:$0x0];
	_ =	sdelay $0x4  }
0x41: {  	v4 =	vshll.u32 v3, $0x3  }
0x42: {  	v3 =	vand.u32 $0x7, v3;
	v4 =	vand.u32 $0xFFFFFFC0, v4  }
0x43: {  	v3 =	vor.u32 v3, v4  }
0x44: {  	v4 =	vperm.xlane v3, v0;
	_ =	sdelay $0x1  }
0x45: {  	v4 =	vadd.s32 v1, v4;
	_ =	sdelay $0x4  }
0x46: {  	[hbm4b:s2+s3] =	stream.indirect_vreg.scatter [tilespmem:s10], [sflag:$0x2], $0x80, v4, vm0, $0xb8;
	[tilespmem:$0x9100] =	vst v63  }
0x47: {  	v3 =	vperm.xlane v3, v2  }
0x48: {  	[hbm4b:s5+s3] =	stream.indirect_vreg.scatter [tilespmem:s16], [sflag:$0x2], $0x80, v4, vm0, $0xb8;
	[tilespmem:$0x9100] =	vst v63  }
0x49: {  	v3 =	vadd.s32 v1, v3  }
0x4a: {  	[hbm4b:s6+s3] =	stream.indirect_vreg.scatter [tilespmem:s17], [sflag:$0x2], $0x80, v4, vm0, $0xb8;
	[tilespmem:$0x9100] =	vst v63  }
0x4b: {  	_ = 	snop  }
0x4c: {  	[hbm4b:s7+s3] =	stream.indirect_vreg.scatter [tilespmem:s18], [sflag:$0x2], $0x80, v4, vm0, $0xb8;
	[tilespmem:$0x9100] =	vst v63  }
0x4d: {  	_ = 	snop  }
0x4e: {  	[hbm4b:s2+s3] =	stream.indirect_vreg.scatter [tilespmem:s19], [sflag:$0x2], $0x80, v3, vm0, $0xb8;
	[tilespmem:$0x9100] =	vst v63  }
0x4f: {  	_ = 	snop  }
0x50: {  	[hbm4b:s5+s3] =	stream.indirect_vreg.scatter [tilespmem:s20], [sflag:$0x2], $0x80, v3, vm0, $0xb8;
	[tilespmem:$0x9100] =	vst v63  }
0x51: {  	_ = 	snop  }
0x52: {  	[hbm4b:s6+s3] =	stream.indirect_vreg.scatter [tilespmem:s21], [sflag:$0x2], $0x80, v3, vm0, $0xb8;
	[tilespmem:$0x9100] =	vst v63  }
0x53: {  	_ = 	snop  }
0x54: {  	[hbm4b:s7+s3] =	stream.indirect_vreg.scatter [tilespmem:s22], [sflag:$0x2], $0x80, v3, vm0, $0xb8;
	[tilespmem:$0x9100] =	vst v63  }
0x55: {  	_ = 	snop  }
0x56: {  	[hbm4b:s4+s23] =	stream.indirect.scatter [tilespmem:s11], [sflag:$0x2], $0x80, s3, s23, $0xb8;
	[tilespmem:$0x9100] =	vst v63  }
0x57: {  	_ =	swait.ge [sflag:s24], $0x4000  }
0x58: {  	[sflag:s24] =	ssyncset.done $0x0  }
0x59: {  	[sflag:s24] =	ssyncadd.s32 $0xFFFFC000  }
0x5a: {  	_ =	swait.ge [sflag:s24], $0x800  }
0x5b: {  	[sflag:s24] =	ssyncset.done $0x0  }
0x5c: {  	s0 =	rddreg [dreg:$0xa];
	[sflag:s24] =	ssyncadd.s32 $0xFFFFF800  }
0x5d: {  	[tilespmem:s3], [sflag:$0x1] =	stream.linear.gather [hbm4b:s0+s3], $0x10, $0x38;
	[tilespmem:$0x9100] =	vst v63  }
0x5e: {  	s8 =	rddreg [dreg:$0xb]  }
0x5f: {  	[tilespmem:s10], [sflag:$0x1] =	stream.linear.gather [hbm4b:s8+s3], $0x4000, $0x38;
	[tilespmem:$0x9100] =	vst v63  }
0x60: {  	s0 =	rddreg [dreg:$0xc]  }
0x61: {  	[tilespmem:s11], [sflag:$0x1] =	stream.linear.gather [hbm4b:s0+s3], $0x800, $0x38;
	[tilespmem:$0x9100] =	vst v63  }
0x62: {  	_ =	swait.ge [sflag:s15], $0x10  }
0x63: {  	[sflag:s15] =	ssyncset.done $0x0  }
0x64: {  	[sflag:s15] =	ssyncadd.s32 $0xFFFFFFF0  }
0x65: {  	_ =	swait.ge [sflag:s15], $0x4000  }
0x66: {  	[sflag:s15] =	ssyncset.done $0x0  }
0x67: {  	[sflag:s15] =	ssyncadd.s32 $0xFFFFC000  }
0x68: {  	_ =	swait.ge [sflag:s15], $0x800  }
0x69: {  	[sflag:s15] =	ssyncset.done $0x0  }
0x6a: {  	[sflag:s15] =	ssyncadd.s32 $0xFFFFF800  }
0x6b: {  	v3 =	vld [tilespmem:$0x80];
	_ =	sdelay $0x4  }
0x6c: {  	v57 =	vshll.u32 v3, $0x3  }
0x6d: {  	v3 =	vand.u32 $0x7, v3;
	v4 =	vand.u32 $0xFFFFFFC0, v57  }
0x6e: {  	v3 =	vor.u32 v3, v4  }
0x6f: {  	v4 =	vperm.xlane v3, v0;
	_ =	sdelay $0x1  }
0x70: {  	v4 =	vadd.s32 v1, v4;
	_ =	sdelay $0x4  }
0x71: {  	[hbm4b:s2+s3] =	stream.indirect_vreg.scatter [tilespmem:s13], [sflag:$0x2], $0x80, v4, vm0, $0xb8;
	[tilespmem:$0x9100] =	vst v63  }
0x72: {  	v3 =	vperm.xlane v3, v2  }
0x73: {  	[hbm4b:s5+s3] =	stream.indirect_vreg.scatter [tilespmem:s25], [sflag:$0x2], $0x80, v4, vm0, $0xb8;
	[tilespmem:$0x9100] =	vst v63  }
0x74: {  	v3 =	vadd.s32 v1, v3  }
0x75: {  	[hbm4b:s6+s3] =	stream.indirect_vreg.scatter [tilespmem:s26], [sflag:$0x2], $0x80, v4, vm0, $0xb8;
	[tilespmem:$0x9100] =	vst v63  }
0x76: {  	_ = 	snop  }
0x77: {  	[hbm4b:s7+s3] =	stream.indirect_vreg.scatter [tilespmem:s28], [sflag:$0x2], $0x80, v4, vm0, $0xb8;
	[tilespmem:$0x9100] =	vst v63  }
0x78: {  	_ = 	snop  }
0x79: {  	[hbm4b:s2+s3] =	stream.indirect_vreg.scatter [tilespmem:s29], [sflag:$0x2], $0x80, v3, vm0, $0xb8;
	[tilespmem:$0x9100] =	vst v63  }
0x7a: {  	_ = 	snop  }
0x7b: {  	[hbm4b:s5+s3] =	stream.indirect_vreg.scatter [tilespmem:s30], [sflag:$0x2], $0x80, v3, vm0, $0xb8;
	[tilespmem:$0x9100] =	vst v63  }
0x7c: {  	_ = 	snop  }
0x7d: {  	[hbm4b:s6+s3] =	stream.indirect_vreg.scatter [tilespmem:s31], [sflag:$0x2], $0x80, v3, vm0, $0xb8;
	[tilespmem:$0x9100] =	vst v63  }
0x7e: {  	_ = 	snop  }
0x7f: {  	[hbm4b:s7+s3] =	stream.indirect_vreg.scatter [tilespmem:s1], [sflag:$0x2], $0x80, v3, vm0, $0xb8;
	[tilespmem:$0x9100] =	vst v63  }
0x80: {  	_ = 	snop  }
0x81: {  	[hbm4b:s4+s23] =	stream.indirect.scatter [tilespmem:s14], [sflag:$0x2], $0x80, s12, s23, $0xb8;
	[tilespmem:$0x9100] =	vst v63  }
0x82: {  	_ =	swait.ge [sflag:s24], $0x4000  }
0x83: {  	[sflag:s24] =	ssyncset.done $0x0  }
0x84: {  	[sflag:s24] =	ssyncadd.s32 $0xFFFFC000  }
0x85: {  	_ =	swait.ge [sflag:s24], $0x800  }
0x86: {  	[sflag:s24] =	ssyncset.done $0x0  }
0x87: {  	s0 =	rddreg [dreg:$0xd];
	[sflag:s24] =	ssyncadd.s32 $0xFFFFF800  }
0x88: {  	[tilespmem:s12], [sflag:$0x1] =	stream.linear.gather [hbm4b:s0+s3], $0x10, $0x38;
	[tilespmem:$0x9100] =	vst v63  }
0x89: {  	s8 =	rddreg [dreg:$0xe]  }
0x8a: {  	[tilespmem:s13], [sflag:$0x1] =	stream.linear.gather [hbm4b:s8+s3], $0x4000, $0x38;
	[tilespmem:$0x9100] =	vst v63  }
0x8b: {  	s0 =	rddreg [dreg:$0xf]  }
0x8c: {  	[tilespmem:s14], [sflag:$0x1] =	stream.linear.gather [hbm4b:s0+s3], $0x800, $0x38;
	[tilespmem:$0x9100] =	vst v63  }
0x8d: {  	_ =	swait.ge [sflag:s15], $0x10  }
0x8e: {  	[sflag:s15] =	ssyncset.done $0x0  }
0x8f: {  	[sflag:s15] =	ssyncadd.s32 $0xFFFFFFF0  }
0x90: {  	_ =	swait.ge [sflag:s15], $0x4000  }
0x91: {  	[sflag:s15] =	ssyncset.done $0x0  }
0x92: {  	[sflag:s15] =	ssyncadd.s32 $0xFFFFC000  }
0x93: {  	_ =	swait.ge [sflag:s15], $0x800  }
0x94: {  	[sflag:s15] =	ssyncset.done $0x0  }
0x95: {  	[sflag:s15] =	ssyncadd.s32 $0xFFFFF800  }
0x96: {  	v3 =	vld [tilespmem:$0x0];
	_ =	sdelay $0x4  }
0x97: {  	v58 =	vshll.u32 v3, $0x3  }
0x98: {  	v3 =	vand.u32 $0x7, v3;
	v4 =	vand.u32 $0xFFFFFFC0, v58  }
0x99: {  	v3 =	vor.u32 v3, v4  }
0x9a: {  	v4 =	vperm.xlane v3, v0;
	_ =	sdelay $0x1  }
0x9b: {  	v4 =	vadd.s32 v1, v4;
	_ =	sdelay $0x4  }
0x9c: {  	[hbm4b:s2+s3] =	stream.indirect_vreg.scatter [tilespmem:s10], [sflag:$0x2], $0x80, v4, vm0, $0xb8;
	[tilespmem:$0x9100] =	vst v63  }
0x9d: {  	v3 =	vperm.xlane v3, v2  }
0x9e: {  	[hbm4b:s5+s3] =	stream.indirect_vreg.scatter [tilespmem:s16], [sflag:$0x2], $0x80, v4, vm0, $0xb8;
	[tilespmem:$0x9100] =	vst v63  }
0x9f: {  	v3 =	vadd.s32 v1, v3  }
0xa0: {  	[hbm4b:s6+s3] =	stream.indirect_vreg.scatter [tilespmem:s17], [sflag:$0x2], $0x80, v4, vm0, $0xb8;
	[tilespmem:$0x9100] =	vst v63  }
0xa1: {  	_ = 	snop  }
0xa2: {  	[hbm4b:s7+s3] =	stream.indirect_vreg.scatter [tilespmem:s18], [sflag:$0x2], $0x80, v4, vm0, $0xb8;
	[tilespmem:$0x9100] =	vst v63  }
0xa3: {  	_ = 	snop  }
0xa4: {  	[hbm4b:s2+s3] =	stream.indirect_vreg.scatter [tilespmem:s19], [sflag:$0x2], $0x80, v3, vm0, $0xb8;
	[tilespmem:$0x9100] =	vst v63  }
0xa5: {  	_ = 	snop  }
0xa6: {  	[hbm4b:s5+s3] =	stream.indirect_vreg.scatter [tilespmem:s20], [sflag:$0x2], $0x80, v3, vm0, $0xb8;
	[tilespmem:$0x9100] =	vst v63  }
0xa7: {  	_ = 	snop  }
0xa8: {  	[hbm4b:s6+s3] =	stream.indirect_vreg.scatter [tilespmem:s21], [sflag:$0x2], $0x80, v3, vm0, $0xb8;
	[tilespmem:$0x9100] =	vst v63  }
0xa9: {  	_ = 	snop  }
0xaa: {  	[hbm4b:s7+s3] =	stream.indirect_vreg.scatter [tilespmem:s22], [sflag:$0x2], $0x80, v3, vm0, $0xb8;
	[tilespmem:$0x9100] =	vst v63  }
0xab: {  	_ = 	snop  }
0xac: {  	[hbm4b:s4+s23] =	stream.indirect.scatter [tilespmem:s11], [sflag:$0x2], $0x80, s3, s23, $0xb8;
	[tilespmem:$0x9100] =	vst v63  }
0xad: {  	_ =	swait.ge [sflag:s24], $0x4000  }
0xae: {  	[sflag:s24] =	ssyncset.done $0x0  }
0xaf: {  	[sflag:s24] =	ssyncadd.s32 $0xFFFFC000  }
0xb0: {  	_ =	swait.ge [sflag:s24], $0x800  }
0xb1: {  	[sflag:s24] =	ssyncset.done $0x0  }
0xb2: {  	s0 =	rddreg [dreg:$0x10];
	[sflag:s24] =	ssyncadd.s32 $0xFFFFF800  }
0xb3: {  	[tilespmem:s3], [sflag:$0x1] =	stream.linear.gather [hbm4b:s0+s3], $0x10, $0x38;
	[tilespmem:$0x9100] =	vst v63  }
0xb4: {  	s8 =	rddreg [dreg:$0x11]  }
0xb5: {  	[tilespmem:s10], [sflag:$0x1] =	stream.linear.gather [hbm4b:s8+s3], $0x4000, $0x38;
	[tilespmem:$0x9100] =	vst v63  }
0xb6: {  	s0 =	rddreg [dreg:$0x12]  }
0xb7: {  	[tilespmem:s11], [sflag:$0x1] =	stream.linear.gather [hbm4b:s0+s3], $0x800, $0x38;
	[tilespmem:$0x9100] =	vst v63  }
0xb8: {  	_ =	swait.ge [sflag:s15], $0x10  }
0xb9: {  	[sflag:s15] =	ssyncset.done $0x0  }
0xba: {  	[sflag:s15] =	ssyncadd.s32 $0xFFFFFFF0  }
0xbb: {  	_ =	swait.ge [sflag:s15], $0x4000  }
0xbc: {  	[sflag:s15] =	ssyncset.done $0x0  }
0xbd: {  	[sflag:s15] =	ssyncadd.s32 $0xFFFFC000  }
0xbe: {  	_ =	swait.ge [sflag:s15], $0x800  }
0xbf: {  	[sflag:s15] =	ssyncset.done $0x0  }
0xc0: {  	[sflag:s15] =	ssyncadd.s32 $0xFFFFF800  }
0xc1: {  	v3 =	vld [tilespmem:$0x80];
	_ =	sdelay $0x4  }
0xc2: {  	v59 =	vshll.u32 v3, $0x3  }
0xc3: {  	v3 =	vand.u32 $0x7, v3;
	v4 =	vand.u32 $0xFFFFFFC0, v59  }
0xc4: {  	v3 =	vor.u32 v3, v4  }
0xc5: {  	v4 =	vperm.xlane v3, v0;
	_ =	sdelay $0x1  }
0xc6: {  	v4 =	vadd.s32 v1, v4;
	_ =	sdelay $0x4  }
0xc7: {  	[hbm4b:s2+s3] =	stream.indirect_vreg.scatter [tilespmem:s13], [sflag:$0x2], $0x80, v4, vm0, $0xb8;
	[tilespmem:$0x9100] =	vst v63  }
0xc8: {  	v3 =	vperm.xlane v3, v2  }
0xc9: {  	[hbm4b:s5+s3] =	stream.indirect_vreg.scatter [tilespmem:s25], [sflag:$0x2], $0x80, v4, vm0, $0xb8;
	[tilespmem:$0x9100] =	vst v63  }
0xca: {  	v3 =	vadd.s32 v1, v3  }
0xcb: {  	[hbm4b:s6+s3] =	stream.indirect_vreg.scatter [tilespmem:s26], [sflag:$0x2], $0x80, v4, vm0, $0xb8;
	[tilespmem:$0x9100] =	vst v63  }
0xcc: {  	_ = 	snop  }
0xcd: {  	[hbm4b:s7+s3] =	stream.indirect_vreg.scatter [tilespmem:s28], [sflag:$0x2], $0x80, v4, vm0, $0xb8;
	[tilespmem:$0x9100] =	vst v63  }
0xce: {  	_ = 	snop  }
0xcf: {  	[hbm4b:s2+s3] =	stream.indirect_vreg.scatter [tilespmem:s29], [sflag:$0x2], $0x80, v3, vm0, $0xb8;
	[tilespmem:$0x9100] =	vst v63  }
0xd0: {  	_ = 	snop  }
0xd1: {  	[hbm4b:s5+s3] =	stream.indirect_vreg.scatter [tilespmem:s30], [sflag:$0x2], $0x80, v3, vm0, $0xb8;
	[tilespmem:$0x9100] =	vst v63  }
0xd2: {  	_ = 	snop  }
0xd3: {  	[hbm4b:s6+s3] =	stream.indirect_vreg.scatter [tilespmem:s31], [sflag:$0x2], $0x80, v3, vm0, $0xb8;
	[tilespmem:$0x9100] =	vst v63  }
0xd4: {  	_ = 	snop  }
0xd5: {  	[hbm4b:s7+s3] =	stream.indirect_vreg.scatter [tilespmem:s1], [sflag:$0x2], $0x80, v3, vm0, $0xb8;
	[tilespmem:$0x9100] =	vst v63  }
0xd6: {  	_ = 	snop  }
0xd7: {  	[hbm4b:s4+s23] =	stream.indirect.scatter [tilespmem:s14], [sflag:$0x2], $0x80, s12, s23, $0xb8;
	[tilespmem:$0x9100] =	vst v63  }
0xd8: {  	_ =	swait.ge [sflag:s24], $0x4000  }
0xd9: {  	[sflag:s24] =	ssyncset.done $0x0  }
0xda: {  	[sflag:s24] =	ssyncadd.s32 $0xFFFFC000  }
0xdb: {  	_ =	swait.ge [sflag:s24], $0x800  }
0xdc: {  	[sflag:s24] =	ssyncset.done $0x0  }
0xdd: {  	s0 =	rddreg [dreg:$0x13];
	[sflag:s24] =	ssyncadd.s32 $0xFFFFF800  }
0xde: {  	[tilespmem:s12], [sflag:$0x1] =	stream.linear.gather [hbm4b:s0+s3], $0x10, $0x38;
	[tilespmem:$0x9100] =	vst v63  }
0xdf: {  	s8 =	rddreg [dreg:$0x14]  }
0xe0: {  	[tilespmem:s13], [sflag:$0x1] =	stream.linear.gather [hbm4b:s8+s3], $0x4000, $0x38;
	[tilespmem:$0x9100] =	vst v63  }
0xe1: {  	s0 =	rddreg [dreg:$0x15]  }
0xe2: {  	[tilespmem:s14], [sflag:$0x1] =	stream.linear.gather [hbm4b:s0+s3], $0x800, $0x38;
	[tilespmem:$0x9100] =	vst v63  }
0xe3: {  	_ =	swait.ge [sflag:s15], $0x10  }
0xe4: {  	[sflag:s15] =	ssyncset.done $0x0  }
0xe5: {  	[sflag:s15] =	ssyncadd.s32 $0xFFFFFFF0  }
0xe6: {  	_ =	swait.ge [sflag:s15], $0x4000  }
0xe7: {  	[sflag:s15] =	ssyncset.done $0x0  }
0xe8: {  	[sflag:s15] =	ssyncadd.s32 $0xFFFFC000  }
0xe9: {  	_ =	swait.ge [sflag:s15], $0x800  }
0xea: {  	[sflag:s15] =	ssyncset.done $0x0  }
0xeb: {  	[sflag:s15] =	ssyncadd.s32 $0xFFFFF800  }
0xec: {  	v3 =	vld [tilespmem:$0x0];
	_ =	sdelay $0x4  }
0xed: {  	v60 =	vshll.u32 v3, $0x3  }
0xee: {  	v3 =	vand.u32 $0x7, v3;
	v4 =	vand.u32 $0xFFFFFFC0, v60  }
0xef: {  	v3 =	vor.u32 v3, v4  }
0xf0: {  	v4 =	vperm.xlane v3, v0;
	_ =	sdelay $0x1  }
0xf1: {  	v4 =	vadd.s32 v1, v4;
	_ =	sdelay $0x4  }
0xf2: {  	[hbm4b:s2+s3] =	stream.indirect_vreg.scatter [tilespmem:s10], [sflag:$0x2], $0x80, v4, vm0, $0xb8;
	[tilespmem:$0x9100] =	vst v63  }
0xf3: {  	v3 =	vperm.xlane v3, v2  }
0xf4: {  	[hbm4b:s5+s3] =	stream.indirect_vreg.scatter [tilespmem:s16], [sflag:$0x2], $0x80, v4, vm0, $0xb8;
	[tilespmem:$0x9100] =	vst v63  }
0xf5: {  	v3 =	vadd.s32 v1, v3  }
0xf6: {  	[hbm4b:s6+s3] =	stream.indirect_vreg.scatter [tilespmem:s17], [sflag:$0x2], $0x80, v4, vm0, $0xb8;
	[tilespmem:$0x9100] =	vst v63  }
0xf7: {  	_ = 	snop  }
0xf8: {  	[hbm4b:s7+s3] =	stream.indirect_vreg.scatter [tilespmem:s18], [sflag:$0x2], $0x80, v4, vm0, $0xb8;
	[tilespmem:$0x9100] =	vst v63  }
0xf9: {  	_ = 	snop  }
0xfa: {  	[hbm4b:s2+s3] =	stream.indirect_vreg.scatter [tilespmem:s19], [sflag:$0x2], $0x80, v3, vm0, $0xb8;
	[tilespmem:$0x9100] =	vst v63  }
0xfb: {  	_ = 	snop  }
0xfc: {  	[hbm4b:s5+s3] =	stream.indirect_vreg.scatter [tilespmem:s20], [sflag:$0x2], $0x80, v3, vm0, $0xb8;
	[tilespmem:$0x9100] =	vst v63  }
0xfd: {  	_ = 	snop  }
0xfe: {  	[hbm4b:s6+s3] =	stream.indirect_vreg.scatter [tilespmem:s21], [sflag:$0x2], $0x80, v3, vm0, $0xb8;
	[tilespmem:$0x9100] =	vst v63  }
0xff: {  	_ = 	snop  }
0x100: {  	[hbm4b:s7+s3] =	stream.indirect_vreg.scatter [tilespmem:s22], [sflag:$0x2], $0x80, v3, vm0, $0xb8;
	[tilespmem:$0x9100] =	vst v63  }
0x101: {  	_ = 	snop  }
0x102: {  	[hbm4b:s4+s23] =	stream.indirect.scatter [tilespmem:s11], [sflag:$0x2], $0x80, s3, s23, $0xb8;
	[tilespmem:$0x9100] =	vst v63  }
0x103: {  	_ =	swait.ge [sflag:s24], $0x4000  }
0x104: {  	[sflag:s24] =	ssyncset.done $0x0  }
0x105: {  	[sflag:s24] =	ssyncadd.s32 $0xFFFFC000  }
0x106: {  	_ =	swait.ge [sflag:s24], $0x800  }
0x107: {  	[sflag:s24] =	ssyncset.done $0x0  }
0x108: {  	s0 =	rddreg [dreg:$0x16];
	[sflag:s24] =	ssyncadd.s32 $0xFFFFF800  }
0x109: {  	[tilespmem:s3], [sflag:$0x1] =	stream.linear.gather [hbm4b:s0+s3], $0x10, $0x38;
	[tilespmem:$0x9100] =	vst v63  }
0x10a: {  	s8 =	rddreg [dreg:$0x17]  }
0x10b: {  	[tilespmem:s10], [sflag:$0x1] =	stream.linear.gather [hbm4b:s8+s3], $0x4000, $0x38;
	[tilespmem:$0x9100] =	vst v63  }
0x10c: {  	s0 =	rddreg [dreg:$0x18]  }
0x10d: {  	[tilespmem:s11], [sflag:$0x1] =	stream.linear.gather [hbm4b:s0+s3], $0x800, $0x38;
	[tilespmem:$0x9100] =	vst v63  }
0x10e: {  	_ =	swait.ge [sflag:s15], $0x10  }
0x10f: {  	[sflag:s15] =	ssyncset.done $0x0  }
0x110: {  	[sflag:s15] =	ssyncadd.s32 $0xFFFFFFF0  }
0x111: {  	_ =	swait.ge [sflag:s15], $0x4000  }
0x112: {  	[sflag:s15] =	ssyncset.done $0x0  }
0x113: {  	[sflag:s15] =	ssyncadd.s32 $0xFFFFC000  }
0x114: {  	_ =	swait.ge [sflag:s15], $0x800  }
0x115: {  	[sflag:s15] =	ssyncset.done $0x0  }
0x116: {  	[sflag:s15] =	ssyncadd.s32 $0xFFFFF800  }
0x117: {  	v3 =	vld [tilespmem:$0x80];
	_ =	sdelay $0x4  }
0x118: {  	v61 =	vshll.u32 v3, $0x3  }
0x119: {  	v3 =	vand.u32 $0x7, v3;
	v4 =	vand.u32 $0xFFFFFFC0, v61  }
0x11a: {  	v3 =	vor.u32 v3, v4  }
0x11b: {  	v4 =	vperm.xlane v3, v0;
	_ =	sdelay $0x1  }
0x11c: {  	v4 =	vadd.s32 v1, v4;
	_ =	sdelay $0x4  }
0x11d: {  	[hbm4b:s2+s3] =	stream.indirect_vreg.scatter [tilespmem:s13], [sflag:$0x2], $0x80, v4, vm0, $0xb8;
	[tilespmem:$0x9100] =	vst v63  }
0x11e: {  	v3 =	vperm.xlane v3, v2  }
0x11f: {  	[hbm4b:s5+s3] =	stream.indirect_vreg.scatter [tilespmem:s25], [sflag:$0x2], $0x80, v4, vm0, $0xb8;
	[tilespmem:$0x9100] =	vst v63  }
0x120: {  	v3 =	vadd.s32 v1, v3  }
0x121: {  	[hbm4b:s6+s3] =	stream.indirect_vreg.scatter [tilespmem:s26], [sflag:$0x2], $0x80, v4, vm0, $0xb8;
	[tilespmem:$0x9100] =	vst v63  }
0x122: {  	_ = 	snop  }
0x123: {  	[hbm4b:s7+s3] =	stream.indirect_vreg.scatter [tilespmem:s28], [sflag:$0x2], $0x80, v4, vm0, $0xb8;
	[tilespmem:$0x9100] =	vst v63  }
0x124: {  	_ = 	snop  }
0x125: {  	[hbm4b:s2+s3] =	stream.indirect_vreg.scatter [tilespmem:s29], [sflag:$0x2], $0x80, v3, vm0, $0xb8;
	[tilespmem:$0x9100] =	vst v63  }
0x126: {  	_ = 	snop  }
0x127: {  	[hbm4b:s5+s3] =	stream.indirect_vreg.scatter [tilespmem:s30], [sflag:$0x2], $0x80, v3, vm0, $0xb8;
	[tilespmem:$0x9100] =	vst v63  }
0x128: {  	_ = 	snop  }
0x129: {  	[hbm4b:s6+s3] =	stream.indirect_vreg.scatter [tilespmem:s31], [sflag:$0x2], $0x80, v3, vm0, $0xb8;
	[tilespmem:$0x9100] =	vst v63  }
0x12a: {  	_ = 	snop  }
0x12b: {  	[hbm4b:s7+s3] =	stream.indirect_vreg.scatter [tilespmem:s1], [sflag:$0x2], $0x80, v3, vm0, $0xb8;
	[tilespmem:$0x9100] =	vst v63  }
0x12c: {  	_ = 	snop  }
0x12d: {  	[hbm4b:s4+s23] =	stream.indirect.scatter [tilespmem:s14], [sflag:$0x2], $0x80, s12, s23, $0xb8;
	[tilespmem:$0x9100] =	vst v63  }
0x12e: {  	_ =	swait.ge [sflag:s24], $0x4000  }
0x12f: {  	[sflag:s24] =	ssyncset.done $0x0  }
0x130: {  	[sflag:s24] =	ssyncadd.s32 $0xFFFFC000  }
0x131: {  	_ =	swait.ge [sflag:s24], $0x800  }
0x132: {  	[sflag:s24] =	ssyncset.done $0x0  }
0x133: {  	s0 =	rddreg [dreg:$0x19];
	[sflag:s24] =	ssyncadd.s32 $0xFFFFF800  }
0x134: {  	[tilespmem:s12], [sflag:$0x1] =	stream.linear.gather [hbm4b:s0+s3], $0x10, $0x38;
	[tilespmem:$0x9100] =	vst v63  }
0x135: {  	s8 =	rddreg [dreg:$0x1a]  }
0x136: {  	[tilespmem:s13], [sflag:$0x1] =	stream.linear.gather [hbm4b:s8+s3], $0x4000, $0x38;
	[tilespmem:$0x9100] =	vst v63  }
0x137: {  	s8 =	rddreg [dreg:$0x1b]  }
0x138: {  	[tilespmem:s14], [sflag:$0x1] =	stream.linear.gather [hbm4b:s8+s3], $0x800, $0x38;
	[tilespmem:$0x9100] =	vst v63  }
0x139: {  	_ =	swait.ge [sflag:s15], $0x10  }
0x13a: {  	[sflag:s15] =	ssyncset.done $0x0  }
0x13b: {  	[sflag:s15] =	ssyncadd.s32 $0xFFFFFFF0  }
0x13c: {  	_ =	swait.ge [sflag:s15], $0x4000  }
0x13d: {  	[sflag:s15] =	ssyncset.done $0x0  }
0x13e: {  	[sflag:s15] =	ssyncadd.s32 $0xFFFFC000  }
0x13f: {  	_ =	swait.ge [sflag:s15], $0x800  }
0x140: {  	[sflag:s15] =	ssyncset.done $0x0  }
0x141: {  	[sflag:s15] =	ssyncadd.s32 $0xFFFFF800  }
0x142: {  	v3 =	vld [tilespmem:$0x0];
	_ =	sdelay $0x4  }
0x143: {  	v62 =	vshll.u32 v3, $0x3  }
0x144: {  	v3 =	vand.u32 $0x7, v3;
	v4 =	vand.u32 $0xFFFFFFC0, v62  }
0x145: {  	v3 =	vor.u32 v3, v4  }
0x146: {  	v4 =	vperm.xlane v3, v0;
	_ =	sdelay $0x1  }
0x147: {  	v4 =	vadd.s32 v1, v4;
	_ =	sdelay $0x4  }
0x148: {  	[hbm4b:s2+s3] =	stream.indirect_vreg.scatter [tilespmem:s10], [sflag:$0x2], $0x80, v4, vm0, $0xb8;
	[tilespmem:$0x9100] =	vst v63  }
0x149: {  	v3 =	vperm.xlane v3, v2  }
0x14a: {  	[hbm4b:s5+s3] =	stream.indirect_vreg.scatter [tilespmem:s16], [sflag:$0x2], $0x80, v4, vm0, $0xb8;
	[tilespmem:$0x9100] =	vst v63  }
0x14b: {  	v3 =	vadd.s32 v1, v3  }
0x14c: {  	[hbm4b:s6+s3] =	stream.indirect_vreg.scatter [tilespmem:s17], [sflag:$0x2], $0x80, v4, vm0, $0xb8;
	[tilespmem:$0x9100] =	vst v63  }
0x14d: {  	_ = 	snop  }
0x14e: {  	[hbm4b:s7+s3] =	stream.indirect_vreg.scatter [tilespmem:s18], [sflag:$0x2], $0x80, v4, vm0, $0xb8;
	[tilespmem:$0x9100] =	vst v63  }
0x14f: {  	_ = 	snop  }
0x150: {  	[hbm4b:s2+s3] =	stream.indirect_vreg.scatter [tilespmem:s19], [sflag:$0x2], $0x80, v3, vm0, $0xb8;
	[tilespmem:$0x9100] =	vst v63  }
0x151: {  	_ = 	snop  }
0x152: {  	[hbm4b:s5+s3] =	stream.indirect_vreg.scatter [tilespmem:s20], [sflag:$0x2], $0x80, v3, vm0, $0xb8;
	[tilespmem:$0x9100] =	vst v63  }
0x153: {  	_ = 	snop  }
0x154: {  	[hbm4b:s6+s3] =	stream.indirect_vreg.scatter [tilespmem:s21], [sflag:$0x2], $0x80, v3, vm0, $0xb8;
	[tilespmem:$0x9100] =	vst v63  }
0x155: {  	_ = 	snop  }
0x156: {  	[hbm4b:s7+s3] =	stream.indirect_vreg.scatter [tilespmem:s22], [sflag:$0x2], $0x80, v3, vm0, $0xb8;
	[tilespmem:$0x9100] =	vst v63  }
0x157: {  	_ = 	snop  }
0x158: {  	[hbm4b:s4+s23] =	stream.indirect.scatter [tilespmem:s11], [sflag:$0x2], $0x80, s3, s23, $0xb8;
	[tilespmem:$0x9100] =	vst v63  }
0x159: {  	_ =	swait.ge [sflag:s24], $0x4000  }
0x15a: {  	[sflag:s24] =	ssyncset.done $0x0  }
0x15b: {  	[sflag:s24] =	ssyncadd.s32 $0xFFFFC000  }
0x15c: {  	_ =	swait.ge [sflag:s24], $0x800  }
0x15d: {  	[sflag:s24] =	ssyncset.done $0x0  }
0x15e: {  	[sflag:s24] =	ssyncadd.s32 $0xFFFFF800  }
0x15f: {  	_ =	swait.ge [sflag:s15], $0x10  }
0x160: {  	[sflag:s15] =	ssyncset.done $0x0  }
0x161: {  	[sflag:s15] =	ssyncadd.s32 $0xFFFFFFF0  }
0x162: {  	_ =	swait.ge [sflag:s15], $0x4000  }
0x163: {  	[sflag:s15] =	ssyncset.done $0x0  }
0x164: {  	[sflag:s15] =	ssyncadd.s32 $0xFFFFC000  }
0x165: {  	_ =	swait.ge [sflag:s15], $0x800  }
0x166: {  	[sflag:s15] =	ssyncset.done $0x0  }
0x167: {  	[sflag:s15] =	ssyncadd.s32 $0xFFFFF800  }
0x168: {  	v3 =	vld [tilespmem:$0x80];
	_ =	sdelay $0x4  }
0x169: {  	v63 =	vshll.u32 v3, $0x3  }
0x16a: {  	v3 =	vand.u32 $0x7, v3;
	v4 =	vand.u32 $0xFFFFFFC0, v63  }
0x16b: {  	v3 =	vor.u32 v3, v4  }
0x16c: {  	v4 =	vperm.xlane v3, v0;
	_ =	sdelay $0x1  }
0x16d: {  	v4 =	vadd.s32 v1, v4;
	_ =	sdelay $0x4  }
0x16e: {  	[hbm4b:s2+s3] =	stream.indirect_vreg.scatter [tilespmem:s13], [sflag:$0x2], $0x80, v4, vm0, $0xb8;
	[tilespmem:$0x9100] =	vst v63  }
0x16f: {  	v3 =	vperm.xlane v3, v2  }
0x170: {  	[hbm4b:s5+s3] =	stream.indirect_vreg.scatter [tilespmem:s25], [sflag:$0x2], $0x80, v4, vm0, $0xb8;
	[tilespmem:$0x9100] =	vst v63  }
0x171: {  	v3 =	vadd.s32 v1, v3  }
0x172: {  	[hbm4b:s6+s3] =	stream.indirect_vreg.scatter [tilespmem:s26], [sflag:$0x2], $0x80, v4, vm0, $0xb8;
	[tilespmem:$0x9100] =	vst v63  }
0x173: {  	_ = 	snop  }
0x174: {  	[hbm4b:s7+s3] =	stream.indirect_vreg.scatter [tilespmem:s28], [sflag:$0x2], $0x80, v4, vm0, $0xb8;
	[tilespmem:$0x9100] =	vst v63  }
0x175: {  	_ = 	snop  }
0x176: {  	[hbm4b:s2+s3] =	stream.indirect_vreg.scatter [tilespmem:s29], [sflag:$0x2], $0x80, v3, vm0, $0xb8;
	[tilespmem:$0x9100] =	vst v63  }
0x177: {  	_ = 	snop  }
0x178: {  	[hbm4b:s5+s3] =	stream.indirect_vreg.scatter [tilespmem:s30], [sflag:$0x2], $0x80, v3, vm0, $0xb8;
	[tilespmem:$0x9100] =	vst v63  }
0x179: {  	_ = 	snop  }
0x17a: {  	[hbm4b:s6+s3] =	stream.indirect_vreg.scatter [tilespmem:s31], [sflag:$0x2], $0x80, v3, vm0, $0xb8;
	[tilespmem:$0x9100] =	vst v63  }
0x17b: {  	_ = 	snop  }
0x17c: {  	[hbm4b:s7+s3] =	stream.indirect_vreg.scatter [tilespmem:s1], [sflag:$0x2], $0x80, v3, vm0, $0xb8;
	[tilespmem:$0x9100] =	vst v63  }
0x17d: {  	_ = 	snop  }
0x17e: {  	[hbm4b:s4+s23] =	stream.indirect.scatter [tilespmem:s14], [sflag:$0x2], $0x80, s12, s23, $0xb8;
	[tilespmem:$0x9100] =	vst v63  }
0x17f: {  	p0 =	sne.s32 s9, $0x1;
	_ =	swait.ge [sflag:s24], $0x4000  }
.Ltmp0:
0x180: {  	[sflag:s24] =	ssyncset.done $0x0;
	(pc) =	sbr.rel @p0 .LBB2_1-.Ltmp0, $4  }
0x181: {  	[sflag:s24] =	ssyncadd.s32 $0xFFFFC000  }
0x182: {  	_ =	swait.ge [sflag:s24], $0x800  }
0x183: {  	[sflag:s24] =	ssyncset.done $0x0  }
0x184: {  	s9 =	sadd.s32 $0xFFFFFFFF, s9;
	[sflag:s24] =	ssyncadd.s32 $0xFFFFF800  }
0x185: {  	_ =	sfence.sel $0x180000  }
0x186: {  	[bflag:$0x0] =	sbarrier.arrive $0xFFFF  }
0x187: {  	_ =	strace $0x90000047  }
0x188: {  	s0 =	stileid.u32;
	[bflag:$0x2] =	sbarrier.arrive $0xFFFF  }
0x189: {  	p0 =	sne.s32 s0, $0x0;
	s0 =	rddreg [dreg:$0x3]  }
0x18a: {  	s0 =	sadd.s32 @!p0 $0x100000, s0  }
0x18b: {  	[sflag:s0] =	ssyncadd.tile.s32 @!p0 $0x1;
	_ =	shalt  }
.Lfunc_end2:
_tile_overlayer_lowered:
.L_overlay_start_2:
0x18c: {  	(tag) =	ssettag $0x2  }
0x18d: {  	s0 =	rddreg [dreg:$0x0];
	s2 =	stileid.u32  }
0x18e: {  	s1 =	rddreg [dreg:$0x1];
	p0 =	sne.s32 s2, $0x0  }
0x18f: {  	s3 =	rddreg [dreg:$0x2];
	[bflag:$0x3] =	sbarrier.arrive $0xFFFF;
	s2 =	simm.s32 @!p0 $0x1C03  }
0x190: {  	[timem:s3], [sflag:s2] =	dma.local @!p0 [hbm:s0], s1  }
0x191: {  	s0 =	simm.s32 @!p0 $0x3  }
0x192: {  	_ =	swait.ge @!p0 [sflag:s0], s1  }
0x193: {  	s1 =	ssub.s32 @!p0 $0x0, s1;
	[sflag:s0] =	ssyncset.done @!p0 $0x0  }
0x194: {  	[sflag:s0] =	ssyncadd.s32 @!p0 s1  }
0x195: {  	[bflag:$0x3] =	sbarrier.arrive $0xFFFF  }
0x196: {  	_ =	shalt  }

// kernel: kernel.9.cloned.1.call-start
scs
__scs_entry_jumppad:
0x0: {  	(pc) =	sbr.rel $0x88, $3  }
0x1: {  	(tag) =	ssettag $0x0;
	lr =	simm.s32 $0x1  }
0x2: {  	[smem:$0x3F99] =	sst lr;
	_ =	strace $0xD0000000  }
0x3: {  	_ = 	snop  }
0x4: {  	_ = 	snop  }
0x5: {  	_ = 	snop  }
0x6: {  	_ = 	snop  }
0x7: {  	_ = 	snop  }
__scs_overlays_trampoline_lowered:
0x8: {  	[smem:$0x3FA8] =	sst s0  }
0x9: {  	[smem:$0x3FA9] =	sst s1  }
0xa: {  	[smem:$0x3FAA] =	sst s2  }
0xb: {  	[smem:$0x3FAB] =	sst s3  }
0xc: {  	[smem:$0x3FAC] =	sst s4  }
0xd: {  	[smem:$0x3FAD] =	sst s5  }
0xe: {  	[smem:$0x3FAE] =	sst s6  }
0xf: {  	[smem:$0x3FAF] =	sst s7  }
0x10: {  	[smem:$0x3FB0] =	sst s8  }
0x11: {  	[smem:$0x3FB1] =	sst s9;
	s0 =	simm.s32 @!p0 $0x0  }
0x12: {  	s1 =	sld [smem:$0x3F97];
	s0 =	simm.s32 @p0 $0x1  }
0x13: {  	[smem:$0x3FB2] =	sst s0;
	s0 =	simm.s32 @!p1 $0x0  }
0x14: {  	s2 =	sld [smem:$0x3F96];
	s0 =	simm.s32 @p1 $0x1  }
0x15: {  	[smem:$0x3FB3] =	sst s0;
	s0 =	simm.s32 @!p2 $0x0  }
0x16: {  	s3 =	sld [smem:$0x3FDB];
	s0 =	simm.s32 @p2 $0x1  }
0x17: {  	s4 =	simm.s32 $0x1BF5;
	[smem:$0x3FB5] =	sst s0  }
0x18: {  	s0 =	sld [smem:$0x3F98];
	_ =	swait.ge [sflag:s4], $0x0  }
0x19: {  	s7 =	sld [smem:$0x3F99]  }
0x1a: {  	s8 =	sadd.s32 $0xFFFFE003, lr  }
0x1b: {  	s9 =	sadd.s32 $0xFFFFFEF7, lr;
	s5 =	simm.s32 $0xFFFFFFFF;
	p2 =	slt.u32 s8, $0xFFFFF086  }
0x1c: {  	p1 =	slt.u32 s9, $0xF7A;
	s5 =	simm.s32 @!p2 $0x0  }
0x1d: {  	s5 =	simm.s32 @p1 $0x1;
	p0 =	seq.s32 s7, s2  }
0x1e: {  	s7 =	smul.u32 @!p0 $0xF7A, s2;
	p2 =	seq.s32 @!p0 s5, $0x0  }
0x1f: {  	s9 =	smul.u32 $0xF7A, s1;
	s8 =	simm.s32 @!p0 $0x1BF5;
	p2 =	por !p2, p0  }
0x20: {  	[sflag:s8] =	ssyncset.s32 @!p0 $0xFFFFF086;
	s6 =	sadd.s32 @!p0 s3, s7;
	s7 =	simm.s32 @!p0 $0x108  }
0x21: {  	s3 =	sadd.s32 s3, s9;
	s6 =	sadd.s32 @!p0 $0x88, s6;
	s7 =	simm.s32 @p2 $0x1082  }
0x22: {  	[simem:s7], [sflag:s8] =	dma.local @!p0 [hbm:s6], $0xF7A  }
0x23: {  	s9 =	sor.u32 $0xD0000000, s2;
	s6 =	simm.s32 $0x108;
	_ =	swait.ge @!p0 [sflag:s8], $0x0  }
0x24: {  	s3 =	sadd.s32 $0x88, s3;
	s6 =	simm.s32 @!p1 $0x1082;
	[sflag:s4] =	ssyncset.s32 $0xFFFFF086  }
0x25: {  	[simem:s6], [sflag:s4] =	dma.local [hbm:s3], $0xF7A  }
0x26: {  	[smem:$0x3F99] =	sst s1;
	(tag) =	ssettag s2;
	_ =	strace s9  }
0x27: {  	s1 =	sld [smem:$0x3FA9]  }
0x28: {  	s2 =	sld [smem:$0x3FAA]  }
0x29: {  	s4 =	sld [smem:$0x3FAC]  }
0x2a: {  	p0 =	seq.s32 s5, $0x0;
	s5 =	sld [smem:$0x3FAD]  }
0x2b: {  	s6 =	sld [smem:$0x3FAE]  }
0x2c: {  	s7 =	sld [smem:$0x3FAF]  }
0x2d: {  	s3 =	simm.s32 $0x108;
	s8 =	sld [smem:$0x3FB0]  }
0x2e: {  	s3 =	simm.s32 @!p0 $0x1082;
	s9 =	sld [smem:$0x3FB1]  }
0x2f: {  	lr =	sadd.s32 s0, s3;
	s0 =	sld [smem:$0x3FA8]  }
0x30: {  	s3 =	sld [smem:$0x3FAB]  }
0x31: {  	[smem:$0x3FB4] =	sst s10  }
0x32: {  	s10 =	sld [smem:$0x3FB2];
	_ =	sdelay $0x3  }
0x33: {  	p0 =	seq.s32 s10, $0x1;
	s10 =	sld [smem:$0x3FB4];
	_ =	sdelay $0x3  }
0x34: {  	[smem:$0x3FB4] =	sst s10  }
0x35: {  	s10 =	sld [smem:$0x3FB3];
	_ =	sdelay $0x3  }
0x36: {  	p1 =	seq.s32 s10, $0x1;
	s10 =	sld [smem:$0x3FB4];
	_ =	sdelay $0x3  }
0x37: {  	[smem:$0x3FB4] =	sst s10  }
0x38: {  	s10 =	sld [smem:$0x3FB5]  }
0x39: {  	_ = 	snop;
	(pc) =	sbr.ind lr, $3  }
0x3a: {  	_ = 	snop  }
0x3b: {  	_ = 	snop  }
0x3c: {  	p2 =	seq.s32 s10, $0x1;
	s10 =	sld [smem:$0x3FB4]  }
0x3d: {  	_ =	shalt  }
0x3e: {  	_ =	shalt  }
0x3f: {  	_ =	shalt  }
0x40: {  	_ =	shalt  }
0x41: {  	_ =	shalt  }
0x42: {  	_ =	shalt  }
0x43: {  	_ =	shalt  }
0x44: {  	_ =	shalt  }
0x45: {  	_ =	shalt  }
0x46: {  	_ =	shalt  }
0x47: {  	_ =	shalt  }
0x48: {  	_ =	shalt  }
0x49: {  	_ =	shalt  }
0x4a: {  	_ =	shalt  }
0x4b: {  	_ =	shalt  }
0x4c: {  	_ =	shalt  }
0x4d: {  	_ =	shalt  }
0x4e: {  	_ =	shalt  }
0x4f: {  	_ =	shalt  }
0x50: {  	_ =	shalt  }
0x51: {  	_ =	shalt  }
0x52: {  	_ =	shalt  }
0x53: {  	_ =	shalt  }
0x54: {  	_ =	shalt  }
0x55: {  	_ =	shalt  }
0x56: {  	_ =	shalt  }
0x57: {  	_ =	shalt  }
0x58: {  	_ =	shalt  }
0x59: {  	_ =	shalt  }
0x5a: {  	_ =	shalt  }
0x5b: {  	_ =	shalt  }
0x5c: {  	_ =	shalt  }
0x5d: {  	_ =	shalt  }
0x5e: {  	_ =	shalt  }
0x5f: {  	_ =	shalt  }
0x60: {  	_ =	shalt  }
0x61: {  	_ =	shalt  }
0x62: {  	_ =	shalt  }
0x63: {  	_ =	shalt  }
0x64: {  	_ =	shalt  }
0x65: {  	_ =	shalt  }
0x66: {  	_ =	shalt  }
0x67: {  	_ =	shalt  }
0x68: {  	_ =	shalt  }
0x69: {  	_ =	shalt  }
0x6a: {  	_ =	shalt  }
0x6b: {  	_ =	shalt  }
0x6c: {  	_ =	shalt  }
0x6d: {  	_ =	shalt  }
0x6e: {  	_ =	shalt  }
0x6f: {  	_ =	shalt  }
0x70: {  	_ =	shalt  }
0x71: {  	_ =	shalt  }
0x72: {  	_ =	shalt  }
0x73: {  	_ =	shalt  }
0x74: {  	_ =	shalt  }
0x75: {  	_ =	shalt  }
0x76: {  	_ =	shalt  }
0x77: {  	_ =	shalt  }
0x78: {  	_ =	shalt  }
0x79: {  	_ =	shalt  }
0x7a: {  	_ =	shalt  }
0x7b: {  	_ =	shalt  }
0x7c: {  	_ =	shalt  }
0x7d: {  	_ =	shalt  }
0x7e: {  	_ =	shalt  }
0x7f: {  	_ =	shalt  }
0x80: {  	_ =	shalt  }
0x81: {  	_ =	shalt  }
0x82: {  	_ =	shalt  }
0x83: {  	_ =	shalt  }
0x84: {  	_ =	shalt  }
0x85: {  	_ =	shalt  }
0x86: {  	_ =	shalt  }
0x87: {  	_ =	shalt  }
.Lfunc_end0:
.L_simem_size_0:
called_computation.1_lowered:
.L_overlay_start_0:
0x88: {  	s2 =	sld [smem:$0x3FD9]  }
0x89: {  	s3 =	sld [smem:$0x3FFE];
	_ =	sdelay $0x1  }
0x8a: {  	s1 =	srdreg.scid  }
0x8b: {  	s0 =	sand.u32 $0x1, s1  }
0x8c: {  	s17 =	sshll.u32 s0, $0xA;
	s2 =	sadd.s32 s3, s2  }
0x8d: {  	s2 =	sadd.s32 s2, s17  }
0x8e: {  	[smem:$0x3FC0] =	sst s2  }
0x8f: {  	_ = 	snop  }
0x90: {  	s2 =	sld [smem:$0x3FD0];
	(tm) =	ssettm $0x1  }
0x91: {  	s18 =	sld [smem:$0x3FFB];
	_ =	sdelay $0x3  }
0x92: {  	_ =	strace s18  }
0x93: {  	s3 =	sld [smem:$0x3FFC];
	_ =	sdelay $0x3  }
0x94: {  	_ =	strace s3  }
0x95: {  	s3 =	sld [smem:$0x3FFD];
	_ =	sdelay $0x3  }
0x96: {  	_ =	strace s3  }
0x97: {  	_ =	strace $0x8FFFFFFF  }
0x98: {  	s19 =	sld [smem:$0x3FDB];
	_ =	sdelay $0x1  }
0x99: {  	s4 =	simm.s32 $_scs_section_size  }
0x9a: {  	s5 =	simm.s32 $_size__tile_overlayer_lowered;
	s6 =	simm.s32 $_tile_overlayer_lowered  }
0x9b: {  	s22 =	simm.s32 $0x1BFF;
	s21 =	sshll.u32 s6, $0x1;
	s3 =	sadd.s32 s4, s19  }
0x9c: {  	s7 =	simm.s32 $0x0;
	s20 =	sshll.u32 s5, $0x1;
	s5 =	sadd.s32 s21, s3  }
0x9d: {  	[timem:s7], [sflag:s22] =	dma.local [hbm:s5], s20  }
0x9e: {  	_ =	swait.ge [sflag:s22], s20  }
0x9f: {  	s4 =	ssub.s32 $0x0, s20;
	[sflag:s22] =	ssyncset.done $0x0  }
0xa0: {  	[sflag:s22] =	ssyncadd.s32 s4;
	_ =	sdelay $0x1  }
0xa1: {  	s23 =	simm.s32 $0x1B8B  }
0xa2: {  	_ =	swait.ge [sflag:s23], $0x1  }
0xa3: {  	[sflag:s23] =	ssyncset.done $0x0  }
0xa4: {  	s25 =	simm.s32 $0x1B8E;
	s24 =	sld [smem:$0x3FFE];
	[sflag:s23] =	ssyncadd.s32 $0xFFFFFFFF  }
0xa5: {  	s26 =	simm.s32 $execute0_lowered;
	[smem:$0x3FD2] =	sst s25  }
0xa6: {  	s5 =	sshll.u32 s26, $0x1;
	_ =	strace $0x80000049;
	[dreg:$0x1] =	wrdreg $0xFFFFFFFF  }
0xa7: {  	s28 =	simm.s32 $_size_execute0_lowered;
	s3 =	sadd.s32 s3, s5;
	[dreg:$0x0] =	wrdreg $0x0  }
0xa8: {  	s5 =	sshll.u32 s28, $0x1;
	[dreg:$0x2] =	wrdreg s3  }
0xa9: {  	[dreg:$0x3] =	wrdreg s5  }
0xaa: {  	[dreg:$0x4] =	wrdreg $0xC0  }
0xab: {  	_ =	task [dreg:s7], $0x5FFFF  }
0xac: {  	[dreg:$0x1] =	wrdreg $0xFFFFFFFF  }
0xad: {  	[dreg:$0x0] =	wrdreg $0x60  }
0xae: {  	[dreg:$0x2] =	wrdreg s24  }
0xaf: {  	[dreg:$0x3] =	wrdreg s2  }
0xb0: {  	[dreg:$0x4] =	wrdreg $0x9  }
0xb1: {  	_ =	task.clear_ibuf [dreg:s7], $0x5FFFF;
	_ =	strace $0x90000049  }
0xb2: {  	s29 =	simm.s32 $0x9;
	_ =	strace $0x8000004B  }
0xb3: {  	_ =	swait.ge [sflag:s29], $0x1  }
0xb4: {  	[sflag:s29] =	ssyncadd.s32 $0xFFFFFFFF  }
0xb5: {  	_ =	strace $0x9000004B  }
0xb6: {  	_ =	sfence  }
0xb7: {  	s30 =	sld [smem:$0x0];
	_ =	sdelay $0x2  }
0xb8: {  	s31 =	sshll.u32 s1, $0xD;
	s1 =	sshrl.u32 s1, $0x2  }
0xb9: {  	s3 =	sand.u32 $0x4000, s31;
	s1 =	sadd.s32 s1, s30  }
0xba: {  	s0 =	sor.u32 s3, s0;
	s1 =	sshll.u32 s1, $0x11  }
0xbb: {  	s0 =	sor.u32 s1, s0  }
0xbc: {  	s0 =	sadd.s32 $0x8F2B, s0  }
0xbd: {  	[sflag:s0] =	ssyncadd.remote.s32 $0x1  }
0xbe: {  	_ =	sfence.sel $0xFFFF  }
0xbf: {  	[dreg:$0x0] =	wrdreg $0xFFFFFFFF;
	(pc) =	sbr.abs _section_cstart, $3  }
0xc0: {  	[dreg:$0x1] =	wrdreg $0xFFFFFFFF  }
0xc1: {  	_ =	task.clear_ibuf [dreg:s7], $0x2FFFF;
	_ =	strace $0x9FFFFFFF  }
0xc2: {  	(tm) =	ssettm $0x7FFFFFFF  }
0xc3: {  	_ =	shalt  }
tec
execute0_lowered:
.L_overlay_start_1:
0x0: {  	(tag) =	ssettag $0x1  }
0x1: {  	s0 =	rddreg [dreg:$0x0]  }
0x2: {  	s1 =	rddreg [dreg:$0x1];
	s2 =	simm.s32 $0x0  }
0x3: {  	s3 =	srdreg.scid;
	s5 =	stileid.u32;
	s28 =	simm.s32 $0x2100  }
0x4: {  	s29 =	simm.s32 $0x2900;
	s30 =	simm.s32 $0x3100;
	s31 =	simm.s32 $0x3900  }
0x5: {  	s11 =	simm.s32 $0x5900;
	s12 =	simm.s32 $0x6100;
	s13 =	simm.s32 $0x6900  }
0x6: {  	s14 =	simm.s32 $0x7100;
	s15 =	simm.s32 $0x7900;
	s16 =	simm.s32 $0x8900  }
0x7: {  	[smem:$0x7FF] =	sst s2;
	s4 =	sand.u32 $0x1, s3;
	s5 =	sshll.u32 s5, $0x8  }
0x8: {  	s3 =	sadd.s32 $0x11800, s0;
	s7 =	sadd.s32 $0x11600, s0;
	s6 =	sshll.u32 s4, $0x7  }
0x9: {  	_ =	strace $0x8000004A;
	s4 =	ssub.s32 $0x2, s4;
	s5 =	sor.u32 s6, s5  }
0xa: {  	s9 =	sshrl.u32 s4, $0x1;
	s6 =	sshrl.u32 s5, $0x3;
	s8 =	sor.u32 $0x20, s5  }
0xb: {  	s18 =	sshll.u32 s5, $0x7;
	s20 =	sor.u32 $0x40, s5;
	s9 =	ssub.s32 s4, s9  }
0xc: {  	s5 =	sor.u32 $0x60, s5;
	s6 =	sadd.s32 s7, s6;
	s10 =	sshrl.u32 s8, $0x3  }
0xd: {  	s19 =	sadd.s32 s1, s18;
	s21 =	sshrl.u32 s20, $0x3;
	s22 =	sshll.u32 s8, $0x7  }
0xe: {  	s24 =	sshrl.u32 s5, $0x3;
	s26 =	sshll.u32 s20, $0x7;
	s5 =	sshll.u32 s5, $0x7  }
0xf: {  	s8 =	simm.s32 $0x5100;
	s18 =	simm.s32 $0x9900;
	[dreg:$0x3] =	wrdreg s6  }
0x10: {  	s17 =	sadd.s32 s7, s10;
	[dreg:$0x5] =	wrdreg s19;
	s4 =	sadd.s32 s7, s21  }
0x11: {  	s23 =	sadd.s32 s1, s22;
	s25 =	sadd.s32 s7, s24;
	s6 =	sadd.s32 s1, s26  }
0x12: {  	s1 =	sadd.s32 s1, s5;
	s5 =	sadd.s32 $0x11A00, s0;
	[dreg:$0x4] =	wrdreg s17  }
0x13: {  	s7 =	smax.u32 s9, $0x1;
	s9 =	simm.s32 $0x1;
	[dreg:$0x6] =	wrdreg s4  }
0x14: {  	s19 =	simm.s32 $0x2;
	s22 =	simm.s32 $0x80;
	[dreg:$0x7] =	wrdreg s23  }
0x15: {  	s26 =	simm.s32 $0x100;
	s24 =	simm.s32 $0x1100;
	[dreg:$0x8] =	wrdreg s25  }
0x16: {  	v2 =	vlaneseq.u32;
	s10 =	simm.s32 $0x4100;
	s4 =	sadd.s32 $0x11900, s0;
	[dreg:$0x9] =	wrdreg s6  }
0x17: {  	vm0 =	vmmov $0xffff;
	v1 =	vshrl.u32 v2, $0x3;
	s6 =	sadd.s32 $0x11B00, s0;
	[dreg:$0xa] =	wrdreg s1;
	s23 =	simm.s32 $0x900  }
0x18: {  	v0 =	vand.u32 $0x7, v2;
	v2 =	vor.u32 $0x8, v2;
	v1 =	vmul.u32 $0x8, v1;
	s25 =	simm.s32 $0x1900;
	s0 =	simm.s32 $0x8100;
	s17 =	simm.s32 $0x9100  }
.LBB2_1:
0x19: {  	s20 =	rddreg [dreg:$0x3]  }
0x1a: {  	[tilespmem:s2], [sflag:$0x1] =	stream.linear.gather [hbm4b:s20+s2], $0x20, $0x38;
	[tilespmem:$0x10100] =	vst v63  }
0x1b: {  	s21 =	rddreg [dreg:$0x4]  }
0x1c: {  	[tilespmem:s22], [sflag:$0x1] =	stream.linear.gather [hbm4b:s21+s2], $0x20, $0x38;
	[tilespmem:$0x10100] =	vst v63  }
0x1d: {  	_ =	swait.ge [sflag:s9], $0x20  }
0x1e: {  	[sflag:s9] =	ssyncset.done $0x0  }
0x1f: {  	[sflag:s9] =	ssyncadd.s32 $0xFFFFFFE0  }
0x20: {  	v3 =	vld [tilespmem:$0x0];
	_ =	sdelay $0x4  }
0x21: {  	v4 =	vshll.u32 v3, $0x3  }
0x22: {  	v3 =	vand.u32 $0x7, v3;
	v4 =	vand.u32 $0xFFFFFFC0, v4  }
0x23: {  	v3 =	vor.u32 v3, v4  }
0x24: {  	v4 =	vperm.xlane v3, v0;
	_ =	sdelay $0x1  }
0x25: {  	v4 =	vadd.s32 v1, v4;
	_ =	sdelay $0x4  }
0x26: {  	[tilespmem:s26], [sflag:$0x1] =	stream.indirect_vreg.gather [hbm4b:s3+s2], $0x80, v4, vm0, $0xb8;
	[tilespmem:$0x10100] =	vst v63  }
0x27: {  	v3 =	vperm.xlane v3, v2  }
0x28: {  	[tilespmem:s23], [sflag:$0x1] =	stream.indirect_vreg.gather [hbm4b:s4+s2], $0x80, v4, vm0, $0xb8;
	[tilespmem:$0x10100] =	vst v63  }
0x29: {  	v3 =	vadd.s32 v1, v3  }
0x2a: {  	[tilespmem:s24], [sflag:$0x1] =	stream.indirect_vreg.gather [hbm4b:s5+s2], $0x80, v4, vm0, $0xb8;
	[tilespmem:$0x10100] =	vst v63  }
0x2b: {  	_ = 	snop  }
0x2c: {  	[tilespmem:s25], [sflag:$0x1] =	stream.indirect_vreg.gather [hbm4b:s6+s2], $0x80, v4, vm0, $0xb8;
	[tilespmem:$0x10100] =	vst v63  }
0x2d: {  	_ = 	snop  }
0x2e: {  	[tilespmem:s28], [sflag:$0x1] =	stream.indirect_vreg.gather [hbm4b:s3+s2], $0x80, v3, vm0, $0xb8;
	[tilespmem:$0x10100] =	vst v63  }
0x2f: {  	_ = 	snop  }
0x30: {  	[tilespmem:s29], [sflag:$0x1] =	stream.indirect_vreg.gather [hbm4b:s4+s2], $0x80, v3, vm0, $0xb8;
	[tilespmem:$0x10100] =	vst v63  }
0x31: {  	_ = 	snop  }
0x32: {  	[tilespmem:s30], [sflag:$0x1] =	stream.indirect_vreg.gather [hbm4b:s5+s2], $0x80, v3, vm0, $0xb8;
	[tilespmem:$0x10100] =	vst v63  }
0x33: {  	_ = 	snop  }
0x34: {  	[tilespmem:s31], [sflag:$0x1] =	stream.indirect_vreg.gather [hbm4b:s6+s2], $0x80, v3, vm0, $0xb8;
	[tilespmem:$0x10100] =	vst v63  }
0x35: {  	v3 =	vld [tilespmem:$0x10];
	_ =	sdelay $0x4  }
0x36: {  	v57 =	vshll.u32 v3, $0x3  }
0x37: {  	v3 =	vand.u32 $0x7, v3;
	v4 =	vand.u32 $0xFFFFFFC0, v57  }
0x38: {  	v3 =	vor.u32 v3, v4  }
0x39: {  	v4 =	vperm.xlane v3, v0;
	_ =	sdelay $0x1  }
0x3a: {  	v4 =	vadd.s32 v1, v4;
	_ =	sdelay $0x4  }
0x3b: {  	[tilespmem:s10], [sflag:$0x1] =	stream.indirect_vreg.gather [hbm4b:s3+s2], $0x80, v4, vm0, $0xb8;
	[tilespmem:$0x10100] =	vst v63  }
0x3c: {  	s1 =	simm.s32 $0x4900;
	v3 =	vperm.xlane v3, v2  }
0x3d: {  	[tilespmem:s1], [sflag:$0x1] =	stream.indirect_vreg.gather [hbm4b:s4+s2], $0x80, v4, vm0, $0xb8;
	[tilespmem:$0x10100] =	vst v63  }
0x3e: {  	v3 =	vadd.s32 v1, v3  }
0x3f: {  	[tilespmem:s8], [sflag:$0x1] =	stream.indirect_vreg.gather [hbm4b:s5+s2], $0x80, v4, vm0, $0xb8;
	[tilespmem:$0x10100] =	vst v63  }
0x40: {  	_ = 	snop  }
0x41: {  	[tilespmem:s11], [sflag:$0x1] =	stream.indirect_vreg.gather [hbm4b:s6+s2], $0x80, v4, vm0, $0xb8;
	[tilespmem:$0x10100] =	vst v63  }
0x42: {  	_ = 	snop  }
0x43: {  	[tilespmem:s12], [sflag:$0x1] =	stream.indirect_vreg.gather [hbm4b:s3+s2], $0x80, v3, vm0, $0xb8;
	[tilespmem:$0x10100] =	vst v63  }
0x44: {  	_ = 	snop  }
0x45: {  	[tilespmem:s13], [sflag:$0x1] =	stream.indirect_vreg.gather [hbm4b:s4+s2], $0x80, v3, vm0, $0xb8;
	[tilespmem:$0x10100] =	vst v63  }
0x46: {  	_ = 	snop  }
0x47: {  	[tilespmem:s14], [sflag:$0x1] =	stream.indirect_vreg.gather [hbm4b:s5+s2], $0x80, v3, vm0, $0xb8;
	[tilespmem:$0x10100] =	vst v63  }
0x48: {  	_ = 	snop  }
0x49: {  	[tilespmem:s15], [sflag:$0x1] =	stream.indirect_vreg.gather [hbm4b:s6+s2], $0x80, v3, vm0, $0xb8;
	[tilespmem:$0x10100] =	vst v63  }
0x4a: {  	_ =	swait.ge [sflag:s9], $0x8000  }
0x4b: {  	[sflag:s9] =	ssyncset.done $0x0  }
0x4c: {  	s20 =	rddreg [dreg:$0x5];
	[sflag:s9] =	ssyncadd.s32 $0xFFFF8000  }
0x4d: {  	[hbm4b:s20+s2] =	stream.linear.scatter [tilespmem:s26], [sflag:$0x2], $0x8000, $0x38;
	[tilespmem:$0x10100] =	vst v63  }
0x4e: {  	s21 =	rddreg [dreg:$0x6]  }
0x4f: {  	[tilespmem:s2], [sflag:$0x1] =	stream.linear.gather [hbm4b:s21+s2], $0x20, $0x38;
	[tilespmem:$0x10100] =	vst v63  }
0x50: {  	_ =	swait.ge [sflag:s9], $0x20  }
0x51: {  	[sflag:s9] =	ssyncset.done $0x0  }
0x52: {  	[sflag:s9] =	ssyncadd.s32 $0xFFFFFFE0  }
0x53: {  	v3 =	vld [tilespmem:$0x80];
	_ =	sdelay $0x4  }
0x54: {  	v58 =	vshll.u32 v3, $0x3  }
0x55: {  	v3 =	vand.u32 $0x7, v3;
	v4 =	vand.u32 $0xFFFFFFC0, v58  }
0x56: {  	v3 =	vor.u32 v3, v4  }
0x57: {  	v4 =	vperm.xlane v3, v0;
	_ =	sdelay $0x1  }
0x58: {  	v4 =	vadd.s32 v1, v4;
	_ =	sdelay $0x4  }
0x59: {  	[tilespmem:s0], [sflag:$0x1] =	stream.indirect_vreg.gather [hbm4b:s3+s2], $0x80, v4, vm0, $0xb8;
	[tilespmem:$0x10100] =	vst v63  }
0x5a: {  	v3 =	vperm.xlane v3, v2  }
0x5b: {  	[tilespmem:s16], [sflag:$0x1] =	stream.indirect_vreg.gather [hbm4b:s4+s2], $0x80, v4, vm0, $0xb8;
	[tilespmem:$0x10100] =	vst v63  }
0x5c: {  	v3 =	vadd.s32 v1, v3  }
0x5d: {  	[tilespmem:s17], [sflag:$0x1] =	stream.indirect_vreg.gather [hbm4b:s5+s2], $0x80, v4, vm0, $0xb8;
	[tilespmem:$0x10100] =	vst v63  }
0x5e: {  	_ = 	snop  }
0x5f: {  	[tilespmem:s18], [sflag:$0x1] =	stream.indirect_vreg.gather [hbm4b:s6+s2], $0x80, v4, vm0, $0xb8;
	[tilespmem:$0x10100] =	vst v63  }
0x60: {  	s21 =	simm.s32 $0xA100  }
0x61: {  	[tilespmem:s21], [sflag:$0x1] =	stream.indirect_vreg.gather [hbm4b:s3+s2], $0x80, v3, vm0, $0xb8;
	[tilespmem:$0x10100] =	vst v63  }
0x62: {  	s21 =	simm.s32 $0xA900  }
0x63: {  	[tilespmem:s21], [sflag:$0x1] =	stream.indirect_vreg.gather [hbm4b:s4+s2], $0x80, v3, vm0, $0xb8;
	[tilespmem:$0x10100] =	vst v63  }
0x64: {  	s21 =	simm.s32 $0xB100  }
0x65: {  	[tilespmem:s21], [sflag:$0x1] =	stream.indirect_vreg.gather [hbm4b:s5+s2], $0x80, v3, vm0, $0xb8;
	[tilespmem:$0x10100] =	vst v63  }
0x66: {  	s21 =	simm.s32 $0xB900  }
0x67: {  	[tilespmem:s21], [sflag:$0x1] =	stream.indirect_vreg.gather [hbm4b:s6+s2], $0x80, v3, vm0, $0xb8;
	[tilespmem:$0x10100] =	vst v63  }
0x68: {  	v3 =	vld [tilespmem:$0x90];
	_ =	sdelay $0x4  }
0x69: {  	v59 =	vshll.u32 v3, $0x3  }
0x6a: {  	v3 =	vand.u32 $0x7, v3;
	v4 =	vand.u32 $0xFFFFFFC0, v59  }
0x6b: {  	v3 =	vor.u32 v3, v4  }
0x6c: {  	v4 =	vperm.xlane v3, v0;
	_ =	sdelay $0x1  }
0x6d: {  	v4 =	vadd.s32 v1, v4;
	_ =	sdelay $0x3  }
0x6e: {  	s21 =	simm.s32 $0xC100  }
0x6f: {  	[tilespmem:s21], [sflag:$0x1] =	stream.indirect_vreg.gather [hbm4b:s3+s2], $0x80, v4, vm0, $0xb8;
	[tilespmem:$0x10100] =	vst v63  }
0x70: {  	v3 =	vperm.xlane v3, v2;
	s21 =	simm.s32 $0xC900  }
0x71: {  	[tilespmem:s21], [sflag:$0x1] =	stream.indirect_vreg.gather [hbm4b:s4+s2], $0x80, v4, vm0, $0xb8;
	[tilespmem:$0x10100] =	vst v63  }
0x72: {  	v3 =	vadd.s32 v1, v3;
	s21 =	simm.s32 $0xD100  }
0x73: {  	[tilespmem:s21], [sflag:$0x1] =	stream.indirect_vreg.gather [hbm4b:s5+s2], $0x80, v4, vm0, $0xb8;
	[tilespmem:$0x10100] =	vst v63  }
0x74: {  	s21 =	simm.s32 $0xD900  }
0x75: {  	[tilespmem:s21], [sflag:$0x1] =	stream.indirect_vreg.gather [hbm4b:s6+s2], $0x80, v4, vm0, $0xb8;
	[tilespmem:$0x10100] =	vst v63  }
0x76: {  	s21 =	simm.s32 $0xE100  }
0x77: {  	[tilespmem:s21], [sflag:$0x1] =	stream.indirect_vreg.gather [hbm4b:s3+s2], $0x80, v3, vm0, $0xb8;
	[tilespmem:$0x10100] =	vst v63  }
0x78: {  	s21 =	simm.s32 $0xE900  }
0x79: {  	[tilespmem:s21], [sflag:$0x1] =	stream.indirect_vreg.gather [hbm4b:s4+s2], $0x80, v3, vm0, $0xb8;
	[tilespmem:$0x10100] =	vst v63  }
0x7a: {  	s21 =	simm.s32 $0xF100  }
0x7b: {  	[tilespmem:s21], [sflag:$0x1] =	stream.indirect_vreg.gather [hbm4b:s5+s2], $0x80, v3, vm0, $0xb8;
	[tilespmem:$0x10100] =	vst v63  }
0x7c: {  	s21 =	simm.s32 $0xF900  }
0x7d: {  	[tilespmem:s21], [sflag:$0x1] =	stream.indirect_vreg.gather [hbm4b:s6+s2], $0x80, v3, vm0, $0xb8;
	[tilespmem:$0x10100] =	vst v63  }
0x7e: {  	_ =	swait.ge [sflag:s9], $0x8000  }
0x7f: {  	[sflag:s9] =	ssyncset.done $0x0  }
0x80: {  	s20 =	rddreg [dreg:$0x7];
	[sflag:s9] =	ssyncadd.s32 $0xFFFF8000  }
0x81: {  	[hbm4b:s20+s2] =	stream.linear.scatter [tilespmem:s0], [sflag:$0x2], $0x8000, $0x38;
	[tilespmem:$0x10100] =	vst v63  }
0x82: {  	s21 =	rddreg [dreg:$0x8]  }
0x83: {  	[tilespmem:s22], [sflag:$0x1] =	stream.linear.gather [hbm4b:s21+s2], $0x20, $0x38;
	[tilespmem:$0x10100] =	vst v63  }
0x84: {  	_ =	swait.ge [sflag:s9], $0x20  }
0x85: {  	[sflag:s9] =	ssyncset.done $0x0  }
0x86: {  	[sflag:s9] =	ssyncadd.s32 $0xFFFFFFE0  }
0x87: {  	_ =	swait.ge [sflag:s19], $0x8000  }
0x88: {  	[sflag:s19] =	ssyncset.done $0x0  }
0x89: {  	[sflag:s19] =	ssyncadd.s32 $0xFFFF8000  }
0x8a: {  	v3 =	vld [tilespmem:$0x0];
	_ =	sdelay $0x4  }
0x8b: {  	v60 =	vshll.u32 v3, $0x3  }
0x8c: {  	v3 =	vand.u32 $0x7, v3;
	v4 =	vand.u32 $0xFFFFFFC0, v60  }
0x8d: {  	v3 =	vor.u32 v3, v4  }
0x8e: {  	v4 =	vperm.xlane v3, v0;
	_ =	sdelay $0x1  }
0x8f: {  	v4 =	vadd.s32 v1, v4;
	_ =	sdelay $0x4  }
0x90: {  	[tilespmem:s26], [sflag:$0x1] =	stream.indirect_vreg.gather [hbm4b:s3+s2], $0x80, v4, vm0, $0xb8;
	[tilespmem:$0x10100] =	vst v63  }
0x91: {  	v3 =	vperm.xlane v3, v2  }
0x92: {  	[tilespmem:s23], [sflag:$0x1] =	stream.indirect_vreg.gather [hbm4b:s4+s2], $0x80, v4, vm0, $0xb8;
	[tilespmem:$0x10100] =	vst v63  }
0x93: {  	v3 =	vadd.s32 v1, v3  }
0x94: {  	[tilespmem:s24], [sflag:$0x1] =	stream.indirect_vreg.gather [hbm4b:s5+s2], $0x80, v4, vm0, $0xb8;
	[tilespmem:$0x10100] =	vst v63  }
0x95: {  	_ = 	snop  }
0x96: {  	[tilespmem:s25], [sflag:$0x1] =	stream.indirect_vreg.gather [hbm4b:s6+s2], $0x80, v4, vm0, $0xb8;
	[tilespmem:$0x10100] =	vst v63  }
0x97: {  	_ = 	snop  }
0x98: {  	[tilespmem:s28], [sflag:$0x1] =	stream.indirect_vreg.gather [hbm4b:s3+s2], $0x80, v3, vm0, $0xb8;
	[tilespmem:$0x10100] =	vst v63  }
0x99: {  	_ = 	snop  }
0x9a: {  	[tilespmem:s29], [sflag:$0x1] =	stream.indirect_vreg.gather [hbm4b:s4+s2], $0x80, v3, vm0, $0xb8;
	[tilespmem:$0x10100] =	vst v63  }
0x9b: {  	_ = 	snop  }
0x9c: {  	[tilespmem:s30], [sflag:$0x1] =	stream.indirect_vreg.gather [hbm4b:s5+s2], $0x80, v3, vm0, $0xb8;
	[tilespmem:$0x10100] =	vst v63  }
0x9d: {  	_ = 	snop  }
0x9e: {  	[tilespmem:s31], [sflag:$0x1] =	stream.indirect_vreg.gather [hbm4b:s6+s2], $0x80, v3, vm0, $0xb8;
	[tilespmem:$0x10100] =	vst v63  }
0x9f: {  	v3 =	vld [tilespmem:$0x10];
	_ =	sdelay $0x4  }
0xa0: {  	v61 =	vshll.u32 v3, $0x3  }
0xa1: {  	v3 =	vand.u32 $0x7, v3;
	v4 =	vand.u32 $0xFFFFFFC0, v61  }
0xa2: {  	v3 =	vor.u32 v3, v4  }
0xa3: {  	v4 =	vperm.xlane v3, v0;
	_ =	sdelay $0x1  }
0xa4: {  	v4 =	vadd.s32 v1, v4;
	_ =	sdelay $0x4  }
0xa5: {  	[tilespmem:s10], [sflag:$0x1] =	stream.indirect_vreg.gather [hbm4b:s3+s2], $0x80, v4, vm0, $0xb8;
	[tilespmem:$0x10100] =	vst v63  }
0xa6: {  	v3 =	vperm.xlane v3, v2  }
0xa7: {  	[tilespmem:s1], [sflag:$0x1] =	stream.indirect_vreg.gather [hbm4b:s4+s2], $0x80, v4, vm0, $0xb8;
	[tilespmem:$0x10100] =	vst v63  }
0xa8: {  	v3 =	vadd.s32 v1, v3  }
0xa9: {  	[tilespmem:s8], [sflag:$0x1] =	stream.indirect_vreg.gather [hbm4b:s5+s2], $0x80, v4, vm0, $0xb8;
	[tilespmem:$0x10100] =	vst v63  }
0xaa: {  	_ = 	snop  }
0xab: {  	[tilespmem:s11], [sflag:$0x1] =	stream.indirect_vreg.gather [hbm4b:s6+s2], $0x80, v4, vm0, $0xb8;
	[tilespmem:$0x10100] =	vst v63  }
0xac: {  	_ = 	snop  }
0xad: {  	[tilespmem:s12], [sflag:$0x1] =	stream.indirect_vreg.gather [hbm4b:s3+s2], $0x80, v3, vm0, $0xb8;
	[tilespmem:$0x10100] =	vst v63  }
0xae: {  	_ = 	snop  }
0xaf: {  	[tilespmem:s13], [sflag:$0x1] =	stream.indirect_vreg.gather [hbm4b:s4+s2], $0x80, v3, vm0, $0xb8;
	[tilespmem:$0x10100] =	vst v63  }
0xb0: {  	_ = 	snop  }
0xb1: {  	[tilespmem:s14], [sflag:$0x1] =	stream.indirect_vreg.gather [hbm4b:s5+s2], $0x80, v3, vm0, $0xb8;
	[tilespmem:$0x10100] =	vst v63  }
0xb2: {  	_ = 	snop  }
0xb3: {  	[tilespmem:s15], [sflag:$0x1] =	stream.indirect_vreg.gather [hbm4b:s6+s2], $0x80, v3, vm0, $0xb8;
	[tilespmem:$0x10100] =	vst v63  }
0xb4: {  	_ =	swait.ge [sflag:s9], $0x8000  }
0xb5: {  	[sflag:s9] =	ssyncset.done $0x0  }
0xb6: {  	s1 =	rddreg [dreg:$0x9];
	[sflag:s9] =	ssyncadd.s32 $0xFFFF8000  }
0xb7: {  	[hbm4b:s1+s2] =	stream.linear.scatter [tilespmem:s26], [sflag:$0x2], $0x8000, $0x38;
	[tilespmem:$0x10100] =	vst v63  }
0xb8: {  	_ =	swait.ge [sflag:s9], $0x20  }
0xb9: {  	[sflag:s9] =	ssyncset.done $0x0  }
0xba: {  	[sflag:s9] =	ssyncadd.s32 $0xFFFFFFE0  }
0xbb: {  	_ =	swait.ge [sflag:s19], $0x8000  }
0xbc: {  	[sflag:s19] =	ssyncset.done $0x0  }
0xbd: {  	[sflag:s19] =	ssyncadd.s32 $0xFFFF8000  }
0xbe: {  	v3 =	vld [tilespmem:$0x80];
	_ =	sdelay $0x4  }
0xbf: {  	v62 =	vshll.u32 v3, $0x3  }
0xc0: {  	v3 =	vand.u32 $0x7, v3;
	v4 =	vand.u32 $0xFFFFFFC0, v62  }
0xc1: {  	v3 =	vor.u32 v3, v4  }
0xc2: {  	v4 =	vperm.xlane v3, v0;
	_ =	sdelay $0x1  }
0xc3: {  	v4 =	vadd.s32 v1, v4;
	_ =	sdelay $0x4  }
0xc4: {  	[tilespmem:s0], [sflag:$0x1] =	stream.indirect_vreg.gather [hbm4b:s3+s2], $0x80, v4, vm0, $0xb8;
	[tilespmem:$0x10100] =	vst v63  }
0xc5: {  	v3 =	vperm.xlane v3, v2  }
0xc6: {  	[tilespmem:s16], [sflag:$0x1] =	stream.indirect_vreg.gather [hbm4b:s4+s2], $0x80, v4, vm0, $0xb8;
	[tilespmem:$0x10100] =	vst v63  }
0xc7: {  	v3 =	vadd.s32 v1, v3  }
0xc8: {  	[tilespmem:s17], [sflag:$0x1] =	stream.indirect_vreg.gather [hbm4b:s5+s2], $0x80, v4, vm0, $0xb8;
	[tilespmem:$0x10100] =	vst v63  }
0xc9: {  	_ = 	snop  }
0xca: {  	[tilespmem:s18], [sflag:$0x1] =	stream.indirect_vreg.gather [hbm4b:s6+s2], $0x80, v4, vm0, $0xb8;
	[tilespmem:$0x10100] =	vst v63  }
0xcb: {  	s21 =	simm.s32 $0xA100  }
0xcc: {  	[tilespmem:s21], [sflag:$0x1] =	stream.indirect_vreg.gather [hbm4b:s3+s2], $0x80, v3, vm0, $0xb8;
	[tilespmem:$0x10100] =	vst v63  }
0xcd: {  	s20 =	simm.s32 $0xA900  }
0xce: {  	[tilespmem:s20], [sflag:$0x1] =	stream.indirect_vreg.gather [hbm4b:s4+s2], $0x80, v3, vm0, $0xb8;
	[tilespmem:$0x10100] =	vst v63  }
0xcf: {  	s21 =	simm.s32 $0xB100  }
0xd0: {  	[tilespmem:s21], [sflag:$0x1] =	stream.indirect_vreg.gather [hbm4b:s5+s2], $0x80, v3, vm0, $0xb8;
	[tilespmem:$0x10100] =	vst v63  }
0xd1: {  	s20 =	simm.s32 $0xB900  }
0xd2: {  	[tilespmem:s20], [sflag:$0x1] =	stream.indirect_vreg.gather [hbm4b:s6+s2], $0x80, v3, vm0, $0xb8;
	[tilespmem:$0x10100] =	vst v63  }
0xd3: {  	v3 =	vld [tilespmem:$0x90];
	_ =	sdelay $0x4  }
0xd4: {  	v63 =	vshll.u32 v3, $0x3  }
0xd5: {  	v3 =	vand.u32 $0x7, v3;
	v4 =	vand.u32 $0xFFFFFFC0, v63  }
0xd6: {  	v3 =	vor.u32 v3, v4  }
0xd7: {  	v4 =	vperm.xlane v3, v0;
	_ =	sdelay $0x1  }
0xd8: {  	v4 =	vadd.s32 v1, v4;
	_ =	sdelay $0x3  }
0xd9: {  	s21 =	simm.s32 $0xC100  }
0xda: {  	[tilespmem:s21], [sflag:$0x1] =	stream.indirect_vreg.gather [hbm4b:s3+s2], $0x80, v4, vm0, $0xb8;
	[tilespmem:$0x10100] =	vst v63  }
0xdb: {  	s20 =	simm.s32 $0xC900;
	v3 =	vperm.xlane v3, v2  }
0xdc: {  	[tilespmem:s20], [sflag:$0x1] =	stream.indirect_vreg.gather [hbm4b:s4+s2], $0x80, v4, vm0, $0xb8;
	[tilespmem:$0x10100] =	vst v63  }
0xdd: {  	v3 =	vadd.s32 v1, v3;
	s21 =	simm.s32 $0xD100  }
0xde: {  	[tilespmem:s21], [sflag:$0x1] =	stream.indirect_vreg.gather [hbm4b:s5+s2], $0x80, v4, vm0, $0xb8;
	[tilespmem:$0x10100] =	vst v63  }
0xdf: {  	s20 =	simm.s32 $0xD900  }
0xe0: {  	[tilespmem:s20], [sflag:$0x1] =	stream.indirect_vreg.gather [hbm4b:s6+s2], $0x80, v4, vm0, $0xb8;
	[tilespmem:$0x10100] =	vst v63  }
0xe1: {  	s21 =	simm.s32 $0xE100  }
0xe2: {  	[tilespmem:s21], [sflag:$0x1] =	stream.indirect_vreg.gather [hbm4b:s3+s2], $0x80, v3, vm0, $0xb8;
	[tilespmem:$0x10100] =	vst v63  }
0xe3: {  	s20 =	simm.s32 $0xE900  }
0xe4: {  	[tilespmem:s20], [sflag:$0x1] =	stream.indirect_vreg.gather [hbm4b:s4+s2], $0x80, v3, vm0, $0xb8;
	[tilespmem:$0x10100] =	vst v63  }
0xe5: {  	s21 =	simm.s32 $0xF100  }
0xe6: {  	[tilespmem:s21], [sflag:$0x1] =	stream.indirect_vreg.gather [hbm4b:s5+s2], $0x80, v3, vm0, $0xb8;
	[tilespmem:$0x10100] =	vst v63  }
0xe7: {  	s20 =	simm.s32 $0xF900  }
0xe8: {  	[tilespmem:s20], [sflag:$0x1] =	stream.indirect_vreg.gather [hbm4b:s6+s2], $0x80, v3, vm0, $0xb8;
	[tilespmem:$0x10100] =	vst v63  }
0xe9: {  	_ =	swait.ge [sflag:s9], $0x8000  }
0xea: {  	[sflag:s9] =	ssyncset.done $0x0  }
0xeb: {  	s21 =	rddreg [dreg:$0xa];
	[sflag:s9] =	ssyncadd.s32 $0xFFFF8000  }
0xec: {  	[hbm4b:s21+s2] =	stream.linear.scatter [tilespmem:s0], [sflag:$0x2], $0x8000, $0x38;
	[tilespmem:$0x10100] =	vst v63  }
0xed: {  	p0 =	sne.s32 s7, $0x1;
	_ =	swait.ge [sflag:s19], $0x8000  }
.Ltmp0:
0xee: {  	[sflag:s19] =	ssyncset.done $0x0;
	(pc) =	sbr.rel @p0 .LBB2_1-.Ltmp0, $4  }
0xef: {  	[sflag:s19] =	ssyncadd.s32 $0xFFFF8000  }
0xf0: {  	_ =	swait.ge [sflag:s19], $0x8000  }
0xf1: {  	[sflag:s19] =	ssyncset.done $0x0  }
0xf2: {  	s7 =	sadd.s32 $0xFFFFFFFF, s7;
	[sflag:s19] =	ssyncadd.s32 $0xFFFF8000  }
0xf3: {  	_ =	sfence.sel $0x180000  }
0xf4: {  	[bflag:$0x0] =	sbarrier.arrive $0xFFFF  }
0xf5: {  	_ =	strace $0x9000004A  }
0xf6: {  	s0 =	stileid.u32;
	[bflag:$0x2] =	sbarrier.arrive $0xFFFF  }
0xf7: {  	p0 =	sne.s32 s0, $0x0;
	s0 =	rddreg [dreg:$0x2]  }
0xf8: {  	s0 =	sadd.s32 @!p0 $0x100000, s0  }
0xf9: {  	[sflag:s0] =	ssyncadd.tile.s32 @!p0 $0x1;
	_ =	shalt  }
.Lfunc_end2:
_tile_overlayer_lowered:
.L_overlay_start_2:
0xfa: {  	(tag) =	ssettag $0x2  }
0xfb: {  	s0 =	rddreg [dreg:$0x0];
	s2 =	stileid.u32  }
0xfc: {  	s1 =	rddreg [dreg:$0x1];
	p0 =	sne.s32 s2, $0x0  }
0xfd: {  	s3 =	rddreg [dreg:$0x2];
	[bflag:$0x3] =	sbarrier.arrive $0xFFFF;
	s2 =	simm.s32 @!p0 $0x1C03  }
0xfe: {  	[timem:s3], [sflag:s2] =	dma.local @!p0 [hbm:s0], s1  }
0xff: {  	s0 =	simm.s32 @!p0 $0x3  }
0x100: {  	_ =	swait.ge @!p0 [sflag:s0], s1  }
0x101: {  	s1 =	ssub.s32 @!p0 $0x0, s1;
	[sflag:s0] =	ssyncset.done @!p0 $0x0  }
0x102: {  	[sflag:s0] =	ssyncadd.s32 @!p0 s1  }
0x103: {  	[bflag:$0x3] =	sbarrier.arrive $0xFFFF  }
0x104: {  	_ =	shalt  }

</sc_bundles>
